<compile_context>
chip_gen: v7x
topology: tpu7x:2x2x1
jax: 0.10.2.dev20260603
libtpu: 0.0.44.dev20260713+nightly
codegen_flags: <defaults>
</compile_context>

<pallas_src>
import functools

import jax
import jax.numpy as jnp
from jax import lax
from jax.experimental import pallas as pl
from jax.experimental.pallas import tpu as pltpu
from jax.experimental.pallas import tpu_sc as plsc

NC, NS, L = 2, 16, 16
NW = NC * NS
CHUNK = 128
CPW = 80
EPW = CPW * CHUNK
E_PAD = NW * EPW
N_PAD = 10240
RPS = N_PAD // NS

_MESH = plsc.VectorSubcoreMesh(
    core_axis_name="c", subcore_axis_name="s", num_cores=NC, num_subcores=NS)


def _wid(c, s):
    return c * NS + s


_HR = N_PAD // 128


def _deg_body(dst2d, zeros_hbm, id_hbm, out_hbm, idx_v, id_v, hist_v, acc_sh,
              sem):
    del sem
    c = lax.axis_index("c")
    s = lax.axis_index("s")
    w = _wid(c, s)
    pltpu.sync_copy(dst2d.at[pl.ds(pl.multiple_of(w * CPW, CPW), CPW)], idx_v)
    pltpu.sync_copy(id_hbm, id_v)

    @pl.when(s < _HR // 8)
    def _():
        pltpu.sync_copy(zeros_hbm, acc_sh.at[pl.ds(pl.multiple_of(s * 8, 8), 8)])
    zeros = jnp.zeros((L,), jnp.float32)
    ones = jnp.ones((L,), jnp.float32)

    def zb(f, _):
        hist_v[f // 8, pl.ds(pl.multiple_of((f % 8) * L, L), L)] = zeros
        return 0

    lax.fori_loop(0, _HR * 8, zb, 0)

    def body(f, _):
        iv = idx_v[f // 8, pl.ds(pl.multiple_of((f % 8) * L, L), L)]
        rows = lax.shift_right_logical(iv, 7)
        cols = jnp.bitwise_and(iv, 127)
        plsc.addupdate_scatter(hist_v, [rows, cols], ones)
        return 0

    lax.fori_loop(0, CPW * 8, body, 0)
    plsc.subcore_barrier()
    pltpu.sync_copy(hist_v, acc_sh.at[id_v], add=True)
    plsc.subcore_barrier()

    @pl.when(s < _HR // 8)
    def _():
        pltpu.sync_copy(acc_sh.at[pl.ds(pl.multiple_of(s * 8, 8), 8)],
                        out_hbm.at[c, pl.ds(pl.multiple_of(s * 8, 8), 8)])


_deg_call = pl.kernel(
    _deg_body,
    out_type=jax.ShapeDtypeStruct((NC, _HR, 128), jnp.float32),
    mesh=_MESH,
    compiler_params=pltpu.CompilerParams(needs_layout_passes=False),
    scratch_types=[
        pltpu.VMEM((CPW, CHUNK), jnp.int32),
        pltpu.VMEM((_HR,), jnp.int32),
        pltpu.VMEM((_HR, 128), jnp.float32),
        pltpu.VMEM_SHARED((_HR, 128), jnp.float32),
        pltpu.SemaphoreType.DMA,
    ],
)


PH = 5
CPP = CPW // PH


def _segsum_body(table, src2d, dst2d, zeros_hbm, out_hbm,
                 sidx_v, didx_v, rows0_v, rows1_v, acc_sh,
                 sg0, sg1, ss0, ss1):
    del ss0, ss1
    c = lax.axis_index("c")
    s = lax.axis_index("s")
    w = _wid(c, s)
    pltpu.sync_copy(zeros_hbm, acc_sh.at[pl.ds(s * RPS, RPS)])
    plsc.subcore_barrier()

    rows = (rows0_v, rows1_v)
    sems = (sg0, sg1)

    def start(j, b):
        pltpu.async_copy(table.at[sidx_v.at[j]], rows[b], sems[b])

    def finish(j, b):
        pltpu.make_async_copy(table.at[sidx_v.at[j]], rows[b], sems[b]).wait()
        pltpu.sync_copy(rows[b], acc_sh.at[didx_v.at[j]], add=True)

    def phase(p, _):
        off = pl.multiple_of(w * CPW + p * CPP, CPP)
        pltpu.sync_copy(src2d.at[pl.ds(off, CPP)], sidx_v)
        pltpu.sync_copy(dst2d.at[pl.ds(off, CPP)], didx_v)
        start(0, 0)

        def body(jj, _):
            j0 = jj * 2
            start(j0 + 1, 1)
            finish(j0, 0)

            @pl.when(jj < CPP // 2 - 1)
            def _():
                start(j0 + 2, 0)

            finish(j0 + 1, 1)
            return 0

        lax.fori_loop(0, CPP // 2, body, 0)
        return 0

    lax.fori_loop(0, PH, phase, 0)
    plsc.subcore_barrier()
    pltpu.sync_copy(acc_sh.at[pl.ds(s * RPS, RPS)],
                    out_hbm.at[c, pl.ds(s * RPS, RPS)])


_segsum_call = pl.kernel(
    _segsum_body,
    out_type=jax.ShapeDtypeStruct((NC, N_PAD, 128), jnp.float32),
    mesh=_MESH,
    compiler_params=pltpu.CompilerParams(needs_layout_passes=False),
    scratch_types=[
        pltpu.VMEM((CPP, CHUNK), jnp.int32),
        pltpu.VMEM((CPP, CHUNK), jnp.int32),
        pltpu.VMEM((CHUNK, 128), jnp.float32),
        pltpu.VMEM((CHUNK, 128), jnp.float32),
        pltpu.VMEM_SHARED((N_PAD, 128), jnp.float32),
        pltpu.SemaphoreType.DMA,
        pltpu.SemaphoreType.DMA,
        pltpu.SemaphoreType.DMA,
        pltpu.SemaphoreType.DMA,
    ],
)


EC = 32
ECPW = EPW // EC
PH_E = 20
CPP_E = ECPW // PH_E
EPP = CPP_E * EC


def _edge_body(ab32, src2d, dst2d, ef0_hbm, ef1_hbm, cp_hbm, mbt_hbm,
               out_hbm, sidx_v, didx_v, ef0_v, ef1_v, cp_v, mbt_v,
               ar0_v, ar1_v, br0_v, br1_v, out_v, ab_sh,
               sa0, sa1, sb0, sb1):
    c = lax.axis_index("c")
    s = lax.axis_index("s")
    w = _wid(c, s)
    soff = pl.multiple_of(s * RPS, 8)
    pltpu.sync_copy(ab32.at[pl.ds(soff, RPS)], ab_sh.at[pl.ds(soff, RPS)])
    pltpu.sync_copy(cp_hbm, cp_v)
    pltpu.sync_copy(mbt_hbm, mbt_v)
    plsc.subcore_barrier()
    iota = lax.iota(jnp.int32, L)
    mb2v = mbt_v[0, pl.ds(0, L)]
    zero_f = jnp.zeros((L,), jnp.float32)
    bzero = jnp.zeros((2 * L,), jnp.bfloat16)
    ar = (ar0_v, ar1_v)
    br = (br0_v, br1_v)
    sas = (sa0, sa1)
    sbs = (sb0, sb1)

    def start(jl, b):
        pltpu.async_copy(ab_sh.at[sidx_v.at[jl]], ar[b], sas[b])
        pltpu.async_copy(ab_sh.at[didx_v.at[jl]], br[b], sbs[b])

    def wait(jl, b):
        pltpu.make_async_copy(ab_sh.at[sidx_v.at[jl]], ar[b], sas[b]).wait()
        pltpu.make_async_copy(ab_sh.at[didx_v.at[jl]], br[b], sbs[b]).wait()

    def compute(jl, b):
        arows_v, brows_v = ar[b], br[b]
        base0 = jl * EC
        efp = []
        for g in range(EC // L):
            e0 = ef0_v[pl.ds(base0 + g * L, L)]
            e1 = ef1_v[pl.ds(base0 + g * L, L)]
            efp.append(
                (plsc.pack(e0, e0, format=plsc.PackFormat.INTERLEAVED),
                 plsc.pack(e1, e1, format=plsc.PackFormat.INTERLEAVED)))

        def cbody(c2, accs):
            r0p = plsc.bitcast(cp_v[0, c2], jnp.bfloat16)
            r1p = plsc.bitcast(cp_v[1, c2], jnp.bfloat16)
            wp = plsc.bitcast(cp_v[2, c2], jnp.bfloat16)
            cola = jnp.full((L,), c2, jnp.int32)
            colb = cola + 64
            nxt = []
            for g in range(EC // L):
                rows = iota + g * L
                va = plsc.bitcast(
                    plsc.load_gather(arows_v, [rows, cola]), jnp.bfloat16)
                vb = plsc.bitcast(
                    plsc.load_gather(brows_v, [rows, colb]), jnp.bfloat16)
                t = va + vb + efp[g][0] * r0p + efp[g][1] * r1p
                t = jnp.maximum(t, bzero)
                t0, t1 = plsc.unpack(t * wp,
                                     format=plsc.PackFormat.INTERLEAVED)
                nxt.append((accs[g][0] + t0, accs[g][1] + t1))
            return tuple(nxt)

        init = tuple((zero_f, zero_f) for _ in range(EC // L))
        accs = lax.fori_loop(0, 64, cbody, init)
        for g in range(EC // L):
            out_v[pl.ds(base0 + g * L, L)] = accs[g][0] + accs[g][1] + mb2v

    def phase(p, _):
        off = pl.multiple_of(w * ECPW + p * CPP_E, 8)
        pltpu.sync_copy(src2d.at[pl.ds(off, CPP_E)], sidx_v)
        pltpu.sync_copy(dst2d.at[pl.ds(off, CPP_E)], didx_v)
        eoff = pl.multiple_of(w * EPW + p * EPP, 8)
        pltpu.sync_copy(ef0_hbm.at[pl.ds(eoff, EPP)], ef0_v)
        pltpu.sync_copy(ef1_hbm.at[pl.ds(eoff, EPP)], ef1_v)
        start(0, 0)

        def body(jj, _):
            j0 = jj * 2
            start(j0 + 1, 1)
            wait(j0, 0)
            compute(j0, 0)

            @pl.when(jj < CPP_E // 2 - 1)
            def _():
                start(j0 + 2, 0)

            wait(j0 + 1, 1)
            compute(j0 + 1, 1)
            return 0

        lax.fori_loop(0, CPP_E // 2, body, 0)
        pltpu.sync_copy(out_v, out_hbm.at[pl.ds(eoff, EPP)])
        return 0

    lax.fori_loop(0, PH_E, phase, 0)


_edge_call = pl.kernel(
    _edge_body,
    out_type=jax.ShapeDtypeStruct((E_PAD,), jnp.float32),
    mesh=_MESH,
    compiler_params=pltpu.CompilerParams(needs_layout_passes=False),
    scratch_types=[
        pltpu.VMEM((CPP_E, EC), jnp.int32),
        pltpu.VMEM((CPP_E, EC), jnp.int32),
        pltpu.VMEM((EPP,), jnp.float32),
        pltpu.VMEM((EPP,), jnp.float32),
        pltpu.VMEM((3, 64, L), jnp.int32),
        pltpu.VMEM((8, L), jnp.float32),
        pltpu.VMEM((EC, 128), jnp.int32),
        pltpu.VMEM((EC, 128), jnp.int32),
        pltpu.VMEM((EC, 128), jnp.int32),
        pltpu.VMEM((EC, 128), jnp.int32),
        pltpu.VMEM((EPP,), jnp.float32),
        pltpu.VMEM_SHARED((N_PAD, 128), jnp.int32),
        pltpu.SemaphoreType.DMA,
        pltpu.SemaphoreType.DMA,
        pltpu.SemaphoreType.DMA,
        pltpu.SemaphoreType.DMA,
    ],
)


def _tc_a_body(degp_ref, x_ref, dinv_ref, xd_ref):
    deg = degp_ref[0, :] + degp_ref[1, :] + 1.0
    dinv = lax.rsqrt(deg)[:, None]
    dinv_ref[...] = dinv
    xd_ref[...] = x_ref[...] * dinv


def _tc_b_body(aggp_ref, x_ref, dinv_ref, w1_ref, b1_ref, w2_ref,
               h2_ref, td_ref):
    dinv = dinv_ref[...]
    u1 = dinv * (aggp_ref[0] + aggp_ref[1]) + (dinv * dinv) * x_ref[...]
    g1 = jnp.maximum(
        jnp.dot(u1, w1_ref[...], preferred_element_type=jnp.float32)
        + b1_ref[...], 0.0)
    h2 = jnp.dot(g1, w2_ref[...], preferred_element_type=jnp.float32)
    h2_ref[...] = h2
    td_ref[...] = h2 * dinv


def _tc_c_body(aggp_ref, h2_ref, dinv_ref, b2_ref, mw_ref, bias_ref,
               a_ref, b_ref):
    dinv = dinv_ref[...]
    g2 = (dinv * (aggp_ref[0] + aggp_ref[1])
          + (dinv * dinv) * h2_ref[...] + b2_ref[...])
    ab = jnp.dot(g2, mw_ref[...], preferred_element_type=jnp.float32) \
        + bias_ref[...]
    a_ref[...] = ab[:, :128].astype(jnp.bfloat16)
    b_ref[...] = ab[:, 128:].astype(jnp.bfloat16)


_TCR = 2048


def _tc_a(degp, x_p):
    return pl.pallas_call(
        _tc_a_body,
        out_shape=(jax.ShapeDtypeStruct((N_PAD, 1), jnp.float32),
                   jax.ShapeDtypeStruct((N_PAD, 128), jnp.float32)),
    )(degp, x_p)


def _tc_b(aggp, x_p, dinv, w1, b1, w2):
    nb = N_PAD // _TCR
    return pl.pallas_call(
        _tc_b_body,
        grid=(nb,),
        in_specs=[
            pl.BlockSpec((NC, _TCR, 128), lambda i: (0, i, 0)),
            pl.BlockSpec((_TCR, 128), lambda i: (i, 0)),
            pl.BlockSpec((_TCR, 1), lambda i: (i, 0)),
            pl.BlockSpec((128, 256), lambda i: (0, 0)),
            pl.BlockSpec((1, 256), lambda i: (0, 0)),
            pl.BlockSpec((256, 128), lambda i: (0, 0)),
        ],
        out_specs=(pl.BlockSpec((_TCR, 128), lambda i: (i, 0)),
                   pl.BlockSpec((_TCR, 128), lambda i: (i, 0))),
        out_shape=(jax.ShapeDtypeStruct((N_PAD, 128), jnp.float32),
                   jax.ShapeDtypeStruct((N_PAD, 128), jnp.float32)),
    )(aggp, x_p, dinv, w1, b1, w2)


def _tc_c(aggp, h2, dinv, b2, mw, bias):
    nb = N_PAD // _TCR
    return pl.pallas_call(
        _tc_c_body,
        grid=(nb,),
        in_specs=[
            pl.BlockSpec((NC, _TCR, 128), lambda i: (0, i, 0)),
            pl.BlockSpec((_TCR, 128), lambda i: (i, 0)),
            pl.BlockSpec((_TCR, 1), lambda i: (i, 0)),
            pl.BlockSpec((1, 128), lambda i: (0, 0)),
            pl.BlockSpec((128, 256), lambda i: (0, 0)),
            pl.BlockSpec((1, 256), lambda i: (0, 0)),
        ],
        out_specs=(pl.BlockSpec((_TCR, 128), lambda i: (i, 0)),
                   pl.BlockSpec((_TCR, 128), lambda i: (i, 0))),
        out_shape=(jax.ShapeDtypeStruct((N_PAD, 128), jnp.bfloat16),
                   jax.ShapeDtypeStruct((N_PAD, 128), jnp.bfloat16)),
    )(aggp, h2, dinv, b2, mw, bias)


def kernel(x, edge_index, edge_features, W1, b1, W2, b2, mW1, mb1, mW2, mb2):
    N, E = x.shape[0], edge_index.shape[1]
    x_p = jnp.pad(x, ((0, N_PAD - N), (0, 0)))
    src_p = jnp.pad(edge_index[0], (0, E_PAD - E))
    dst_p = jnp.pad(edge_index[1], (0, E_PAD - E), constant_values=N)
    src2d = src_p.reshape(E_PAD // CHUNK, CHUNK)
    dst2d = dst_p.reshape(E_PAD // CHUNK, CHUNK)
    ef0 = jnp.pad(edge_features[:, 0], (0, E_PAD - E))
    ef1 = jnp.pad(edge_features[:, 1], (0, E_PAD - E))

    zeros8 = jnp.zeros((8, 128), jnp.float32)
    id80 = jnp.arange(_HR, dtype=jnp.int32)
    zeros128 = jnp.zeros((RPS, 128), jnp.float32)

    def packpairs(v):
        vb = v.astype(jnp.bfloat16).reshape(64, 2)
        return lax.bitcast_convert_type(vb, jnp.int32)

    cp = jnp.stack([jnp.tile(packpairs(mW1[256])[:, None], (1, L)),
                    jnp.tile(packpairs(mW1[257])[:, None], (1, L)),
                    jnp.tile(packpairs(mW2[:, 0])[:, None], (1, L))])
    mbt = jnp.full((8, L), mb2[0], jnp.float32)

    degout = _deg_call(dst2d, zeros8, id80)
    degp = degout.reshape(NC, N_PAD)
    dinv, xd = _tc_a(degp, x_p)

    agg1p = _segsum_call(xd, src2d, dst2d, zeros128)
    h2, td = _tc_b(agg1p, x_p, dinv, W1, b1.reshape(1, -1), W2)

    agg2p = _segsum_call(td, src2d, dst2d, zeros128)
    biasab = jnp.concatenate([mb1, jnp.zeros((128,), jnp.float32)])
    mwcat = jnp.concatenate([mW1[:128], mW1[128:256]], axis=1)
    A, B = _tc_c(agg2p, h2, dinv, b2.reshape(1, -1), mwcat,
                 biasab.reshape(1, -1))

    a32 = lax.bitcast_convert_type(A.reshape(N_PAD, 64, 2), jnp.int32)
    b32 = lax.bitcast_convert_type(B.reshape(N_PAD, 64, 2), jnp.int32)
    ab32 = jnp.concatenate([a32, b32], axis=1)
    src2de = src_p.reshape(E_PAD // EC, EC)
    dst2de = dst_p.reshape(E_PAD // EC, EC)
    out = _edge_call(ab32, src2de, dst2de, ef0, ef1, cp, mbt)
    return out[:E]

# --- scband reference (transcript-rebuilt; emitter-appended) ---
"""Pipeline reference for scband-gnn-69767448756259 (READ-ONLY COPY).

The authoritative reference and input builder live on the scoring server;
editing this copy changes nothing except your own understanding.
"""

import jax, jax.numpy as jnp
import numpy as np

N = 10000
E = 320000
D_IN = 128
D_H = 256
D_OUT = 128


def setup_inputs(seed: int = 0) -> dict:
    key = jax.random.key(seed)
    ks = jax.random.split(key, 12)
    x = jax.random.normal(ks[0], (N, D_IN), dtype=jnp.float32)
    edge_index = jax.random.randint(ks[1], (2, E), 0, N).astype(jnp.int32)
    edge_features = jax.random.normal(ks[2], (E, 2), dtype=jnp.float32)
    # GCNConv layer 1: input_channels -> hidden_channels
    W1 = jax.random.normal(ks[3], (D_IN, D_H), dtype=jnp.float32) * (1.0 / np.sqrt(D_IN))
    b1 = jnp.zeros((D_H,), dtype=jnp.float32)
    # GCNConv layer 2: hidden_channels -> out_channels
    W2 = jax.random.normal(ks[4], (D_H, D_OUT), dtype=jnp.float32) * (1.0 / np.sqrt(D_H))
    b2 = jnp.zeros((D_OUT,), dtype=jnp.float32)
    # MLPRegressor: lin1 (2*out_channels + 2 -> out_channels), lin2 (out_channels -> 1)
    mW1 = jax.random.normal(ks[5], (2 * D_OUT + 2, D_OUT), dtype=jnp.float32) * (1.0 / np.sqrt(2 * D_OUT + 2))
    mb1 = jnp.zeros((D_OUT,), dtype=jnp.float32)
    mW2 = jax.random.normal(ks[6], (D_OUT, 1), dtype=jnp.float32) * (1.0 / np.sqrt(D_OUT))
    mb2 = jnp.zeros((1,), dtype=jnp.float32)
    return {"x": x, "edge_index": edge_index, "edge_features": edge_features,
            "W1": W1, "b1": b1, "W2": W2, "b2": b2,
            "mW1": mW1, "mb1": mb1, "mW2": mW2, "mb2": mb2}


def gcn_conv(x, edge_index, W, b):
    # GCNConv with self loops and symmetric normalization: D^-1/2 (A+I) D^-1/2 (x W) + b
    Nn = x.shape[0]
    loops = jnp.arange(Nn, dtype=edge_index.dtype)
    src = jnp.concatenate([edge_index[0], loops])
    dst = jnp.concatenate([edge_index[1], loops])
    deg = jax.ops.segment_sum(jnp.ones(src.shape[0], dtype=x.dtype), dst, num_segments=Nn)
    dinv = jnp.where(deg > 0, jax.lax.rsqrt(jnp.maximum(deg, 1e-12)), 0.0)
    norm = dinv[src] * dinv[dst]
    h = x @ W
    msg = h[src] * norm[:, None]
    out = jax.ops.segment_sum(msg, dst, num_segments=Nn)
    return out + b


def reference(x, edge_index, edge_features, W1, b1, W2, b2, mW1, mb1, mW2, mb2):
    g = jax.nn.relu(gcn_conv(x, edge_index, W1, b1))
    g = gcn_conv(g, edge_index, W2, b2)
    origin = edge_index[0]
    destination = edge_index[1]
    z = jnp.concatenate([g[origin], g[destination], edge_features], axis=1)
    z = jax.nn.relu(z @ mW1 + mb1)
    z = z @ mW2 + mb2
    return z.reshape(-1)

if __name__ == "__main__":
    import jax
    _d = setup_inputs()
    print(jax.jit(kernel)(*tuple(_d.values())))

</pallas_src>

<mosaic_0001>
#map = affine_map<(d0, d1) -> (0, 0)>
#map1 = affine_map<(d0, d1) -> (0, 0, 0)>
module attributes {stable_mosaic.version = 14 : i64} {
  func.func @_segsum_body(%arg0: i32, %arg1: i32, %arg2: memref<10240x128xf32, #tpu.memory_space<hbm>>, %arg3: memref<2560x128xi32, #tpu.memory_space<hbm>>, %arg4: memref<2560x128xi32, #tpu.memory_space<hbm>>, %arg5: memref<640x128xf32, #tpu.memory_space<hbm>>, %arg6: memref<2x10240x128xf32, #tpu.memory_space<hbm>>, %arg7: memref<16x128xi32, #tpu.memory_space<vmem>>, %arg8: memref<16x128xi32, #tpu.memory_space<vmem>>, %arg9: memref<128x128xf32, #tpu.memory_space<vmem>>, %arg10: memref<128x128xf32, #tpu.memory_space<vmem>>, %arg11: memref<10240x128xf32, #tpu.memory_space<vmem_shared>>, %arg12: memref<!tpu.dma_semaphore, #tpu.memory_space<semaphore_mem>>, %arg13: memref<!tpu.dma_semaphore, #tpu.memory_space<semaphore_mem>>, %arg14: memref<!tpu.dma_semaphore, #tpu.memory_space<semaphore_mem>>, %arg15: memref<!tpu.dma_semaphore, #tpu.memory_space<semaphore_mem>>) attributes {dimension_semantics = [#tpu.dimension_semantics<core_parallel>, #tpu.dimension_semantics<subcore_parallel>], iteration_bounds = array<i64: 2, 16>, scalar_prefetch = 0 : i64, scratch_operands = 9 : i64, tpu.core_type = #tpu.core_type<sc_vector_subcore>, window_params = [{transform_indices = #map}, {transform_indices = #map}, {transform_indices = #map}, {transform_indices = #map}, {transform_indices = #map1}]} {
    %mul3A = arith.constant 16 : i32
    %mul3A_0 = arith.muli %arg0, %mul3A : i32
    %add3A = arith.addi %mul3A_0, %arg1 : i32
    %mul3A_1 = arith.constant 640 : i32
    %mul3A_2 = arith.muli %arg1, %mul3A_1 : i32
    "tpu.region"() ({
      %run_scoped3A = tpu.sem_alloc : memref<!tpu.dma_semaphore, #tpu.memory_space<semaphore_mem>>
      %dma_start3A = arith.constant 0 : i32
      %dma_start3A_14 = tpu.memref_slice %arg11[%mul3A_2, %dma_start3A] : memref<10240x128xf32, #tpu.memory_space<vmem_shared>> -> memref<640x128xf32, #tpu.memory_space<vmem_shared>>
      tpu.enqueue_dma source(%arg5 : memref<640x128xf32, #tpu.memory_space<hbm>>) target(%dma_start3A_14 : memref<640x128xf32, #tpu.memory_space<vmem_shared>>) target_semaphore(%run_scoped3A : memref<!tpu.dma_semaphore, #tpu.memory_space<semaphore_mem>>)
      %dma_wait3A = arith.constant 0 : i32
      %dma_wait3A_15 = tpu.memref_slice %arg11[%mul3A_2, %dma_wait3A] : memref<10240x128xf32, #tpu.memory_space<vmem_shared>> -> memref<640x128xf32, #tpu.memory_space<vmem_shared>>
      tpu.wait_dma2 semaphore(%run_scoped3A : memref<!tpu.dma_semaphore, #tpu.memory_space<semaphore_mem>>) src(%arg5 : memref<640x128xf32, #tpu.memory_space<hbm>>) dst(%dma_wait3A_15 : memref<640x128xf32, #tpu.memory_space<vmem_shared>>)
      tpu.yield
    }) : () -> ()
    %barrier3A = arith.constant 0 : index
    tpu.barrier barrier_id(%barrier3A)
    %scan3A = arith.constant 0 : i32
    %scan3A_3 = arith.constant 0 : i32
    %scan3A_4 = arith.constant 5 : i32
    %scan3A_5 = arith.addi %scan3A_3, %scan3A_4 : i32
    %scan3A_6 = arith.constant 1 : i32
    %scan3A_7 = scf.for %scan3A_14 = %scan3A_3 to %scan3A_5 step %scan3A_6 iter_args(%scan3A_15 = %scan3A) -> (i32)  : i32 {
      %mul3A_16 = arith.constant 80 : i32
      %mul3A_17 = arith.muli %add3A, %mul3A_16 : i32
      %mul3A_18 = arith.constant 16 : i32
      %mul3A_19 = arith.muli %scan3A_14, %mul3A_18 : i32
      %add3A_20 = arith.addi %mul3A_17, %mul3A_19 : i32
      %multiple_of3A = tpu.assume_multiple %add3A_20, 16 : i32
      "tpu.region"() ({
        %run_scoped3A = tpu.sem_alloc : memref<!tpu.dma_semaphore, #tpu.memory_space<semaphore_mem>>
        %dma_start3A_35 = arith.constant 0 : i32
        %dma_start3A_36 = tpu.memref_slice %arg3[%multiple_of3A, %dma_start3A_35] : memref<2560x128xi32, #tpu.memory_space<hbm>> -> memref<16x128xi32, #tpu.memory_space<hbm>>
        %dma_start3A_37 = arith.constant 0 : i32
        %dma_start3A_38 = tpu.memref_slice %arg3[%multiple_of3A, %dma_start3A_37] : memref<2560x128xi32, #tpu.memory_space<hbm>> -> memref<16x128xi32, #tpu.memory_space<hbm>>
        tpu.enqueue_dma source(%dma_start3A_38 : memref<16x128xi32, #tpu.memory_space<hbm>>) target(%arg7 : memref<16x128xi32, #tpu.memory_space<vmem>>) target_semaphore(%run_scoped3A : memref<!tpu.dma_semaphore, #tpu.memory_space<semaphore_mem>>)
        %dma_wait3A = arith.constant 0 : i32
        %dma_wait3A_39 = tpu.memref_slice %arg3[%multiple_of3A, %dma_wait3A] : memref<2560x128xi32, #tpu.memory_space<hbm>> -> memref<16x128xi32, #tpu.memory_space<hbm>>
        %dma_wait3A_40 = arith.constant 0 : i32
        %dma_wait3A_41 = tpu.memref_slice %arg3[%multiple_of3A, %dma_wait3A_40] : memref<2560x128xi32, #tpu.memory_space<hbm>> -> memref<16x128xi32, #tpu.memory_space<hbm>>
        tpu.wait_dma2 semaphore(%run_scoped3A : memref<!tpu.dma_semaphore, #tpu.memory_space<semaphore_mem>>) src(%dma_wait3A_41 : memref<16x128xi32, #tpu.memory_space<hbm>>) dst(%arg7 : memref<16x128xi32, #tpu.memory_space<vmem>>)
        tpu.yield
      }) : () -> ()
      "tpu.region"() ({
        %run_scoped3A = tpu.sem_alloc : memref<!tpu.dma_semaphore, #tpu.memory_space<semaphore_mem>>
        %dma_start3A_35 = arith.constant 0 : i32
        %dma_start3A_36 = tpu.memref_slice %arg4[%multiple_of3A, %dma_start3A_35] : memref<2560x128xi32, #tpu.memory_space<hbm>> -> memref<16x128xi32, #tpu.memory_space<hbm>>
        %dma_start3A_37 = arith.constant 0 : i32
        %dma_start3A_38 = tpu.memref_slice %arg4[%multiple_of3A, %dma_start3A_37] : memref<2560x128xi32, #tpu.memory_space<hbm>> -> memref<16x128xi32, #tpu.memory_space<hbm>>
        tpu.enqueue_dma source(%dma_start3A_38 : memref<16x128xi32, #tpu.memory_space<hbm>>) target(%arg8 : memref<16x128xi32, #tpu.memory_space<vmem>>) target_semaphore(%run_scoped3A : memref<!tpu.dma_semaphore, #tpu.memory_space<semaphore_mem>>)
        %dma_wait3A = arith.constant 0 : i32
        %dma_wait3A_39 = tpu.memref_slice %arg4[%multiple_of3A, %dma_wait3A] : memref<2560x128xi32, #tpu.memory_space<hbm>> -> memref<16x128xi32, #tpu.memory_space<hbm>>
        %dma_wait3A_40 = arith.constant 0 : i32
        %dma_wait3A_41 = tpu.memref_slice %arg4[%multiple_of3A, %dma_wait3A_40] : memref<2560x128xi32, #tpu.memory_space<hbm>> -> memref<16x128xi32, #tpu.memory_space<hbm>>
        tpu.wait_dma2 semaphore(%run_scoped3A : memref<!tpu.dma_semaphore, #tpu.memory_space<semaphore_mem>>) src(%dma_wait3A_41 : memref<16x128xi32, #tpu.memory_space<hbm>>) dst(%arg8 : memref<16x128xi32, #tpu.memory_space<vmem>>)
        tpu.yield
      }) : () -> ()
      %dma_start3A = arith.constant 0 : i32
      %dma_start3A_21 = arith.constant 0 : i32
      %dma_start3A_22 = tpu.memref_slice %arg7[%dma_start3A, %dma_start3A_21] : memref<16x128xi32, #tpu.memory_space<vmem>> -> memref<1x128xi32, #tpu.memory_space<vmem>>
      %dma_start3A_23 = tpu.memref_squeeze %dma_start3A_22 : memref<1x128xi32, #tpu.memory_space<vmem>> -> memref<128xi32, #tpu.memory_space<vmem>>
      %dma_start3A_24 = arith.constant 0 : i32
      %dma_start3A_25 = arith.constant 0 : i32
      %dma_start3A_26 = tpu.memref_slice %arg2[%dma_start3A_24, %dma_start3A_25] : memref<10240x128xf32, #tpu.memory_space<hbm>> -> memref<10240x128xf32, #tpu.memory_space<hbm>>
      tpu.enqueue_indirect_dma source(%dma_start3A_26 : memref<10240x128xf32, #tpu.memory_space<hbm>>) target(%arg9 : memref<128x128xf32, #tpu.memory_space<vmem>>) offsets(%dma_start3A_23 : memref<128xi32, #tpu.memory_space<vmem>>) semaphore(%arg12 : memref<!tpu.dma_semaphore, #tpu.memory_space<semaphore_mem>>)
      %scan3A_27 = arith.constant 0 : i32
      %scan3A_28 = arith.constant 0 : i32
      %scan3A_29 = arith.constant 8 : i32
      %scan3A_30 = arith.addi %scan3A_28, %scan3A_29 : i32
      %scan3A_31 = arith.constant 1 : i32
      %scan3A_32 = scf.for %scan3A_35 = %scan3A_28 to %scan3A_30 step %scan3A_31 iter_args(%scan3A_36 = %scan3A_27) -> (i32)  : i32 {
        %mul3A_37 = arith.constant 2 : i32
        %mul3A_38 = arith.muli %scan3A_35, %mul3A_37 : i32
        %add3A_39 = arith.constant 1 : i32
        %add3A_40 = arith.addi %mul3A_38, %add3A_39 : i32
        %dma_start3A_41 = arith.constant 0 : i32
        %dma_start3A_42 = tpu.memref_slice %arg7[%add3A_40, %dma_start3A_41] : memref<16x128xi32, #tpu.memory_space<vmem>> -> memref<1x128xi32, #tpu.memory_space<vmem>>
        %dma_start3A_43 = tpu.memref_squeeze %dma_start3A_42 : memref<1x128xi32, #tpu.memory_space<vmem>> -> memref<128xi32, #tpu.memory_space<vmem>>
        %dma_start3A_44 = arith.constant 0 : i32
        %dma_start3A_45 = arith.constant 0 : i32
        %dma_start3A_46 = tpu.memref_slice %arg2[%dma_start3A_44, %dma_start3A_45] : memref<10240x128xf32, #tpu.memory_space<hbm>> -> memref<10240x128xf32, #tpu.memory_space<hbm>>
        tpu.enqueue_indirect_dma source(%dma_start3A_46 : memref<10240x128xf32, #tpu.memory_space<hbm>>) target(%arg10 : memref<128x128xf32, #tpu.memory_space<vmem>>) offsets(%dma_start3A_43 : memref<128xi32, #tpu.memory_space<vmem>>) semaphore(%arg13 : memref<!tpu.dma_semaphore, #tpu.memory_space<semaphore_mem>>)
        %dma_wait3A = arith.constant 0 : i32
        %dma_wait3A_47 = tpu.memref_slice %arg7[%mul3A_38, %dma_wait3A] : memref<16x128xi32, #tpu.memory_space<vmem>> -> memref<1x128xi32, #tpu.memory_space<vmem>>
        %dma_wait3A_48 = tpu.memref_squeeze %dma_wait3A_47 : memref<1x128xi32, #tpu.memory_space<vmem>> -> memref<128xi32, #tpu.memory_space<vmem>>
        %dma_wait3A_49 = arith.constant 0 : i32
        %dma_wait3A_50 = arith.constant 0 : i32
        %dma_wait3A_51 = tpu.memref_slice %arg2[%dma_wait3A_49, %dma_wait3A_50] : memref<10240x128xf32, #tpu.memory_space<hbm>> -> memref<10240x128xf32, #tpu.memory_space<hbm>>
        tpu.wait_indirect_dma semaphore(%arg12 : memref<!tpu.dma_semaphore, #tpu.memory_space<semaphore_mem>>) src(%dma_wait3A_51 : memref<10240x128xf32, #tpu.memory_space<hbm>>) dst(%arg9 : memref<128x128xf32, #tpu.memory_space<vmem>>)
        "tpu.region"() ({
          %run_scoped3A = tpu.sem_alloc : memref<!tpu.dma_semaphore, #tpu.memory_space<semaphore_mem>>
          %dma_start3A_63 = arith.constant 0 : i32
          %dma_start3A_64 = tpu.memref_slice %arg8[%mul3A_38, %dma_start3A_63] : memref<16x128xi32, #tpu.memory_space<vmem>> -> memref<1x128xi32, #tpu.memory_space<vmem>>
          %dma_start3A_65 = tpu.memref_squeeze %dma_start3A_64 : memref<1x128xi32, #tpu.memory_space<vmem>> -> memref<128xi32, #tpu.memory_space<vmem>>
          %dma_start3A_66 = arith.constant 0 : i32
          %dma_start3A_67 = arith.constant 0 : i32
          %dma_start3A_68 = tpu.memref_slice %arg11[%dma_start3A_66, %dma_start3A_67] : memref<10240x128xf32, #tpu.memory_space<vmem_shared>> -> memref<10240x128xf32, #tpu.memory_space<vmem_shared>>
          tpu.enqueue_indirect_dma source(%arg9 : memref<128x128xf32, #tpu.memory_space<vmem>>) target(%dma_start3A_68 : memref<10240x128xf32, #tpu.memory_space<vmem_shared>>) offsets(%dma_start3A_65 : memref<128xi32, #tpu.memory_space<vmem>>) semaphore(%run_scoped3A : memref<!tpu.dma_semaphore, #tpu.memory_space<semaphore_mem>>) {add = true}
          %dma_wait3A_69 = arith.constant 0 : i32
          %dma_wait3A_70 = tpu.memref_slice %arg8[%mul3A_38, %dma_wait3A_69] : memref<16x128xi32, #tpu.memory_space<vmem>> -> memref<1x128xi32, #tpu.memory_space<vmem>>
          %dma_wait3A_71 = tpu.memref_squeeze %dma_wait3A_70 : memref<1x128xi32, #tpu.memory_space<vmem>> -> memref<128xi32, #tpu.memory_space<vmem>>
          %dma_wait3A_72 = arith.constant 0 : i32
          %dma_wait3A_73 = arith.constant 0 : i32
          %dma_wait3A_74 = tpu.memref_slice %arg11[%dma_wait3A_72, %dma_wait3A_73] : memref<10240x128xf32, #tpu.memory_space<vmem_shared>> -> memref<10240x128xf32, #tpu.memory_space<vmem_shared>>
          tpu.wait_indirect_dma semaphore(%run_scoped3A : memref<!tpu.dma_semaphore, #tpu.memory_space<semaphore_mem>>) src(%arg9 : memref<128x128xf32, #tpu.memory_space<vmem>>) dst(%dma_wait3A_74 : memref<10240x128xf32, #tpu.memory_space<vmem_shared>>)
          tpu.yield
        }) : () -> ()
        %lt3A = arith.constant 7 : i32
        %lt3A_52 = arith.cmpi slt, %scan3A_35, %lt3A : i32
        %convert_element_type3A = arith.extui %lt3A_52 : i1 to i32
        %cond3A = arith.constant 0 : i32
        %cond3A_53 = arith.cmpi ne, %convert_element_type3A, %cond3A : i32
        scf.if %cond3A_53 {
          %add3A_63 = arith.constant 2 : i32
          %add3A_64 = arith.addi %mul3A_38, %add3A_63 : i32
          %dma_start3A_65 = arith.constant 0 : i32
          %dma_start3A_66 = tpu.memref_slice %arg7[%add3A_64, %dma_start3A_65] : memref<16x128xi32, #tpu.memory_space<vmem>> -> memref<1x128xi32, #tpu.memory_space<vmem>>
          %dma_start3A_67 = tpu.memref_squeeze %dma_start3A_66 : memref<1x128xi32, #tpu.memory_space<vmem>> -> memref<128xi32, #tpu.memory_space<vmem>>
          %dma_start3A_68 = arith.constant 0 : i32
          %dma_start3A_69 = arith.constant 0 : i32
          %dma_start3A_70 = tpu.memref_slice %arg2[%dma_start3A_68, %dma_start3A_69] : memref<10240x128xf32, #tpu.memory_space<hbm>> -> memref<10240x128xf32, #tpu.memory_space<hbm>>
          tpu.enqueue_indirect_dma source(%dma_start3A_70 : memref<10240x128xf32, #tpu.memory_space<hbm>>) target(%arg9 : memref<128x128xf32, #tpu.memory_space<vmem>>) offsets(%dma_start3A_67 : memref<128xi32, #tpu.memory_space<vmem>>) semaphore(%arg12 : memref<!tpu.dma_semaphore, #tpu.memory_space<semaphore_mem>>)
        } else {
        }
        %add3A_54 = arith.constant 1 : i32
        %add3A_55 = arith.addi %mul3A_38, %add3A_54 : i32
        %dma_wait3A_56 = arith.constant 0 : i32
        %dma_wait3A_57 = tpu.memref_slice %arg7[%add3A_55, %dma_wait3A_56] : memref<16x128xi32, #tpu.memory_space<vmem>> -> memref<1x128xi32, #tpu.memory_space<vmem>>
        %dma_wait3A_58 = tpu.memref_squeeze %dma_wait3A_57 : memref<1x128xi32, #tpu.memory_space<vmem>> -> memref<128xi32, #tpu.memory_space<vmem>>
        %dma_wait3A_59 = arith.constant 0 : i32
        %dma_wait3A_60 = arith.constant 0 : i32
        %dma_wait3A_61 = tpu.memref_slice %arg2[%dma_wait3A_59, %dma_wait3A_60] : memref<10240x128xf32, #tpu.memory_space<hbm>> -> memref<10240x128xf32, #tpu.memory_space<hbm>>
        tpu.wait_indirect_dma semaphore(%arg13 : memref<!tpu.dma_semaphore, #tpu.memory_space<semaphore_mem>>) src(%dma_wait3A_61 : memref<10240x128xf32, #tpu.memory_space<hbm>>) dst(%arg10 : memref<128x128xf32, #tpu.memory_space<vmem>>)
        "tpu.region"() ({
          %run_scoped3A = tpu.sem_alloc : memref<!tpu.dma_semaphore, #tpu.memory_space<semaphore_mem>>
          %dma_start3A_63 = arith.constant 0 : i32
          %dma_start3A_64 = tpu.memref_slice %arg8[%add3A_55, %dma_start3A_63] : memref<16x128xi32, #tpu.memory_space<vmem>> -> memref<1x128xi32, #tpu.memory_space<vmem>>
          %dma_start3A_65 = tpu.memref_squeeze %dma_start3A_64 : memref<1x128xi32, #tpu.memory_space<vmem>> -> memref<128xi32, #tpu.memory_space<vmem>>
          %dma_start3A_66 = arith.constant 0 : i32
          %dma_start3A_67 = arith.constant 0 : i32
          %dma_start3A_68 = tpu.memref_slice %arg11[%dma_start3A_66, %dma_start3A_67] : memref<10240x128xf32, #tpu.memory_space<vmem_shared>> -> memref<10240x128xf32, #tpu.memory_space<vmem_shared>>
          tpu.enqueue_indirect_dma source(%arg10 : memref<128x128xf32, #tpu.memory_space<vmem>>) target(%dma_start3A_68 : memref<10240x128xf32, #tpu.memory_space<vmem_shared>>) offsets(%dma_start3A_65 : memref<128xi32, #tpu.memory_space<vmem>>) semaphore(%run_scoped3A : memref<!tpu.dma_semaphore, #tpu.memory_space<semaphore_mem>>) {add = true}
          %dma_wait3A_69 = arith.constant 0 : i32
          %dma_wait3A_70 = tpu.memref_slice %arg8[%add3A_55, %dma_wait3A_69] : memref<16x128xi32, #tpu.memory_space<vmem>> -> memref<1x128xi32, #tpu.memory_space<vmem>>
          %dma_wait3A_71 = tpu.memref_squeeze %dma_wait3A_70 : memref<1x128xi32, #tpu.memory_space<vmem>> -> memref<128xi32, #tpu.memory_space<vmem>>
          %dma_wait3A_72 = arith.constant 0 : i32
          %dma_wait3A_73 = arith.constant 0 : i32
          %dma_wait3A_74 = tpu.memref_slice %arg11[%dma_wait3A_72, %dma_wait3A_73] : memref<10240x128xf32, #tpu.memory_space<vmem_shared>> -> memref<10240x128xf32, #tpu.memory_space<vmem_shared>>
          tpu.wait_indirect_dma semaphore(%run_scoped3A : memref<!tpu.dma_semaphore, #tpu.memory_space<semaphore_mem>>) src(%arg10 : memref<128x128xf32, #tpu.memory_space<vmem>>) dst(%dma_wait3A_74 : memref<10240x128xf32, #tpu.memory_space<vmem_shared>>)
          tpu.yield
        }) : () -> ()
        %scan3A_62 = arith.constant 0 : i32
        scf.yield %scan3A_62 : i32
      }
      %scan3A_33 = arith.constant 8 : i32
      %scan3A_34 = arith.constant 0 : i32
      scf.yield %scan3A_34 : i32
    }
    %scan3A_8 = arith.constant 5 : i32
    %barrier3A_9 = arith.constant 0 : index
    tpu.barrier barrier_id(%barrier3A_9)
    %mul3A_10 = arith.constant 640 : i32
    %mul3A_11 = arith.muli %arg1, %mul3A_10 : i32
    %mul3A_12 = arith.constant 640 : i32
    %mul3A_13 = arith.muli %arg1, %mul3A_12 : i32
    "tpu.region"() ({
      %run_scoped3A = tpu.sem_alloc : memref<!tpu.dma_semaphore, #tpu.memory_space<semaphore_mem>>
      %dma_start3A = arith.constant 0 : i32
      %dma_start3A_14 = tpu.memref_slice %arg6[%arg0, %mul3A_13, %dma_start3A] : memref<2x10240x128xf32, #tpu.memory_space<hbm>> -> memref<1x640x128xf32, #tpu.memory_space<hbm>>
      %dma_start3A_15 = tpu.memref_squeeze %dma_start3A_14 : memref<1x640x128xf32, #tpu.memory_space<hbm>> -> memref<640x128xf32, #tpu.memory_space<hbm>>
      %dma_start3A_16 = arith.constant 0 : i32
      %dma_start3A_17 = tpu.memref_slice %arg11[%mul3A_11, %dma_start3A_16] : memref<10240x128xf32, #tpu.memory_space<vmem_shared>> -> memref<640x128xf32, #tpu.memory_space<vmem_shared>>
      tpu.enqueue_dma source(%dma_start3A_17 : memref<640x128xf32, #tpu.memory_space<vmem_shared>>) target(%dma_start3A_15 : memref<640x128xf32, #tpu.memory_space<hbm>>) target_semaphore(%run_scoped3A : memref<!tpu.dma_semaphore, #tpu.memory_space<semaphore_mem>>)
      %dma_wait3A = arith.constant 0 : i32
      %dma_wait3A_18 = tpu.memref_slice %arg6[%arg0, %mul3A_13, %dma_wait3A] : memref<2x10240x128xf32, #tpu.memory_space<hbm>> -> memref<1x640x128xf32, #tpu.memory_space<hbm>>
      %dma_wait3A_19 = tpu.memref_squeeze %dma_wait3A_18 : memref<1x640x128xf32, #tpu.memory_space<hbm>> -> memref<640x128xf32, #tpu.memory_space<hbm>>
      %dma_wait3A_20 = arith.constant 0 : i32
      %dma_wait3A_21 = tpu.memref_slice %arg11[%mul3A_11, %dma_wait3A_20] : memref<10240x128xf32, #tpu.memory_space<vmem_shared>> -> memref<640x128xf32, #tpu.memory_space<vmem_shared>>
      tpu.wait_dma2 semaphore(%run_scoped3A : memref<!tpu.dma_semaphore, #tpu.memory_space<semaphore_mem>>) src(%dma_wait3A_21 : memref<640x128xf32, #tpu.memory_space<vmem_shared>>) dst(%dma_wait3A_19 : memref<640x128xf32, #tpu.memory_space<hbm>>)
      tpu.yield
    }) : () -> ()
    return
  }
}

#map = affine_map<(d0, d1) -> (0, 0)>
#map1 = affine_map<(d0, d1) -> (0)>
#map2 = affine_map<(d0, d1) -> (0, 0, 0)>
module attributes {stable_mosaic.version = 14 : i64} {
  func.func @_deg_body(%arg0: i32, %arg1: i32, %arg2: memref<2560x128xi32, #tpu.memory_space<hbm>>, %arg3: memref<8x128xf32, #tpu.memory_space<hbm>>, %arg4: memref<80xi32, #tpu.memory_space<hbm>>, %arg5: memref<2x80x128xf32, #tpu.memory_space<hbm>>, %arg6: memref<80x128xi32, #tpu.memory_space<vmem>>, %arg7: memref<80xi32, #tpu.memory_space<vmem>>, %arg8: memref<80x128xf32, #tpu.memory_space<vmem>>, %arg9: memref<80x128xf32, #tpu.memory_space<vmem_shared>>, %arg10: memref<!tpu.dma_semaphore, #tpu.memory_space<semaphore_mem>>) attributes {dimension_semantics = [#tpu.dimension_semantics<core_parallel>, #tpu.dimension_semantics<subcore_parallel>], iteration_bounds = array<i64: 2, 16>, scalar_prefetch = 0 : i64, scratch_operands = 5 : i64, tpu.core_type = #tpu.core_type<sc_vector_subcore>, window_params = [{transform_indices = #map}, {transform_indices = #map}, {transform_indices = #map1}, {transform_indices = #map2}]} {
    %mul3A = arith.constant 16 : i32
    %mul3A_0 = arith.muli %arg0, %mul3A : i32
    %add3A = arith.addi %mul3A_0, %arg1 : i32
    %mul3A_1 = arith.constant 80 : i32
    %mul3A_2 = arith.muli %add3A, %mul3A_1 : i32
    %multiple_of3A = tpu.assume_multiple %mul3A_2, 80 : i32
    "tpu.region"() ({
      %run_scoped3A = tpu.sem_alloc : memref<!tpu.dma_semaphore, #tpu.memory_space<semaphore_mem>>
      %dma_start3A = arith.constant 0 : i32
      %dma_start3A_27 = tpu.memref_slice %arg2[%multiple_of3A, %dma_start3A] : memref<2560x128xi32, #tpu.memory_space<hbm>> -> memref<80x128xi32, #tpu.memory_space<hbm>>
      %dma_start3A_28 = arith.constant 0 : i32
      %dma_start3A_29 = tpu.memref_slice %arg2[%multiple_of3A, %dma_start3A_28] : memref<2560x128xi32, #tpu.memory_space<hbm>> -> memref<80x128xi32, #tpu.memory_space<hbm>>
      tpu.enqueue_dma source(%dma_start3A_29 : memref<80x128xi32, #tpu.memory_space<hbm>>) target(%arg6 : memref<80x128xi32, #tpu.memory_space<vmem>>) target_semaphore(%run_scoped3A : memref<!tpu.dma_semaphore, #tpu.memory_space<semaphore_mem>>)
      %dma_wait3A = arith.constant 0 : i32
      %dma_wait3A_30 = tpu.memref_slice %arg2[%multiple_of3A, %dma_wait3A] : memref<2560x128xi32, #tpu.memory_space<hbm>> -> memref<80x128xi32, #tpu.memory_space<hbm>>
      %dma_wait3A_31 = arith.constant 0 : i32
      %dma_wait3A_32 = tpu.memref_slice %arg2[%multiple_of3A, %dma_wait3A_31] : memref<2560x128xi32, #tpu.memory_space<hbm>> -> memref<80x128xi32, #tpu.memory_space<hbm>>
      tpu.wait_dma2 semaphore(%run_scoped3A : memref<!tpu.dma_semaphore, #tpu.memory_space<semaphore_mem>>) src(%dma_wait3A_32 : memref<80x128xi32, #tpu.memory_space<hbm>>) dst(%arg6 : memref<80x128xi32, #tpu.memory_space<vmem>>)
      tpu.yield
    }) : () -> ()
    "tpu.region"() ({
      %run_scoped3A = tpu.sem_alloc : memref<!tpu.dma_semaphore, #tpu.memory_space<semaphore_mem>>
      tpu.enqueue_dma source(%arg4 : memref<80xi32, #tpu.memory_space<hbm>>) target(%arg7 : memref<80xi32, #tpu.memory_space<vmem>>) target_semaphore(%run_scoped3A : memref<!tpu.dma_semaphore, #tpu.memory_space<semaphore_mem>>)
      tpu.wait_dma2 semaphore(%run_scoped3A : memref<!tpu.dma_semaphore, #tpu.memory_space<semaphore_mem>>) src(%arg4 : memref<80xi32, #tpu.memory_space<hbm>>) dst(%arg7 : memref<80xi32, #tpu.memory_space<vmem>>)
      tpu.yield
    }) : () -> ()
    %lt3A = arith.constant 10 : i32
    %lt3A_3 = arith.cmpi slt, %arg1, %lt3A : i32
    %convert_element_type3A = arith.extui %lt3A_3 : i1 to i32
    %cond3A = arith.constant 0 : i32
    %cond3A_4 = arith.cmpi ne, %convert_element_type3A, %cond3A : i32
    scf.if %cond3A_4 {
      %mul3A_27 = arith.constant 8 : i32
      %mul3A_28 = arith.muli %arg1, %mul3A_27 : i32
      %multiple_of3A_29 = tpu.assume_multiple %mul3A_28, 8 : i32
      "tpu.region"() ({
        %run_scoped3A = tpu.sem_alloc : memref<!tpu.dma_semaphore, #tpu.memory_space<semaphore_mem>>
        %dma_start3A = arith.constant 0 : i32
        %dma_start3A_30 = tpu.memref_slice %arg9[%multiple_of3A_29, %dma_start3A] : memref<80x128xf32, #tpu.memory_space<vmem_shared>> -> memref<8x128xf32, #tpu.memory_space<vmem_shared>>
        tpu.enqueue_dma source(%arg3 : memref<8x128xf32, #tpu.memory_space<hbm>>) target(%dma_start3A_30 : memref<8x128xf32, #tpu.memory_space<vmem_shared>>) target_semaphore(%run_scoped3A : memref<!tpu.dma_semaphore, #tpu.memory_space<semaphore_mem>>)
        %dma_wait3A = arith.constant 0 : i32
        %dma_wait3A_31 = tpu.memref_slice %arg9[%multiple_of3A_29, %dma_wait3A] : memref<80x128xf32, #tpu.memory_space<vmem_shared>> -> memref<8x128xf32, #tpu.memory_space<vmem_shared>>
        tpu.wait_dma2 semaphore(%run_scoped3A : memref<!tpu.dma_semaphore, #tpu.memory_space<semaphore_mem>>) src(%arg3 : memref<8x128xf32, #tpu.memory_space<hbm>>) dst(%dma_wait3A_31 : memref<8x128xf32, #tpu.memory_space<vmem_shared>>)
        tpu.yield
      }) : () -> ()
    } else {
    }
    %broadcast_in_dim3A = arith.constant 0.000000e+00 : f32
    %broadcast_in_dim3A_5 = vector.broadcast %broadcast_in_dim3A : f32 to vector<16xf32>
    %broadcast_in_dim3A_6 = arith.constant 1.000000e+00 : f32
    %broadcast_in_dim3A_7 = vector.broadcast %broadcast_in_dim3A_6 : f32 to vector<16xf32>
    %scan3A = arith.constant 0 : i32
    %scan3A_8 = arith.constant 0 : i32
    %scan3A_9 = arith.constant 640 : i32
    %scan3A_10 = arith.addi %scan3A_8, %scan3A_9 : i32
    %scan3A_11 = arith.constant 1 : i32
    %scan3A_12 = scf.for %scan3A_27 = %scan3A_8 to %scan3A_10 step %scan3A_11 iter_args(%scan3A_28 = %scan3A) -> (i32)  : i32 {
      %jit3A = arith.constant 8 : i32
      %div3A = arith.divsi %scan3A_27, %jit3A : i32
      %sign3A = arith.constant 0 : i32
      %sign3A_29 = arith.cmpi sgt, %scan3A_27, %sign3A : i32
      %sign3A_30 = arith.extui %sign3A_29 : i1 to i32
      %sign3A_31 = arith.constant 0 : i32
      %sign3A_32 = arith.cmpi slt, %scan3A_27, %sign3A_31 : i32
      %sign3A_33 = arith.extui %sign3A_32 : i1 to i32
      %sign3A_34 = arith.subi %sign3A_30, %sign3A_33 : i32
      %sign3A_35 = arith.constant 0 : i32
      %sign3A_36 = arith.cmpi sgt, %jit3A, %sign3A_35 : i32
      %sign3A_37 = arith.extui %sign3A_36 : i1 to i32
      %sign3A_38 = arith.constant 0 : i32
      %sign3A_39 = arith.cmpi slt, %jit3A, %sign3A_38 : i32
      %sign3A_40 = arith.extui %sign3A_39 : i1 to i32
      %sign3A_41 = arith.subi %sign3A_37, %sign3A_40 : i32
      %ne3A = arith.cmpi ne, %sign3A_34, %sign3A_41 : i32
      %rem3A = arith.remsi %scan3A_27, %jit3A : i32
      %ne3A_42 = arith.constant 0 : i32
      %ne3A_43 = arith.cmpi ne, %rem3A, %ne3A_42 : i32
      %and3A = arith.andi %ne3A, %ne3A_43 : i1
      %sub3A = arith.constant 1 : i32
      %sub3A_44 = arith.subi %div3A, %sub3A : i32
      %select_n3A = arith.select %and3A, %sub3A_44, %div3A : i32
      %jit3A_45 = arith.constant 8 : i32
      %eq3A = arith.constant 0 : i32
      %eq3A_46 = arith.cmpi eq, %jit3A_45, %eq3A : i32
      %jit3A_47 = arith.constant 1 : i32
      %select_n3A_48 = arith.select %eq3A_46, %jit3A_47, %jit3A_45 : i32
      %rem3A_49 = arith.remsi %scan3A_27, %select_n3A_48 : i32
      %ne3A_50 = arith.constant 0 : i32
      %ne3A_51 = arith.cmpi ne, %rem3A_49, %ne3A_50 : i32
      %lt3A_52 = arith.constant 0 : i32
      %lt3A_53 = arith.cmpi slt, %rem3A_49, %lt3A_52 : i32
      %lt3A_54 = arith.constant 0 : i32
      %lt3A_55 = arith.cmpi slt, %select_n3A_48, %lt3A_54 : i32
      %ne3A_56 = arith.xori %lt3A_53, %lt3A_55 : i1
      %and3A_57 = arith.andi %ne3A_56, %ne3A_51 : i1
      %add3A_58 = arith.addi %rem3A_49, %select_n3A_48 : i32
      %select_n3A_59 = arith.select %and3A_57, %add3A_58, %rem3A_49 : i32
      %mul3A_60 = arith.constant 16 : i32
      %mul3A_61 = arith.muli %select_n3A_59, %mul3A_60 : i32
      %multiple_of3A_62 = tpu.assume_multiple %mul3A_61, 16 : i32
      %swap3A = arith.index_cast %select_n3A : i32 to index
      %swap3A_63 = arith.index_cast %multiple_of3A_62 : i32 to index
      %swap3A_64 = tpu.vector_load %arg8[%swap3A, %swap3A_63] {strides = array<i32>} : memref<80x128xf32, #tpu.memory_space<vmem>>, vector<16xf32>,
      tpu.vector_store %arg8[%swap3A, %swap3A_63], %broadcast_in_dim3A_5 {strides = array<i32>} : memref<80x128xf32, #tpu.memory_space<vmem>>, vector<16xf32>,
      %scan3A_65 = arith.constant 0 : i32
      scf.yield %scan3A_65 : i32
    }
    %scan3A_13 = arith.constant 640 : i32
    %scan3A_14 = arith.constant 0 : i32
    %scan3A_15 = arith.constant 0 : i32
    %scan3A_16 = arith.constant 640 : i32
    %scan3A_17 = arith.addi %scan3A_15, %scan3A_16 : i32
    %scan3A_18 = arith.constant 1 : i32
    %scan3A_19 = scf.for %scan3A_27 = %scan3A_15 to %scan3A_17 step %scan3A_18 iter_args(%scan3A_28 = %scan3A_14) -> (i32)  : i32 {
      %jit3A = arith.constant 8 : i32
      %div3A = arith.divsi %scan3A_27, %jit3A : i32
      %sign3A = arith.constant 0 : i32
      %sign3A_29 = arith.cmpi sgt, %scan3A_27, %sign3A : i32
      %sign3A_30 = arith.extui %sign3A_29 : i1 to i32
      %sign3A_31 = arith.constant 0 : i32
      %sign3A_32 = arith.cmpi slt, %scan3A_27, %sign3A_31 : i32
      %sign3A_33 = arith.extui %sign3A_32 : i1 to i32
      %sign3A_34 = arith.subi %sign3A_30, %sign3A_33 : i32
      %sign3A_35 = arith.constant 0 : i32
      %sign3A_36 = arith.cmpi sgt, %jit3A, %sign3A_35 : i32
      %sign3A_37 = arith.extui %sign3A_36 : i1 to i32
      %sign3A_38 = arith.constant 0 : i32
      %sign3A_39 = arith.cmpi slt, %jit3A, %sign3A_38 : i32
      %sign3A_40 = arith.extui %sign3A_39 : i1 to i32
      %sign3A_41 = arith.subi %sign3A_37, %sign3A_40 : i32
      %ne3A = arith.cmpi ne, %sign3A_34, %sign3A_41 : i32
      %rem3A = arith.remsi %scan3A_27, %jit3A : i32
      %ne3A_42 = arith.constant 0 : i32
      %ne3A_43 = arith.cmpi ne, %rem3A, %ne3A_42 : i32
      %and3A = arith.andi %ne3A, %ne3A_43 : i1
      %sub3A = arith.constant 1 : i32
      %sub3A_44 = arith.subi %div3A, %sub3A : i32
      %select_n3A = arith.select %and3A, %sub3A_44, %div3A : i32
      %jit3A_45 = arith.constant 8 : i32
      %eq3A = arith.constant 0 : i32
      %eq3A_46 = arith.cmpi eq, %jit3A_45, %eq3A : i32
      %jit3A_47 = arith.constant 1 : i32
      %select_n3A_48 = arith.select %eq3A_46, %jit3A_47, %jit3A_45 : i32
      %rem3A_49 = arith.remsi %scan3A_27, %select_n3A_48 : i32
      %ne3A_50 = arith.constant 0 : i32
      %ne3A_51 = arith.cmpi ne, %rem3A_49, %ne3A_50 : i32
      %lt3A_52 = arith.constant 0 : i32
      %lt3A_53 = arith.cmpi slt, %rem3A_49, %lt3A_52 : i32
      %lt3A_54 = arith.constant 0 : i32
      %lt3A_55 = arith.cmpi slt, %select_n3A_48, %lt3A_54 : i32
      %ne3A_56 = arith.xori %lt3A_53, %lt3A_55 : i1
      %and3A_57 = arith.andi %ne3A_56, %ne3A_51 : i1
      %add3A_58 = arith.addi %rem3A_49, %select_n3A_48 : i32
      %select_n3A_59 = arith.select %and3A_57, %add3A_58, %rem3A_49 : i32
      %mul3A_60 = arith.constant 16 : i32
      %mul3A_61 = arith.muli %select_n3A_59, %mul3A_60 : i32
      %multiple_of3A_62 = tpu.assume_multiple %mul3A_61, 16 : i32
      %get3A = arith.index_cast %select_n3A : i32 to index
      %get3A_63 = arith.index_cast %multiple_of3A_62 : i32 to index
      %get3A_64 = tpu.vector_load %arg6[%get3A, %get3A_63] {strides = array<i32>} : memref<80x128xi32, #tpu.memory_space<vmem>>, vector<16xi32>,
      %shift_right_logical3A = arith.constant 7 : i32
      %shift_right_logical3A_65 = vector.broadcast %shift_right_logical3A : i32 to vector<16xi32>
      %shift_right_logical3A_66 = arith.shrui %get3A_64, %shift_right_logical3A_65 : vector<16xi32>
      %and3A_67 = arith.constant 127 : i32
      %and3A_68 = vector.broadcast %and3A_67 : i32 to vector<16xi32>
      %and3A_69 = arith.andi %get3A_64, %and3A_68 : vector<16xi32>
      tpu.vector_store_idx %arg8[%shift_right_logical3A_66, %and3A_69], %broadcast_in_dim3A_7 {add = true} : memref<80x128xf32, #tpu.memory_space<vmem>>[vector<16xi32>, vector<16xi32>], vector<16xf32>,
      %scan3A_70 = arith.constant 0 : i32
      scf.yield %scan3A_70 : i32
    }
    %scan3A_20 = arith.constant 640 : i32
    %barrier3A = arith.constant 0 : index
    tpu.barrier barrier_id(%barrier3A)
    "tpu.region"() ({
      %run_scoped3A = tpu.sem_alloc : memref<!tpu.dma_semaphore, #tpu.memory_space<semaphore_mem>>
      %dma_start3A = arith.constant 0 : i32
      %dma_start3A_27 = arith.constant 0 : i32
      %dma_start3A_28 = tpu.memref_slice %arg9[%dma_start3A, %dma_start3A_27] : memref<80x128xf32, #tpu.memory_space<vmem_shared>> -> memref<80x128xf32, #tpu.memory_space<vmem_shared>>
      tpu.enqueue_indirect_dma source(%arg8 : memref<80x128xf32, #tpu.memory_space<vmem>>) target(%dma_start3A_28 : memref<80x128xf32, #tpu.memory_space<vmem_shared>>) offsets(%arg7 : memref<80xi32, #tpu.memory_space<vmem>>) semaphore(%run_scoped3A : memref<!tpu.dma_semaphore, #tpu.memory_space<semaphore_mem>>) {add = true}
      %dma_wait3A = arith.constant 0 : i32
      %dma_wait3A_29 = arith.constant 0 : i32
      %dma_wait3A_30 = tpu.memref_slice %arg9[%dma_wait3A, %dma_wait3A_29] : memref<80x128xf32, #tpu.memory_space<vmem_shared>> -> memref<80x128xf32, #tpu.memory_space<vmem_shared>>
      tpu.wait_indirect_dma semaphore(%run_scoped3A : memref<!tpu.dma_semaphore, #tpu.memory_space<semaphore_mem>>) src(%arg8 : memref<80x128xf32, #tpu.memory_space<vmem>>) dst(%dma_wait3A_30 : memref<80x128xf32, #tpu.memory_space<vmem_shared>>)
      tpu.yield
    }) : () -> ()
    %barrier3A_21 = arith.constant 0 : index
    tpu.barrier barrier_id(%barrier3A_21)
    %lt3A_22 = arith.constant 10 : i32
    %lt3A_23 = arith.cmpi slt, %arg1, %lt3A_22 : i32
    %convert_element_type3A_24 = arith.extui %lt3A_23 : i1 to i32
    %cond3A_25 = arith.constant 0 : i32
    %cond3A_26 = arith.cmpi ne, %convert_element_type3A_24, %cond3A_25 : i32
    scf.if %cond3A_26 {
      %mul3A_27 = arith.constant 8 : i32
      %mul3A_28 = arith.muli %arg1, %mul3A_27 : i32
      %multiple_of3A_29 = tpu.assume_multiple %mul3A_28, 8 : i32
      %mul3A_30 = arith.constant 8 : i32
      %mul3A_31 = arith.muli %arg1, %mul3A_30 : i32
      %multiple_of3A_32 = tpu.assume_multiple %mul3A_31, 8 : i32
      "tpu.region"() ({
        %run_scoped3A = tpu.sem_alloc : memref<!tpu.dma_semaphore, #tpu.memory_space<semaphore_mem>>
        %dma_start3A = arith.constant 0 : i32
        %dma_start3A_33 = tpu.memref_slice %arg5[%arg0, %multiple_of3A_32, %dma_start3A] : memref<2x80x128xf32, #tpu.memory_space<hbm>> -> memref<1x8x128xf32, #tpu.memory_space<hbm>>
        %dma_start3A_34 = tpu.memref_squeeze %dma_start3A_33 : memref<1x8x128xf32, #tpu.memory_space<hbm>> -> memref<8x128xf32, #tpu.memory_space<hbm>>
        %dma_start3A_35 = arith.constant 0 : i32
        %dma_start3A_36 = tpu.memref_slice %arg9[%multiple_of3A_29, %dma_start3A_35] : memref<80x128xf32, #tpu.memory_space<vmem_shared>> -> memref<8x128xf32, #tpu.memory_space<vmem_shared>>
        tpu.enqueue_dma source(%dma_start3A_36 : memref<8x128xf32, #tpu.memory_space<vmem_shared>>) target(%dma_start3A_34 : memref<8x128xf32, #tpu.memory_space<hbm>>) target_semaphore(%run_scoped3A : memref<!tpu.dma_semaphore, #tpu.memory_space<semaphore_mem>>)
        %dma_wait3A = arith.constant 0 : i32
        %dma_wait3A_37 = tpu.memref_slice %arg5[%arg0, %multiple_of3A_32, %dma_wait3A] : memref<2x80x128xf32, #tpu.memory_space<hbm>> -> memref<1x8x128xf32, #tpu.memory_space<hbm>>
        %dma_wait3A_38 = tpu.memref_squeeze %dma_wait3A_37 : memref<1x8x128xf32, #tpu.memory_space<hbm>> -> memref<8x128xf32, #tpu.memory_space<hbm>>
        %dma_wait3A_39 = arith.constant 0 : i32
        %dma_wait3A_40 = tpu.memref_slice %arg9[%multiple_of3A_29, %dma_wait3A_39] : memref<80x128xf32, #tpu.memory_space<vmem_shared>> -> memref<8x128xf32, #tpu.memory_space<vmem_shared>>
        tpu.wait_dma2 semaphore(%run_scoped3A : memref<!tpu.dma_semaphore, #tpu.memory_space<semaphore_mem>>) src(%dma_wait3A_40 : memref<8x128xf32, #tpu.memory_space<vmem_shared>>) dst(%dma_wait3A_38 : memref<8x128xf32, #tpu.memory_space<hbm>>)
        tpu.yield
      }) : () -> ()
    } else {
    }
    return
  }
}

#map = affine_map<(d0, d1) -> (0, 0)>
#map1 = affine_map<(d0, d1) -> (0, 0, 0)>
module attributes {stable_mosaic.version = 14 : i64} {
  func.func @_segsum_body(%arg0: i32, %arg1: i32, %arg2: memref<10240x128xf32, #tpu.memory_space<hbm>>, %arg3: memref<2560x128xi32, #tpu.memory_space<hbm>>, %arg4: memref<2560x128xi32, #tpu.memory_space<hbm>>, %arg5: memref<640x128xf32, #tpu.memory_space<hbm>>, %arg6: memref<2x10240x128xf32, #tpu.memory_space<hbm>>, %arg7: memref<16x128xi32, #tpu.memory_space<vmem>>, %arg8: memref<16x128xi32, #tpu.memory_space<vmem>>, %arg9: memref<128x128xf32, #tpu.memory_space<vmem>>, %arg10: memref<128x128xf32, #tpu.memory_space<vmem>>, %arg11: memref<10240x128xf32, #tpu.memory_space<vmem_shared>>, %arg12: memref<!tpu.dma_semaphore, #tpu.memory_space<semaphore_mem>>, %arg13: memref<!tpu.dma_semaphore, #tpu.memory_space<semaphore_mem>>, %arg14: memref<!tpu.dma_semaphore, #tpu.memory_space<semaphore_mem>>, %arg15: memref<!tpu.dma_semaphore, #tpu.memory_space<semaphore_mem>>) attributes {dimension_semantics = [#tpu.dimension_semantics<core_parallel>, #tpu.dimension_semantics<subcore_parallel>], iteration_bounds = array<i64: 2, 16>, scalar_prefetch = 0 : i64, scratch_operands = 9 : i64, tpu.core_type = #tpu.core_type<sc_vector_subcore>, window_params = [{transform_indices = #map}, {transform_indices = #map}, {transform_indices = #map}, {transform_indices = #map}, {transform_indices = #map1}]} {
    %mul3A = arith.constant 16 : i32
    %mul3A_0 = arith.muli %arg0, %mul3A : i32
    %add3A = arith.addi %mul3A_0, %arg1 : i32
    %mul3A_1 = arith.constant 640 : i32
    %mul3A_2 = arith.muli %arg1, %mul3A_1 : i32
    "tpu.region"() ({
      %run_scoped3A = tpu.sem_alloc : memref<!tpu.dma_semaphore, #tpu.memory_space<semaphore_mem>>
      %dma_start3A = arith.constant 0 : i32
      %dma_start3A_14 = tpu.memref_slice %arg11[%mul3A_2, %dma_start3A] : memref<10240x128xf32, #tpu.memory_space<vmem_shared>> -> memref<640x128xf32, #tpu.memory_space<vmem_shared>>
      tpu.enqueue_dma source(%arg5 : memref<640x128xf32, #tpu.memory_space<hbm>>) target(%dma_start3A_14 : memref<640x128xf32, #tpu.memory_space<vmem_shared>>) target_semaphore(%run_scoped3A : memref<!tpu.dma_semaphore, #tpu.memory_space<semaphore_mem>>)
      %dma_wait3A = arith.constant 0 : i32
      %dma_wait3A_15 = tpu.memref_slice %arg11[%mul3A_2, %dma_wait3A] : memref<10240x128xf32, #tpu.memory_space<vmem_shared>> -> memref<640x128xf32, #tpu.memory_space<vmem_shared>>
      tpu.wait_dma2 semaphore(%run_scoped3A : memref<!tpu.dma_semaphore, #tpu.memory_space<semaphore_mem>>) src(%arg5 : memref<640x128xf32, #tpu.memory_space<hbm>>) dst(%dma_wait3A_15 : memref<640x128xf32, #tpu.memory_space<vmem_shared>>)
      tpu.yield
    }) : () -> ()
    %barrier3A = arith.constant 0 : index
    tpu.barrier barrier_id(%barrier3A)
    %scan3A = arith.constant 0 : i32
    %scan3A_3 = arith.constant 0 : i32
    %scan3A_4 = arith.constant 5 : i32
    %scan3A_5 = arith.addi %scan3A_3, %scan3A_4 : i32
    %scan3A_6 = arith.constant 1 : i32
    %scan3A_7 = scf.for %scan3A_14 = %scan3A_3 to %scan3A_5 step %scan3A_6 iter_args(%scan3A_15 = %scan3A) -> (i32)  : i32 {
      %mul3A_16 = arith.constant 80 : i32
      %mul3A_17 = arith.muli %add3A, %mul3A_16 : i32
      %mul3A_18 = arith.constant 16 : i32
      %mul3A_19 = arith.muli %scan3A_14, %mul3A_18 : i32
      %add3A_20 = arith.addi %mul3A_17, %mul3A_19 : i32
      %multiple_of3A = tpu.assume_multiple %add3A_20, 16 : i32
      "tpu.region"() ({
        %run_scoped3A = tpu.sem_alloc : memref<!tpu.dma_semaphore, #tpu.memory_space<semaphore_mem>>
        %dma_start3A_35 = arith.constant 0 : i32
        %dma_start3A_36 = tpu.memref_slice %arg3[%multiple_of3A, %dma_start3A_35] : memref<2560x128xi32, #tpu.memory_space<hbm>> -> memref<16x128xi32, #tpu.memory_space<hbm>>
        %dma_start3A_37 = arith.constant 0 : i32
        %dma_start3A_38 = tpu.memref_slice %arg3[%multiple_of3A, %dma_start3A_37] : memref<2560x128xi32, #tpu.memory_space<hbm>> -> memref<16x128xi32, #tpu.memory_space<hbm>>
        tpu.enqueue_dma source(%dma_start3A_38 : memref<16x128xi32, #tpu.memory_space<hbm>>) target(%arg7 : memref<16x128xi32, #tpu.memory_space<vmem>>) target_semaphore(%run_scoped3A : memref<!tpu.dma_semaphore, #tpu.memory_space<semaphore_mem>>)
        %dma_wait3A = arith.constant 0 : i32
        %dma_wait3A_39 = tpu.memref_slice %arg3[%multiple_of3A, %dma_wait3A] : memref<2560x128xi32, #tpu.memory_space<hbm>> -> memref<16x128xi32, #tpu.memory_space<hbm>>
        %dma_wait3A_40 = arith.constant 0 : i32
        %dma_wait3A_41 = tpu.memref_slice %arg3[%multiple_of3A, %dma_wait3A_40] : memref<2560x128xi32, #tpu.memory_space<hbm>> -> memref<16x128xi32, #tpu.memory_space<hbm>>
        tpu.wait_dma2 semaphore(%run_scoped3A : memref<!tpu.dma_semaphore, #tpu.memory_space<semaphore_mem>>) src(%dma_wait3A_41 : memref<16x128xi32, #tpu.memory_space<hbm>>) dst(%arg7 : memref<16x128xi32, #tpu.memory_space<vmem>>)
        tpu.yield
      }) : () -> ()
      "tpu.region"() ({
        %run_scoped3A = tpu.sem_alloc : memref<!tpu.dma_semaphore, #tpu.memory_space<semaphore_mem>>
        %dma_start3A_35 = arith.constant 0 : i32
        %dma_start3A_36 = tpu.memref_slice %arg4[%multiple_of3A, %dma_start3A_35] : memref<2560x128xi32, #tpu.memory_space<hbm>> -> memref<16x128xi32, #tpu.memory_space<hbm>>
        %dma_start3A_37 = arith.constant 0 : i32
        %dma_start3A_38 = tpu.memref_slice %arg4[%multiple_of3A, %dma_start3A_37] : memref<2560x128xi32, #tpu.memory_space<hbm>> -> memref<16x128xi32, #tpu.memory_space<hbm>>
        tpu.enqueue_dma source(%dma_start3A_38 : memref<16x128xi32, #tpu.memory_space<hbm>>) target(%arg8 : memref<16x128xi32, #tpu.memory_space<vmem>>) target_semaphore(%run_scoped3A : memref<!tpu.dma_semaphore, #tpu.memory_space<semaphore_mem>>)
        %dma_wait3A = arith.constant 0 : i32
        %dma_wait3A_39 = tpu.memref_slice %arg4[%multiple_of3A, %dma_wait3A] : memref<2560x128xi32, #tpu.memory_space<hbm>> -> memref<16x128xi32, #tpu.memory_space<hbm>>
        %dma_wait3A_40 = arith.constant 0 : i32
        %dma_wait3A_41 = tpu.memref_slice %arg4[%multiple_of3A, %dma_wait3A_40] : memref<2560x128xi32, #tpu.memory_space<hbm>> -> memref<16x128xi32, #tpu.memory_space<hbm>>
        tpu.wait_dma2 semaphore(%run_scoped3A : memref<!tpu.dma_semaphore, #tpu.memory_space<semaphore_mem>>) src(%dma_wait3A_41 : memref<16x128xi32, #tpu.memory_space<hbm>>) dst(%arg8 : memref<16x128xi32, #tpu.memory_space<vmem>>)
        tpu.yield
      }) : () -> ()
      %dma_start3A = arith.constant 0 : i32
      %dma_start3A_21 = arith.constant 0 : i32
      %dma_start3A_22 = tpu.memref_slice %arg7[%dma_start3A, %dma_start3A_21] : memref<16x128xi32, #tpu.memory_space<vmem>> -> memref<1x128xi32, #tpu.memory_space<vmem>>
      %dma_start3A_23 = tpu.memref_squeeze %dma_start3A_22 : memref<1x128xi32, #tpu.memory_space<vmem>> -> memref<128xi32, #tpu.memory_space<vmem>>
      %dma_start3A_24 = arith.constant 0 : i32
      %dma_start3A_25 = arith.constant 0 : i32
      %dma_start3A_26 = tpu.memref_slice %arg2[%dma_start3A_24, %dma_start3A_25] : memref<10240x128xf32, #tpu.memory_space<hbm>> -> memref<10240x128xf32, #tpu.memory_space<hbm>>
      tpu.enqueue_indirect_dma source(%dma_start3A_26 : memref<10240x128xf32, #tpu.memory_space<hbm>>) target(%arg9 : memref<128x128xf32, #tpu.memory_space<vmem>>) offsets(%dma_start3A_23 : memref<128xi32, #tpu.memory_space<vmem>>) semaphore(%arg12 : memref<!tpu.dma_semaphore, #tpu.memory_space<semaphore_mem>>)
      %scan3A_27 = arith.constant 0 : i32
      %scan3A_28 = arith.constant 0 : i32
      %scan3A_29 = arith.constant 8 : i32
      %scan3A_30 = arith.addi %scan3A_28, %scan3A_29 : i32
      %scan3A_31 = arith.constant 1 : i32
      %scan3A_32 = scf.for %scan3A_35 = %scan3A_28 to %scan3A_30 step %scan3A_31 iter_args(%scan3A_36 = %scan3A_27) -> (i32)  : i32 {
        %mul3A_37 = arith.constant 2 : i32
        %mul3A_38 = arith.muli %scan3A_35, %mul3A_37 : i32
        %add3A_39 = arith.constant 1 : i32
        %add3A_40 = arith.addi %mul3A_38, %add3A_39 : i32
        %dma_start3A_41 = arith.constant 0 : i32
        %dma_start3A_42 = tpu.memref_slice %arg7[%add3A_40, %dma_start3A_41] : memref<16x128xi32, #tpu.memory_space<vmem>> -> memref<1x128xi32, #tpu.memory_space<vmem>>
        %dma_start3A_43 = tpu.memref_squeeze %dma_start3A_42 : memref<1x128xi32, #tpu.memory_space<vmem>> -> memref<128xi32, #tpu.memory_space<vmem>>
        %dma_start3A_44 = arith.constant 0 : i32
        %dma_start3A_45 = arith.constant 0 : i32
        %dma_start3A_46 = tpu.memref_slice %arg2[%dma_start3A_44, %dma_start3A_45] : memref<10240x128xf32, #tpu.memory_space<hbm>> -> memref<10240x128xf32, #tpu.memory_space<hbm>>
        tpu.enqueue_indirect_dma source(%dma_start3A_46 : memref<10240x128xf32, #tpu.memory_space<hbm>>) target(%arg10 : memref<128x128xf32, #tpu.memory_space<vmem>>) offsets(%dma_start3A_43 : memref<128xi32, #tpu.memory_space<vmem>>) semaphore(%arg13 : memref<!tpu.dma_semaphore, #tpu.memory_space<semaphore_mem>>)
        %dma_wait3A = arith.constant 0 : i32
        %dma_wait3A_47 = tpu.memref_slice %arg7[%mul3A_38, %dma_wait3A] : memref<16x128xi32, #tpu.memory_space<vmem>> -> memref<1x128xi32, #tpu.memory_space<vmem>>
        %dma_wait3A_48 = tpu.memref_squeeze %dma_wait3A_47 : memref<1x128xi32, #tpu.memory_space<vmem>> -> memref<128xi32, #tpu.memory_space<vmem>>
        %dma_wait3A_49 = arith.constant 0 : i32
        %dma_wait3A_50 = arith.constant 0 : i32
        %dma_wait3A_51 = tpu.memref_slice %arg2[%dma_wait3A_49, %dma_wait3A_50] : memref<10240x128xf32, #tpu.memory_space<hbm>> -> memref<10240x128xf32, #tpu.memory_space<hbm>>
        tpu.wait_indirect_dma semaphore(%arg12 : memref<!tpu.dma_semaphore, #tpu.memory_space<semaphore_mem>>) src(%dma_wait3A_51 : memref<10240x128xf32, #tpu.memory_space<hbm>>) dst(%arg9 : memref<128x128xf32, #tpu.memory_space<vmem>>)
        "tpu.region"() ({
          %run_scoped3A = tpu.sem_alloc : memref<!tpu.dma_semaphore, #tpu.memory_space<semaphore_mem>>
          %dma_start3A_63 = arith.constant 0 : i32
          %dma_start3A_64 = tpu.memref_slice %arg8[%mul3A_38, %dma_start3A_63] : memref<16x128xi32, #tpu.memory_space<vmem>> -> memref<1x128xi32, #tpu.memory_space<vmem>>
          %dma_start3A_65 = tpu.memref_squeeze %dma_start3A_64 : memref<1x128xi32, #tpu.memory_space<vmem>> -> memref<128xi32, #tpu.memory_space<vmem>>
          %dma_start3A_66 = arith.constant 0 : i32
          %dma_start3A_67 = arith.constant 0 : i32
          %dma_start3A_68 = tpu.memref_slice %arg11[%dma_start3A_66, %dma_start3A_67] : memref<10240x128xf32, #tpu.memory_space<vmem_shared>> -> memref<10240x128xf32, #tpu.memory_space<vmem_shared>>
          tpu.enqueue_indirect_dma source(%arg9 : memref<128x128xf32, #tpu.memory_space<vmem>>) target(%dma_start3A_68 : memref<10240x128xf32, #tpu.memory_space<vmem_shared>>) offsets(%dma_start3A_65 : memref<128xi32, #tpu.memory_space<vmem>>) semaphore(%run_scoped3A : memref<!tpu.dma_semaphore, #tpu.memory_space<semaphore_mem>>) {add = true}
          %dma_wait3A_69 = arith.constant 0 : i32
          %dma_wait3A_70 = tpu.memref_slice %arg8[%mul3A_38, %dma_wait3A_69] : memref<16x128xi32, #tpu.memory_space<vmem>> -> memref<1x128xi32, #tpu.memory_space<vmem>>
          %dma_wait3A_71 = tpu.memref_squeeze %dma_wait3A_70 : memref<1x128xi32, #tpu.memory_space<vmem>> -> memref<128xi32, #tpu.memory_space<vmem>>
          %dma_wait3A_72 = arith.constant 0 : i32
          %dma_wait3A_73 = arith.constant 0 : i32
          %dma_wait3A_74 = tpu.memref_slice %arg11[%dma_wait3A_72, %dma_wait3A_73] : memref<10240x128xf32, #tpu.memory_space<vmem_shared>> -> memref<10240x128xf32, #tpu.memory_space<vmem_shared>>
          tpu.wait_indirect_dma semaphore(%run_scoped3A : memref<!tpu.dma_semaphore, #tpu.memory_space<semaphore_mem>>) src(%arg9 : memref<128x128xf32, #tpu.memory_space<vmem>>) dst(%dma_wait3A_74 : memref<10240x128xf32, #tpu.memory_space<vmem_shared>>)
          tpu.yield
        }) : () -> ()
        %lt3A = arith.constant 7 : i32
        %lt3A_52 = arith.cmpi slt, %scan3A_35, %lt3A : i32
        %convert_element_type3A = arith.extui %lt3A_52 : i1 to i32
        %cond3A = arith.constant 0 : i32
        %cond3A_53 = arith.cmpi ne, %convert_element_type3A, %cond3A : i32
        scf.if %cond3A_53 {
          %add3A_63 = arith.constant 2 : i32
          %add3A_64 = arith.addi %mul3A_38, %add3A_63 : i32
          %dma_start3A_65 = arith.constant 0 : i32
          %dma_start3A_66 = tpu.memref_slice %arg7[%add3A_64, %dma_start3A_65] : memref<16x128xi32, #tpu.memory_space<vmem>> -> memref<1x128xi32, #tpu.memory_space<vmem>>
          %dma_start3A_67 = tpu.memref_squeeze %dma_start3A_66 : memref<1x128xi32, #tpu.memory_space<vmem>> -> memref<128xi32, #tpu.memory_space<vmem>>
          %dma_start3A_68 = arith.constant 0 : i32
          %dma_start3A_69 = arith.constant 0 : i32
          %dma_start3A_70 = tpu.memref_slice %arg2[%dma_start3A_68, %dma_start3A_69] : memref<10240x128xf32, #tpu.memory_space<hbm>> -> memref<10240x128xf32, #tpu.memory_space<hbm>>
          tpu.enqueue_indirect_dma source(%dma_start3A_70 : memref<10240x128xf32, #tpu.memory_space<hbm>>) target(%arg9 : memref<128x128xf32, #tpu.memory_space<vmem>>) offsets(%dma_start3A_67 : memref<128xi32, #tpu.memory_space<vmem>>) semaphore(%arg12 : memref<!tpu.dma_semaphore, #tpu.memory_space<semaphore_mem>>)
        } else {
        }
        %add3A_54 = arith.constant 1 : i32
        %add3A_55 = arith.addi %mul3A_38, %add3A_54 : i32
        %dma_wait3A_56 = arith.constant 0 : i32
        %dma_wait3A_57 = tpu.memref_slice %arg7[%add3A_55, %dma_wait3A_56] : memref<16x128xi32, #tpu.memory_space<vmem>> -> memref<1x128xi32, #tpu.memory_space<vmem>>
        %dma_wait3A_58 = tpu.memref_squeeze %dma_wait3A_57 : memref<1x128xi32, #tpu.memory_space<vmem>> -> memref<128xi32, #tpu.memory_space<vmem>>
        %dma_wait3A_59 = arith.constant 0 : i32
        %dma_wait3A_60 = arith.constant 0 : i32
        %dma_wait3A_61 = tpu.memref_slice %arg2[%dma_wait3A_59, %dma_wait3A_60] : memref<10240x128xf32, #tpu.memory_space<hbm>> -> memref<10240x128xf32, #tpu.memory_space<hbm>>
        tpu.wait_indirect_dma semaphore(%arg13 : memref<!tpu.dma_semaphore, #tpu.memory_space<semaphore_mem>>) src(%dma_wait3A_61 : memref<10240x128xf32, #tpu.memory_space<hbm>>) dst(%arg10 : memref<128x128xf32, #tpu.memory_space<vmem>>)
        "tpu.region"() ({
          %run_scoped3A = tpu.sem_alloc : memref<!tpu.dma_semaphore, #tpu.memory_space<semaphore_mem>>
          %dma_start3A_63 = arith.constant 0 : i32
          %dma_start3A_64 = tpu.memref_slice %arg8[%add3A_55, %dma_start3A_63] : memref<16x128xi32, #tpu.memory_space<vmem>> -> memref<1x128xi32, #tpu.memory_space<vmem>>
          %dma_start3A_65 = tpu.memref_squeeze %dma_start3A_64 : memref<1x128xi32, #tpu.memory_space<vmem>> -> memref<128xi32, #tpu.memory_space<vmem>>
          %dma_start3A_66 = arith.constant 0 : i32
          %dma_start3A_67 = arith.constant 0 : i32
          %dma_start3A_68 = tpu.memref_slice %arg11[%dma_start3A_66, %dma_start3A_67] : memref<10240x128xf32, #tpu.memory_space<vmem_shared>> -> memref<10240x128xf32, #tpu.memory_space<vmem_shared>>
          tpu.enqueue_indirect_dma source(%arg10 : memref<128x128xf32, #tpu.memory_space<vmem>>) target(%dma_start3A_68 : memref<10240x128xf32, #tpu.memory_space<vmem_shared>>) offsets(%dma_start3A_65 : memref<128xi32, #tpu.memory_space<vmem>>) semaphore(%run_scoped3A : memref<!tpu.dma_semaphore, #tpu.memory_space<semaphore_mem>>) {add = true}
          %dma_wait3A_69 = arith.constant 0 : i32
          %dma_wait3A_70 = tpu.memref_slice %arg8[%add3A_55, %dma_wait3A_69] : memref<16x128xi32, #tpu.memory_space<vmem>> -> memref<1x128xi32, #tpu.memory_space<vmem>>
          %dma_wait3A_71 = tpu.memref_squeeze %dma_wait3A_70 : memref<1x128xi32, #tpu.memory_space<vmem>> -> memref<128xi32, #tpu.memory_space<vmem>>
          %dma_wait3A_72 = arith.constant 0 : i32
          %dma_wait3A_73 = arith.constant 0 : i32
          %dma_wait3A_74 = tpu.memref_slice %arg11[%dma_wait3A_72, %dma_wait3A_73] : memref<10240x128xf32, #tpu.memory_space<vmem_shared>> -> memref<10240x128xf32, #tpu.memory_space<vmem_shared>>
          tpu.wait_indirect_dma semaphore(%run_scoped3A : memref<!tpu.dma_semaphore, #tpu.memory_space<semaphore_mem>>) src(%arg10 : memref<128x128xf32, #tpu.memory_space<vmem>>) dst(%dma_wait3A_74 : memref<10240x128xf32, #tpu.memory_space<vmem_shared>>)
          tpu.yield
        }) : () -> ()
        %scan3A_62 = arith.constant 0 : i32
        scf.yield %scan3A_62 : i32
      }
      %scan3A_33 = arith.constant 8 : i32
      %scan3A_34 = arith.constant 0 : i32
      scf.yield %scan3A_34 : i32
    }
    %scan3A_8 = arith.constant 5 : i32
    %barrier3A_9 = arith.constant 0 : index
    tpu.barrier barrier_id(%barrier3A_9)
    %mul3A_10 = arith.constant 640 : i32
    %mul3A_11 = arith.muli %arg1, %mul3A_10 : i32
    %mul3A_12 = arith.constant 640 : i32
    %mul3A_13 = arith.muli %arg1, %mul3A_12 : i32
    "tpu.region"() ({
      %run_scoped3A = tpu.sem_alloc : memref<!tpu.dma_semaphore, #tpu.memory_space<semaphore_mem>>
      %dma_start3A = arith.constant 0 : i32
      %dma_start3A_14 = tpu.memref_slice %arg6[%arg0, %mul3A_13, %dma_start3A] : memref<2x10240x128xf32, #tpu.memory_space<hbm>> -> memref<1x640x128xf32, #tpu.memory_space<hbm>>
      %dma_start3A_15 = tpu.memref_squeeze %dma_start3A_14 : memref<1x640x128xf32, #tpu.memory_space<hbm>> -> memref<640x128xf32, #tpu.memory_space<hbm>>
      %dma_start3A_16 = arith.constant 0 : i32
      %dma_start3A_17 = tpu.memref_slice %arg11[%mul3A_11, %dma_start3A_16] : memref<10240x128xf32, #tpu.memory_space<vmem_shared>> -> memref<640x128xf32, #tpu.memory_space<vmem_shared>>
      tpu.enqueue_dma source(%dma_start3A_17 : memref<640x128xf32, #tpu.memory_space<vmem_shared>>) target(%dma_start3A_15 : memref<640x128xf32, #tpu.memory_space<hbm>>) target_semaphore(%run_scoped3A : memref<!tpu.dma_semaphore, #tpu.memory_space<semaphore_mem>>)
      %dma_wait3A = arith.constant 0 : i32
      %dma_wait3A_18 = tpu.memref_slice %arg6[%arg0, %mul3A_13, %dma_wait3A] : memref<2x10240x128xf32, #tpu.memory_space<hbm>> -> memref<1x640x128xf32, #tpu.memory_space<hbm>>
      %dma_wait3A_19 = tpu.memref_squeeze %dma_wait3A_18 : memref<1x640x128xf32, #tpu.memory_space<hbm>> -> memref<640x128xf32, #tpu.memory_space<hbm>>
      %dma_wait3A_20 = arith.constant 0 : i32
      %dma_wait3A_21 = tpu.memref_slice %arg11[%mul3A_11, %dma_wait3A_20] : memref<10240x128xf32, #tpu.memory_space<vmem_shared>> -> memref<640x128xf32, #tpu.memory_space<vmem_shared>>
      tpu.wait_dma2 semaphore(%run_scoped3A : memref<!tpu.dma_semaphore, #tpu.memory_space<semaphore_mem>>) src(%dma_wait3A_21 : memref<640x128xf32, #tpu.memory_space<vmem_shared>>) dst(%dma_wait3A_19 : memref<640x128xf32, #tpu.memory_space<hbm>>)
      tpu.yield
    }) : () -> ()
    return
  }
}

#map = affine_map<(d0, d1) -> (0, 0)>
#map1 = affine_map<(d0, d1) -> (0)>
#map2 = affine_map<(d0, d1) -> (0, 0, 0)>
module attributes {stable_mosaic.version = 14 : i64} {
  func.func @_edge_body(%arg0: i32, %arg1: i32, %arg2: memref<10240x128xi32, #tpu.memory_space<hbm>>, %arg3: memref<10240x32xi32, #tpu.memory_space<hbm>>, %arg4: memref<10240x32xi32, #tpu.memory_space<hbm>>, %arg5: memref<327680xf32, #tpu.memory_space<hbm>>, %arg6: memref<327680xf32, #tpu.memory_space<hbm>>, %arg7: memref<3x64x16xi32, #tpu.memory_space<hbm>>, %arg8: memref<8x16xf32, #tpu.memory_space<hbm>>, %arg9: memref<327680xf32, #tpu.memory_space<hbm>>, %arg10: memref<16x32xi32, #tpu.memory_space<vmem>>, %arg11: memref<16x32xi32, #tpu.memory_space<vmem>>, %arg12: memref<512xf32, #tpu.memory_space<vmem>>, %arg13: memref<512xf32, #tpu.memory_space<vmem>>, %arg14: memref<3x64x16xi32, #tpu.memory_space<vmem>>, %arg15: memref<8x16xf32, #tpu.memory_space<vmem>>, %arg16: memref<32x128xi32, #tpu.memory_space<vmem>>, %arg17: memref<32x128xi32, #tpu.memory_space<vmem>>, %arg18: memref<32x128xi32, #tpu.memory_space<vmem>>, %arg19: memref<32x128xi32, #tpu.memory_space<vmem>>, %arg20: memref<512xf32, #tpu.memory_space<vmem>>, %arg21: memref<10240x128xi32, #tpu.memory_space<vmem_shared>>, %arg22: memref<!tpu.dma_semaphore, #tpu.memory_space<semaphore_mem>>, %arg23: memref<!tpu.dma_semaphore, #tpu.memory_space<semaphore_mem>>, %arg24: memref<!tpu.dma_semaphore, #tpu.memory_space<semaphore_mem>>, %arg25: memref<!tpu.dma_semaphore, #tpu.memory_space<semaphore_mem>>) attributes {dimension_semantics = [#tpu.dimension_semantics<core_parallel>, #tpu.dimension_semantics<subcore_parallel>], iteration_bounds = array<i64: 2, 16>, scalar_prefetch = 0 : i64, scratch_operands = 16 : i64, tpu.core_type = #tpu.core_type<sc_vector_subcore>, window_params = [{transform_indices = #map}, {transform_indices = #map}, {transform_indices = #map}, {transform_indices = #map1}, {transform_indices = #map1}, {transform_indices = #map2}, {transform_indices = #map}, {transform_indices = #map1}]} {
    %mul3A = arith.constant 16 : i32
    %mul3A_0 = arith.muli %arg0, %mul3A : i32
    %add3A = arith.addi %mul3A_0, %arg1 : i32
    %mul3A_1 = arith.constant 640 : i32
    %mul3A_2 = arith.muli %arg1, %mul3A_1 : i32
    %multiple_of3A = tpu.assume_multiple %mul3A_2, 8 : i32
    "tpu.region"() ({
      %run_scoped3A = tpu.sem_alloc : memref<!tpu.dma_semaphore, #tpu.memory_space<semaphore_mem>>
      %dma_start3A = arith.constant 0 : i32
      %dma_start3A_15 = tpu.memref_slice %arg21[%multiple_of3A, %dma_start3A] : memref<10240x128xi32, #tpu.memory_space<vmem_shared>> -> memref<640x128xi32, #tpu.memory_space<vmem_shared>>
      %dma_start3A_16 = arith.constant 0 : i32
      %dma_start3A_17 = tpu.memref_slice %arg2[%multiple_of3A, %dma_start3A_16] : memref<10240x128xi32, #tpu.memory_space<hbm>> -> memref<640x128xi32, #tpu.memory_space<hbm>>
      tpu.enqueue_dma source(%dma_start3A_17 : memref<640x128xi32, #tpu.memory_space<hbm>>) target(%dma_start3A_15 : memref<640x128xi32, #tpu.memory_space<vmem_shared>>) target_semaphore(%run_scoped3A : memref<!tpu.dma_semaphore, #tpu.memory_space<semaphore_mem>>)
      %dma_wait3A = arith.constant 0 : i32
      %dma_wait3A_18 = tpu.memref_slice %arg21[%multiple_of3A, %dma_wait3A] : memref<10240x128xi32, #tpu.memory_space<vmem_shared>> -> memref<640x128xi32, #tpu.memory_space<vmem_shared>>
      %dma_wait3A_19 = arith.constant 0 : i32
      %dma_wait3A_20 = tpu.memref_slice %arg2[%multiple_of3A, %dma_wait3A_19] : memref<10240x128xi32, #tpu.memory_space<hbm>> -> memref<640x128xi32, #tpu.memory_space<hbm>>
      tpu.wait_dma2 semaphore(%run_scoped3A : memref<!tpu.dma_semaphore, #tpu.memory_space<semaphore_mem>>) src(%dma_wait3A_20 : memref<640x128xi32, #tpu.memory_space<hbm>>) dst(%dma_wait3A_18 : memref<640x128xi32, #tpu.memory_space<vmem_shared>>)
      tpu.yield
    }) : () -> ()
    "tpu.region"() ({
      %run_scoped3A = tpu.sem_alloc : memref<!tpu.dma_semaphore, #tpu.memory_space<semaphore_mem>>
      tpu.enqueue_dma source(%arg7 : memref<3x64x16xi32, #tpu.memory_space<hbm>>) target(%arg14 : memref<3x64x16xi32, #tpu.memory_space<vmem>>) target_semaphore(%run_scoped3A : memref<!tpu.dma_semaphore, #tpu.memory_space<semaphore_mem>>)
      tpu.wait_dma2 semaphore(%run_scoped3A : memref<!tpu.dma_semaphore, #tpu.memory_space<semaphore_mem>>) src(%arg7 : memref<3x64x16xi32, #tpu.memory_space<hbm>>) dst(%arg14 : memref<3x64x16xi32, #tpu.memory_space<vmem>>)
      tpu.yield
    }) : () -> ()
    "tpu.region"() ({
      %run_scoped3A = tpu.sem_alloc : memref<!tpu.dma_semaphore, #tpu.memory_space<semaphore_mem>>
      tpu.enqueue_dma source(%arg8 : memref<8x16xf32, #tpu.memory_space<hbm>>) target(%arg15 : memref<8x16xf32, #tpu.memory_space<vmem>>) target_semaphore(%run_scoped3A : memref<!tpu.dma_semaphore, #tpu.memory_space<semaphore_mem>>)
      tpu.wait_dma2 semaphore(%run_scoped3A : memref<!tpu.dma_semaphore, #tpu.memory_space<semaphore_mem>>) src(%arg8 : memref<8x16xf32, #tpu.memory_space<hbm>>) dst(%arg15 : memref<8x16xf32, #tpu.memory_space<vmem>>)
      tpu.yield
    }) : () -> ()
    %barrier3A = arith.constant 0 : index
    tpu.barrier barrier_id(%barrier3A)
    %iota3A = tpu.iota {dimensions = array<i32: 0>} : vector<16xi32>
    %get3A = arith.constant 0 : i32
    %get3A_3 = arith.index_cast %get3A : i32 to index
    %get3A_4 = arith.constant 0 : index
    %get3A_5 = tpu.vector_load %arg15[%get3A_3, %get3A_4] {strides = array<i32>} : memref<8x16xf32, #tpu.memory_space<vmem>>, vector<16xf32>,
    %broadcast_in_dim3A = arith.constant 0.000000e+00 : f32
    %broadcast_in_dim3A_6 = vector.broadcast %broadcast_in_dim3A : f32 to vector<16xf32>
    %broadcast_in_dim3A_7 = arith.constant 0.000000e+00 : bf16
    %broadcast_in_dim3A_8 = vector.broadcast %broadcast_in_dim3A_7 : bf16 to vector<32xbf16>
    %scan3A = arith.constant 0 : i32
    %scan3A_9 = arith.constant 0 : i32
    %scan3A_10 = arith.constant 20 : i32
    %scan3A_11 = arith.addi %scan3A_9, %scan3A_10 : i32
    %scan3A_12 = arith.constant 1 : i32
    %scan3A_13 = scf.for %scan3A_15 = %scan3A_9 to %scan3A_11 step %scan3A_12 iter_args(%scan3A_16 = %scan3A) -> (i32)  : i32 {
      %mul3A_17 = arith.constant 320 : i32
      %mul3A_18 = arith.muli %add3A, %mul3A_17 : i32
      %mul3A_19 = arith.constant 16 : i32
      %mul3A_20 = arith.muli %scan3A_15, %mul3A_19 : i32
      %add3A_21 = arith.addi %mul3A_18, %mul3A_20 : i32
      %multiple_of3A_22 = tpu.assume_multiple %add3A_21, 8 : i32
      "tpu.region"() ({
        %run_scoped3A = tpu.sem_alloc : memref<!tpu.dma_semaphore, #tpu.memory_space<semaphore_mem>>
        %dma_start3A_50 = arith.constant 0 : i32
        %dma_start3A_51 = tpu.memref_slice %arg3[%multiple_of3A_22, %dma_start3A_50] : memref<10240x32xi32, #tpu.memory_space<hbm>> -> memref<16x32xi32, #tpu.memory_space<hbm>>
        %dma_start3A_52 = arith.constant 0 : i32
        %dma_start3A_53 = tpu.memref_slice %arg3[%multiple_of3A_22, %dma_start3A_52] : memref<10240x32xi32, #tpu.memory_space<hbm>> -> memref<16x32xi32, #tpu.memory_space<hbm>>
        tpu.enqueue_dma source(%dma_start3A_53 : memref<16x32xi32, #tpu.memory_space<hbm>>) target(%arg10 : memref<16x32xi32, #tpu.memory_space<vmem>>) target_semaphore(%run_scoped3A : memref<!tpu.dma_semaphore, #tpu.memory_space<semaphore_mem>>)
        %dma_wait3A = arith.constant 0 : i32
        %dma_wait3A_54 = tpu.memref_slice %arg3[%multiple_of3A_22, %dma_wait3A] : memref<10240x32xi32, #tpu.memory_space<hbm>> -> memref<16x32xi32, #tpu.memory_space<hbm>>
        %dma_wait3A_55 = arith.constant 0 : i32
        %dma_wait3A_56 = tpu.memref_slice %arg3[%multiple_of3A_22, %dma_wait3A_55] : memref<10240x32xi32, #tpu.memory_space<hbm>> -> memref<16x32xi32, #tpu.memory_space<hbm>>
        tpu.wait_dma2 semaphore(%run_scoped3A : memref<!tpu.dma_semaphore, #tpu.memory_space<semaphore_mem>>) src(%dma_wait3A_56 : memref<16x32xi32, #tpu.memory_space<hbm>>) dst(%arg10 : memref<16x32xi32, #tpu.memory_space<vmem>>)
        tpu.yield
      }) : () -> ()
      "tpu.region"() ({
        %run_scoped3A = tpu.sem_alloc : memref<!tpu.dma_semaphore, #tpu.memory_space<semaphore_mem>>
        %dma_start3A_50 = arith.constant 0 : i32
        %dma_start3A_51 = tpu.memref_slice %arg4[%multiple_of3A_22, %dma_start3A_50] : memref<10240x32xi32, #tpu.memory_space<hbm>> -> memref<16x32xi32, #tpu.memory_space<hbm>>
        %dma_start3A_52 = arith.constant 0 : i32
        %dma_start3A_53 = tpu.memref_slice %arg4[%multiple_of3A_22, %dma_start3A_52] : memref<10240x32xi32, #tpu.memory_space<hbm>> -> memref<16x32xi32, #tpu.memory_space<hbm>>
        tpu.enqueue_dma source(%dma_start3A_53 : memref<16x32xi32, #tpu.memory_space<hbm>>) target(%arg11 : memref<16x32xi32, #tpu.memory_space<vmem>>) target_semaphore(%run_scoped3A : memref<!tpu.dma_semaphore, #tpu.memory_space<semaphore_mem>>)
        %dma_wait3A = arith.constant 0 : i32
        %dma_wait3A_54 = tpu.memref_slice %arg4[%multiple_of3A_22, %dma_wait3A] : memref<10240x32xi32, #tpu.memory_space<hbm>> -> memref<16x32xi32, #tpu.memory_space<hbm>>
        %dma_wait3A_55 = arith.constant 0 : i32
        %dma_wait3A_56 = tpu.memref_slice %arg4[%multiple_of3A_22, %dma_wait3A_55] : memref<10240x32xi32, #tpu.memory_space<hbm>> -> memref<16x32xi32, #tpu.memory_space<hbm>>
        tpu.wait_dma2 semaphore(%run_scoped3A : memref<!tpu.dma_semaphore, #tpu.memory_space<semaphore_mem>>) src(%dma_wait3A_56 : memref<16x32xi32, #tpu.memory_space<hbm>>) dst(%arg11 : memref<16x32xi32, #tpu.memory_space<vmem>>)
        tpu.yield
      }) : () -> ()
      %mul3A_23 = arith.constant 10240 : i32
      %mul3A_24 = arith.muli %add3A, %mul3A_23 : i32
      %mul3A_25 = arith.constant 512 : i32
      %mul3A_26 = arith.muli %scan3A_15, %mul3A_25 : i32
      %add3A_27 = arith.addi %mul3A_24, %mul3A_26 : i32
      %multiple_of3A_28 = tpu.assume_multiple %add3A_27, 8 : i32
      "tpu.region"() ({
        %run_scoped3A = tpu.sem_alloc : memref<!tpu.dma_semaphore, #tpu.memory_space<semaphore_mem>>
        %dma_start3A_50 = tpu.memref_slice %arg5[%multiple_of3A_28] : memref<327680xf32, #tpu.memory_space<hbm>> -> memref<512xf32, #tpu.memory_space<hbm>>
        %dma_start3A_51 = tpu.memref_slice %arg5[%multiple_of3A_28] : memref<327680xf32, #tpu.memory_space<hbm>> -> memref<512xf32, #tpu.memory_space<hbm>>
        tpu.enqueue_dma source(%dma_start3A_51 : memref<512xf32, #tpu.memory_space<hbm>>) target(%arg12 : memref<512xf32, #tpu.memory_space<vmem>>) target_semaphore(%run_scoped3A : memref<!tpu.dma_semaphore, #tpu.memory_space<semaphore_mem>>)
        %dma_wait3A = tpu.memref_slice %arg5[%multiple_of3A_28] : memref<327680xf32, #tpu.memory_space<hbm>> -> memref<512xf32, #tpu.memory_space<hbm>>
        %dma_wait3A_52 = tpu.memref_slice %arg5[%multiple_of3A_28] : memref<327680xf32, #tpu.memory_space<hbm>> -> memref<512xf32, #tpu.memory_space<hbm>>
        tpu.wait_dma2 semaphore(%run_scoped3A : memref<!tpu.dma_semaphore, #tpu.memory_space<semaphore_mem>>) src(%dma_wait3A_52 : memref<512xf32, #tpu.memory_space<hbm>>) dst(%arg12 : memref<512xf32, #tpu.memory_space<vmem>>)
        tpu.yield
      }) : () -> ()
      "tpu.region"() ({
        %run_scoped3A = tpu.sem_alloc : memref<!tpu.dma_semaphore, #tpu.memory_space<semaphore_mem>>
        %dma_start3A_50 = tpu.memref_slice %arg6[%multiple_of3A_28] : memref<327680xf32, #tpu.memory_space<hbm>> -> memref<512xf32, #tpu.memory_space<hbm>>
        %dma_start3A_51 = tpu.memref_slice %arg6[%multiple_of3A_28] : memref<327680xf32, #tpu.memory_space<hbm>> -> memref<512xf32, #tpu.memory_space<hbm>>
        tpu.enqueue_dma source(%dma_start3A_51 : memref<512xf32, #tpu.memory_space<hbm>>) target(%arg13 : memref<512xf32, #tpu.memory_space<vmem>>) target_semaphore(%run_scoped3A : memref<!tpu.dma_semaphore, #tpu.memory_space<semaphore_mem>>)
        %dma_wait3A = tpu.memref_slice %arg6[%multiple_of3A_28] : memref<327680xf32, #tpu.memory_space<hbm>> -> memref<512xf32, #tpu.memory_space<hbm>>
        %dma_wait3A_52 = tpu.memref_slice %arg6[%multiple_of3A_28] : memref<327680xf32, #tpu.memory_space<hbm>> -> memref<512xf32, #tpu.memory_space<hbm>>
        tpu.wait_dma2 semaphore(%run_scoped3A : memref<!tpu.dma_semaphore, #tpu.memory_space<semaphore_mem>>) src(%dma_wait3A_52 : memref<512xf32, #tpu.memory_space<hbm>>) dst(%arg13 : memref<512xf32, #tpu.memory_space<vmem>>)
        tpu.yield
      }) : () -> ()
      %dma_start3A = arith.constant 0 : i32
      %dma_start3A_29 = arith.constant 0 : i32
      %dma_start3A_30 = tpu.memref_slice %arg10[%dma_start3A, %dma_start3A_29] : memref<16x32xi32, #tpu.memory_space<vmem>> -> memref<1x32xi32, #tpu.memory_space<vmem>>
      %dma_start3A_31 = tpu.memref_squeeze %dma_start3A_30 : memref<1x32xi32, #tpu.memory_space<vmem>> -> memref<32xi32, #tpu.memory_space<vmem>>
      %dma_start3A_32 = arith.constant 0 : i32
      %dma_start3A_33 = arith.constant 0 : i32
      %dma_start3A_34 = tpu.memref_slice %arg21[%dma_start3A_32, %dma_start3A_33] : memref<10240x128xi32, #tpu.memory_space<vmem_shared>> -> memref<10240x128xi32, #tpu.memory_space<vmem_shared>>
      tpu.enqueue_indirect_dma source(%dma_start3A_34 : memref<10240x128xi32, #tpu.memory_space<vmem_shared>>) target(%arg16 : memref<32x128xi32, #tpu.memory_space<vmem>>) offsets(%dma_start3A_31 : memref<32xi32, #tpu.memory_space<vmem>>) semaphore(%arg22 : memref<!tpu.dma_semaphore, #tpu.memory_space<semaphore_mem>>)
      %dma_start3A_35 = arith.constant 0 : i32
      %dma_start3A_36 = arith.constant 0 : i32
      %dma_start3A_37 = tpu.memref_slice %arg11[%dma_start3A_35, %dma_start3A_36] : memref<16x32xi32, #tpu.memory_space<vmem>> -> memref<1x32xi32, #tpu.memory_space<vmem>>
      %dma_start3A_38 = tpu.memref_squeeze %dma_start3A_37 : memref<1x32xi32, #tpu.memory_space<vmem>> -> memref<32xi32, #tpu.memory_space<vmem>>
      %dma_start3A_39 = arith.constant 0 : i32
      %dma_start3A_40 = arith.constant 0 : i32
      %dma_start3A_41 = tpu.memref_slice %arg21[%dma_start3A_39, %dma_start3A_40] : memref<10240x128xi32, #tpu.memory_space<vmem_shared>> -> memref<10240x128xi32, #tpu.memory_space<vmem_shared>>
      tpu.enqueue_indirect_dma source(%dma_start3A_41 : memref<10240x128xi32, #tpu.memory_space<vmem_shared>>) target(%arg18 : memref<32x128xi32, #tpu.memory_space<vmem>>) offsets(%dma_start3A_38 : memref<32xi32, #tpu.memory_space<vmem>>) semaphore(%arg24 : memref<!tpu.dma_semaphore, #tpu.memory_space<semaphore_mem>>)
      %scan3A_42 = arith.constant 0 : i32
      %scan3A_43 = arith.constant 0 : i32
      %scan3A_44 = arith.constant 8 : i32
      %scan3A_45 = arith.addi %scan3A_43, %scan3A_44 : i32
      %scan3A_46 = arith.constant 1 : i32
      %scan3A_47 = scf.for %scan3A_50 = %scan3A_43 to %scan3A_45 step %scan3A_46 iter_args(%scan3A_51 = %scan3A_42) -> (i32)  : i32 {
        %mul3A_52 = arith.constant 2 : i32
        %mul3A_53 = arith.muli %scan3A_50, %mul3A_52 : i32
        %add3A_54 = arith.constant 1 : i32
        %add3A_55 = arith.addi %mul3A_53, %add3A_54 : i32
        %dma_start3A_56 = arith.constant 0 : i32
        %dma_start3A_57 = tpu.memref_slice %arg10[%add3A_55, %dma_start3A_56] : memref<16x32xi32, #tpu.memory_space<vmem>> -> memref<1x32xi32, #tpu.memory_space<vmem>>
        %dma_start3A_58 = tpu.memref_squeeze %dma_start3A_57 : memref<1x32xi32, #tpu.memory_space<vmem>> -> memref<32xi32, #tpu.memory_space<vmem>>
        %dma_start3A_59 = arith.constant 0 : i32
        %dma_start3A_60 = arith.constant 0 : i32
        %dma_start3A_61 = tpu.memref_slice %arg21[%dma_start3A_59, %dma_start3A_60] : memref<10240x128xi32, #tpu.memory_space<vmem_shared>> -> memref<10240x128xi32, #tpu.memory_space<vmem_shared>>
        tpu.enqueue_indirect_dma source(%dma_start3A_61 : memref<10240x128xi32, #tpu.memory_space<vmem_shared>>) target(%arg17 : memref<32x128xi32, #tpu.memory_space<vmem>>) offsets(%dma_start3A_58 : memref<32xi32, #tpu.memory_space<vmem>>) semaphore(%arg23 : memref<!tpu.dma_semaphore, #tpu.memory_space<semaphore_mem>>)
        %dma_start3A_62 = arith.constant 0 : i32
        %dma_start3A_63 = tpu.memref_slice %arg11[%add3A_55, %dma_start3A_62] : memref<16x32xi32, #tpu.memory_space<vmem>> -> memref<1x32xi32, #tpu.memory_space<vmem>>
        %dma_start3A_64 = tpu.memref_squeeze %dma_start3A_63 : memref<1x32xi32, #tpu.memory_space<vmem>> -> memref<32xi32, #tpu.memory_space<vmem>>
        %dma_start3A_65 = arith.constant 0 : i32
        %dma_start3A_66 = arith.constant 0 : i32
        %dma_start3A_67 = tpu.memref_slice %arg21[%dma_start3A_65, %dma_start3A_66] : memref<10240x128xi32, #tpu.memory_space<vmem_shared>> -> memref<10240x128xi32, #tpu.memory_space<vmem_shared>>
        tpu.enqueue_indirect_dma source(%dma_start3A_67 : memref<10240x128xi32, #tpu.memory_space<vmem_shared>>) target(%arg19 : memref<32x128xi32, #tpu.memory_space<vmem>>) offsets(%dma_start3A_64 : memref<32xi32, #tpu.memory_space<vmem>>) semaphore(%arg25 : memref<!tpu.dma_semaphore, #tpu.memory_space<semaphore_mem>>)
        %dma_wait3A = arith.constant 0 : i32
        %dma_wait3A_68 = tpu.memref_slice %arg10[%mul3A_53, %dma_wait3A] : memref<16x32xi32, #tpu.memory_space<vmem>> -> memref<1x32xi32, #tpu.memory_space<vmem>>
        %dma_wait3A_69 = tpu.memref_squeeze %dma_wait3A_68 : memref<1x32xi32, #tpu.memory_space<vmem>> -> memref<32xi32, #tpu.memory_space<vmem>>
        %dma_wait3A_70 = arith.constant 0 : i32
        %dma_wait3A_71 = arith.constant 0 : i32
        %dma_wait3A_72 = tpu.memref_slice %arg21[%dma_wait3A_70, %dma_wait3A_71] : memref<10240x128xi32, #tpu.memory_space<vmem_shared>> -> memref<10240x128xi32, #tpu.memory_space<vmem_shared>>
        tpu.wait_indirect_dma semaphore(%arg22 : memref<!tpu.dma_semaphore, #tpu.memory_space<semaphore_mem>>) src(%dma_wait3A_72 : memref<10240x128xi32, #tpu.memory_space<vmem_shared>>) dst(%arg16 : memref<32x128xi32, #tpu.memory_space<vmem>>)
        %dma_wait3A_73 = arith.constant 0 : i32
        %dma_wait3A_74 = tpu.memref_slice %arg11[%mul3A_53, %dma_wait3A_73] : memref<16x32xi32, #tpu.memory_space<vmem>> -> memref<1x32xi32, #tpu.memory_space<vmem>>
        %dma_wait3A_75 = tpu.memref_squeeze %dma_wait3A_74 : memref<1x32xi32, #tpu.memory_space<vmem>> -> memref<32xi32, #tpu.memory_space<vmem>>
        %dma_wait3A_76 = arith.constant 0 : i32
        %dma_wait3A_77 = arith.constant 0 : i32
        %dma_wait3A_78 = tpu.memref_slice %arg21[%dma_wait3A_76, %dma_wait3A_77] : memref<10240x128xi32, #tpu.memory_space<vmem_shared>> -> memref<10240x128xi32, #tpu.memory_space<vmem_shared>>
        tpu.wait_indirect_dma semaphore(%arg24 : memref<!tpu.dma_semaphore, #tpu.memory_space<semaphore_mem>>) src(%dma_wait3A_78 : memref<10240x128xi32, #tpu.memory_space<vmem_shared>>) dst(%arg18 : memref<32x128xi32, #tpu.memory_space<vmem>>)
        %mul3A_79 = arith.constant 32 : i32
        %mul3A_80 = arith.muli %mul3A_53, %mul3A_79 : i32
        %add3A_81 = arith.constant 0 : i32
        %add3A_82 = arith.addi %mul3A_80, %add3A_81 : i32
        %get3A_83 = arith.index_cast %add3A_82 : i32 to index
        %get3A_84 = tpu.vector_load %arg12[%get3A_83] {strides = array<i32>} : memref<512xf32, #tpu.memory_space<vmem>>, vector<16xf32>,
        %add3A_85 = arith.constant 0 : i32
        %add3A_86 = arith.addi %mul3A_80, %add3A_85 : i32
        %get3A_87 = arith.index_cast %add3A_86 : i32 to index
        %get3A_88 = tpu.vector_load %arg13[%get3A_87] {strides = array<i32>} : memref<512xf32, #tpu.memory_space<vmem>>, vector<16xf32>,
        %pack3A = tpu.pack_subelements %get3A_84, %get3A_84 {pack_format = #tpu.pack_format<interleaved>, positions = array<i32: 0, 1>} : vector<16xf32>, vector<16xf32> -> vector<32xbf16>
        %pack3A_89 = tpu.pack_subelements %get3A_88, %get3A_88 {pack_format = #tpu.pack_format<interleaved>, positions = array<i32: 0, 1>} : vector<16xf32>, vector<16xf32> -> vector<32xbf16>
        %add3A_90 = arith.constant 16 : i32
        %add3A_91 = arith.addi %mul3A_80, %add3A_90 : i32
        %get3A_92 = arith.index_cast %add3A_91 : i32 to index
        %get3A_93 = tpu.vector_load %arg12[%get3A_92] {strides = array<i32>} : memref<512xf32, #tpu.memory_space<vmem>>, vector<16xf32>,
        %add3A_94 = arith.constant 16 : i32
        %add3A_95 = arith.addi %mul3A_80, %add3A_94 : i32
        %get3A_96 = arith.index_cast %add3A_95 : i32 to index
        %get3A_97 = tpu.vector_load %arg13[%get3A_96] {strides = array<i32>} : memref<512xf32, #tpu.memory_space<vmem>>, vector<16xf32>,
        %pack3A_98 = tpu.pack_subelements %get3A_93, %get3A_93 {pack_format = #tpu.pack_format<interleaved>, positions = array<i32: 0, 1>} : vector<16xf32>, vector<16xf32> -> vector<32xbf16>
        %pack3A_99 = tpu.pack_subelements %get3A_97, %get3A_97 {pack_format = #tpu.pack_format<interleaved>, positions = array<i32: 0, 1>} : vector<16xf32>, vector<16xf32> -> vector<32xbf16>
        %scan3A_100 = arith.constant 0 : i32
        %scan3A_101 = arith.constant 64 : i32
        %scan3A_102 = arith.addi %scan3A_100, %scan3A_101 : i32
        %scan3A_103 = arith.constant 1 : i32
        %scan3A_104:4 = scf.for %scan3A_176 = %scan3A_100 to %scan3A_102 step %scan3A_103 iter_args(%scan3A_177 = %broadcast_in_dim3A_6, %scan3A_178 = %broadcast_in_dim3A_6, %scan3A_179 = %broadcast_in_dim3A_6, %scan3A_180 = %broadcast_in_dim3A_6) -> (vector<16xf32>, vector<16xf32>, vector<16xf32>, vector<16xf32>)  : i32 {
          %get3A_181 = arith.constant 0 : i32
          %get3A_182 = arith.index_cast %get3A_181 : i32 to index
          %get3A_183 = arith.index_cast %scan3A_176 : i32 to index
          %get3A_184 = arith.constant 0 : index
          %get3A_185 = tpu.vector_load %arg14[%get3A_182, %get3A_183, %get3A_184] {strides = array<i32>} : memref<3x64x16xi32, #tpu.memory_space<vmem>>, vector<16xi32>,
          %bitcast3A = vector.bitcast %get3A_185 : vector<16xi32> to vector<32xbf16>
          %get3A_186 = arith.constant 1 : i32
          %get3A_187 = arith.index_cast %get3A_186 : i32 to index
          %get3A_188 = arith.index_cast %scan3A_176 : i32 to index
          %get3A_189 = arith.constant 0 : index
          %get3A_190 = tpu.vector_load %arg14[%get3A_187, %get3A_188, %get3A_189] {strides = array<i32>} : memref<3x64x16xi32, #tpu.memory_space<vmem>>, vector<16xi32>,
          %bitcast3A_191 = vector.bitcast %get3A_190 : vector<16xi32> to vector<32xbf16>
          %get3A_192 = arith.constant 2 : i32
          %get3A_193 = arith.index_cast %get3A_192 : i32 to index
          %get3A_194 = arith.index_cast %scan3A_176 : i32 to index
          %get3A_195 = arith.constant 0 : index
          %get3A_196 = tpu.vector_load %arg14[%get3A_193, %get3A_194, %get3A_195] {strides = array<i32>} : memref<3x64x16xi32, #tpu.memory_space<vmem>>, vector<16xi32>,
          %bitcast3A_197 = vector.bitcast %get3A_196 : vector<16xi32> to vector<32xbf16>
          %broadcast_in_dim3A_198 = vector.broadcast %scan3A_176 : i32 to vector<16xi32>
          %add3A_199 = arith.constant 64 : i32
          %add3A_200 = vector.broadcast %add3A_199 : i32 to vector<16xi32>
          %add3A_201 = arith.addi %broadcast_in_dim3A_198, %add3A_200 : vector<16xi32>
          %add3A_202 = arith.constant 0 : i32
          %add3A_203 = vector.broadcast %add3A_202 : i32 to vector<16xi32>
          %add3A_204 = arith.addi %iota3A, %add3A_203 : vector<16xi32>
          %gather3A = tpu.vector_load_idx %arg16[%add3A_204, %broadcast_in_dim3A_198] : memref<32x128xi32, #tpu.memory_space<vmem>>[vector<16xi32>, vector<16xi32>], vector<16xi32>,
          %bitcast3A_205 = vector.bitcast %gather3A : vector<16xi32> to vector<32xbf16>
          %gather3A_206 = tpu.vector_load_idx %arg18[%add3A_204, %add3A_201] : memref<32x128xi32, #tpu.memory_space<vmem>>[vector<16xi32>, vector<16xi32>], vector<16xi32>,
          %bitcast3A_207 = vector.bitcast %gather3A_206 : vector<16xi32> to vector<32xbf16>
          %add3A_208 = arith.addf %bitcast3A_205, %bitcast3A_207 : vector<32xbf16>
          %mul3A_209 = arith.mulf %pack3A, %bitcast3A : vector<32xbf16>
          %add3A_210 = arith.addf %add3A_208, %mul3A_209 : vector<32xbf16>
          %mul3A_211 = arith.mulf %pack3A_89, %bitcast3A_191 : vector<32xbf16>
          %add3A_212 = arith.addf %add3A_210, %mul3A_211 : vector<32xbf16>
          %max3A = arith.maximumf %add3A_212, %broadcast_in_dim3A_8 : vector<32xbf16>
          %mul3A_213 = arith.mulf %max3A, %bitcast3A_197 : vector<32xbf16>
          %unpack3A = tpu.unpack_subelements %mul3A_213, 0 {pack_format = #tpu.pack_format<interleaved>} : vector<32xbf16> -> vector<16xf32>
          %unpack3A_214 = tpu.unpack_subelements %mul3A_213, 1 {pack_format = #tpu.pack_format<interleaved>} : vector<32xbf16> -> vector<16xf32>
          %add3A_215 = arith.addf %scan3A_177, %unpack3A : vector<16xf32>
          %add3A_216 = arith.addf %scan3A_178, %unpack3A_214 : vector<16xf32>
          %add3A_217 = arith.constant 16 : i32
          %add3A_218 = vector.broadcast %add3A_217 : i32 to vector<16xi32>
          %add3A_219 = arith.addi %iota3A, %add3A_218 : vector<16xi32>
          %gather3A_220 = tpu.vector_load_idx %arg16[%add3A_219, %broadcast_in_dim3A_198] : memref<32x128xi32, #tpu.memory_space<vmem>>[vector<16xi32>, vector<16xi32>], vector<16xi32>,
          %bitcast3A_221 = vector.bitcast %gather3A_220 : vector<16xi32> to vector<32xbf16>
          %gather3A_222 = tpu.vector_load_idx %arg18[%add3A_219, %add3A_201] : memref<32x128xi32, #tpu.memory_space<vmem>>[vector<16xi32>, vector<16xi32>], vector<16xi32>,
          %bitcast3A_223 = vector.bitcast %gather3A_222 : vector<16xi32> to vector<32xbf16>
          %add3A_224 = arith.addf %bitcast3A_221, %bitcast3A_223 : vector<32xbf16>
          %mul3A_225 = arith.mulf %pack3A_98, %bitcast3A : vector<32xbf16>
          %add3A_226 = arith.addf %add3A_224, %mul3A_225 : vector<32xbf16>
          %mul3A_227 = arith.mulf %pack3A_99, %bitcast3A_191 : vector<32xbf16>
          %add3A_228 = arith.addf %add3A_226, %mul3A_227 : vector<32xbf16>
          %max3A_229 = arith.maximumf %add3A_228, %broadcast_in_dim3A_8 : vector<32xbf16>
          %mul3A_230 = arith.mulf %max3A_229, %bitcast3A_197 : vector<32xbf16>
          %unpack3A_231 = tpu.unpack_subelements %mul3A_230, 0 {pack_format = #tpu.pack_format<interleaved>} : vector<32xbf16> -> vector<16xf32>
          %unpack3A_232 = tpu.unpack_subelements %mul3A_230, 1 {pack_format = #tpu.pack_format<interleaved>} : vector<32xbf16> -> vector<16xf32>
          %add3A_233 = arith.addf %scan3A_179, %unpack3A_231 : vector<16xf32>
          %add3A_234 = arith.addf %scan3A_180, %unpack3A_232 : vector<16xf32>
          scf.yield %add3A_215, %add3A_216, %add3A_233, %add3A_234 : vector<16xf32>, vector<16xf32>, vector<16xf32>, vector<16xf32>
        }
        %scan3A_105 = arith.constant 64 : i32
        %add3A_106 = arith.addf %scan3A_104#0, %scan3A_104#1 : vector<16xf32>
        %add3A_107 = arith.addf %add3A_106, %get3A_5 : vector<16xf32>
        %add3A_108 = arith.constant 0 : i32
        %add3A_109 = arith.addi %mul3A_80, %add3A_108 : i32
        %swap3A = arith.index_cast %add3A_109 : i32 to index
        %swap3A_110 = tpu.vector_load %arg20[%swap3A] {strides = array<i32>} : memref<512xf32, #tpu.memory_space<vmem>>, vector<16xf32>,
        tpu.vector_store %arg20[%swap3A], %add3A_107 {strides = array<i32>} : memref<512xf32, #tpu.memory_space<vmem>>, vector<16xf32>,
        %add3A_111 = arith.addf %scan3A_104#2, %scan3A_104#3 : vector<16xf32>
        %add3A_112 = arith.addf %add3A_111, %get3A_5 : vector<16xf32>
        %add3A_113 = arith.constant 16 : i32
        %add3A_114 = arith.addi %mul3A_80, %add3A_113 : i32
        %swap3A_115 = arith.index_cast %add3A_114 : i32 to index
        %swap3A_116 = tpu.vector_load %arg20[%swap3A_115] {strides = array<i32>} : memref<512xf32, #tpu.memory_space<vmem>>, vector<16xf32>,
        tpu.vector_store %arg20[%swap3A_115], %add3A_112 {strides = array<i32>} : memref<512xf32, #tpu.memory_space<vmem>>, vector<16xf32>,
        %lt3A = arith.constant 7 : i32
        %lt3A_117 = arith.cmpi slt, %scan3A_50, %lt3A : i32
        %convert_element_type3A = arith.extui %lt3A_117 : i1 to i32
        %cond3A = arith.constant 0 : i32
        %cond3A_118 = arith.cmpi ne, %convert_element_type3A, %cond3A : i32
        scf.if %cond3A_118 {
          %add3A_176 = arith.constant 2 : i32
          %add3A_177 = arith.addi %mul3A_53, %add3A_176 : i32
          %dma_start3A_178 = arith.constant 0 : i32
          %dma_start3A_179 = tpu.memref_slice %arg10[%add3A_177, %dma_start3A_178] : memref<16x32xi32, #tpu.memory_space<vmem>> -> memref<1x32xi32, #tpu.memory_space<vmem>>
          %dma_start3A_180 = tpu.memref_squeeze %dma_start3A_179 : memref<1x32xi32, #tpu.memory_space<vmem>> -> memref<32xi32, #tpu.memory_space<vmem>>
          %dma_start3A_181 = arith.constant 0 : i32
          %dma_start3A_182 = arith.constant 0 : i32
          %dma_start3A_183 = tpu.memref_slice %arg21[%dma_start3A_181, %dma_start3A_182] : memref<10240x128xi32, #tpu.memory_space<vmem_shared>> -> memref<10240x128xi32, #tpu.memory_space<vmem_shared>>
          tpu.enqueue_indirect_dma source(%dma_start3A_183 : memref<10240x128xi32, #tpu.memory_space<vmem_shared>>) target(%arg16 : memref<32x128xi32, #tpu.memory_space<vmem>>) offsets(%dma_start3A_180 : memref<32xi32, #tpu.memory_space<vmem>>) semaphore(%arg22 : memref<!tpu.dma_semaphore, #tpu.memory_space<semaphore_mem>>)
          %dma_start3A_184 = arith.constant 0 : i32
          %dma_start3A_185 = tpu.memref_slice %arg11[%add3A_177, %dma_start3A_184] : memref<16x32xi32, #tpu.memory_space<vmem>> -> memref<1x32xi32, #tpu.memory_space<vmem>>
          %dma_start3A_186 = tpu.memref_squeeze %dma_start3A_185 : memref<1x32xi32, #tpu.memory_space<vmem>> -> memref<32xi32, #tpu.memory_space<vmem>>
          %dma_start3A_187 = arith.constant 0 : i32
          %dma_start3A_188 = arith.constant 0 : i32
          %dma_start3A_189 = tpu.memref_slice %arg21[%dma_start3A_187, %dma_start3A_188] : memref<10240x128xi32, #tpu.memory_space<vmem_shared>> -> memref<10240x128xi32, #tpu.memory_space<vmem_shared>>
          tpu.enqueue_indirect_dma source(%dma_start3A_189 : memref<10240x128xi32, #tpu.memory_space<vmem_shared>>) target(%arg18 : memref<32x128xi32, #tpu.memory_space<vmem>>) offsets(%dma_start3A_186 : memref<32xi32, #tpu.memory_space<vmem>>) semaphore(%arg24 : memref<!tpu.dma_semaphore, #tpu.memory_space<semaphore_mem>>)
        } else {
        }
        %add3A_119 = arith.constant 1 : i32
        %add3A_120 = arith.addi %mul3A_53, %add3A_119 : i32
        %dma_wait3A_121 = arith.constant 0 : i32
        %dma_wait3A_122 = tpu.memref_slice %arg10[%add3A_120, %dma_wait3A_121] : memref<16x32xi32, #tpu.memory_space<vmem>> -> memref<1x32xi32, #tpu.memory_space<vmem>>
        %dma_wait3A_123 = tpu.memref_squeeze %dma_wait3A_122 : memref<1x32xi32, #tpu.memory_space<vmem>> -> memref<32xi32, #tpu.memory_space<vmem>>
        %dma_wait3A_124 = arith.constant 0 : i32
        %dma_wait3A_125 = arith.constant 0 : i32
        %dma_wait3A_126 = tpu.memref_slice %arg21[%dma_wait3A_124, %dma_wait3A_125] : memref<10240x128xi32, #tpu.memory_space<vmem_shared>> -> memref<10240x128xi32, #tpu.memory_space<vmem_shared>>
        tpu.wait_indirect_dma semaphore(%arg23 : memref<!tpu.dma_semaphore, #tpu.memory_space<semaphore_mem>>) src(%dma_wait3A_126 : memref<10240x128xi32, #tpu.memory_space<vmem_shared>>) dst(%arg17 : memref<32x128xi32, #tpu.memory_space<vmem>>)
        %dma_wait3A_127 = arith.constant 0 : i32
        %dma_wait3A_128 = tpu.memref_slice %arg11[%add3A_120, %dma_wait3A_127] : memref<16x32xi32, #tpu.memory_space<vmem>> -> memref<1x32xi32, #tpu.memory_space<vmem>>
        %dma_wait3A_129 = tpu.memref_squeeze %dma_wait3A_128 : memref<1x32xi32, #tpu.memory_space<vmem>> -> memref<32xi32, #tpu.memory_space<vmem>>
        %dma_wait3A_130 = arith.constant 0 : i32
        %dma_wait3A_131 = arith.constant 0 : i32
        %dma_wait3A_132 = tpu.memref_slice %arg21[%dma_wait3A_130, %dma_wait3A_131] : memref<10240x128xi32, #tpu.memory_space<vmem_shared>> -> memref<10240x128xi32, #tpu.memory_space<vmem_shared>>
        tpu.wait_indirect_dma semaphore(%arg25 : memref<!tpu.dma_semaphore, #tpu.memory_space<semaphore_mem>>) src(%dma_wait3A_132 : memref<10240x128xi32, #tpu.memory_space<vmem_shared>>) dst(%arg19 : memref<32x128xi32, #tpu.memory_space<vmem>>)
        %add3A_133 = arith.constant 1 : i32
        %add3A_134 = arith.addi %mul3A_53, %add3A_133 : i32
        %mul3A_135 = arith.constant 32 : i32
        %mul3A_136 = arith.muli %add3A_134, %mul3A_135 : i32
        %add3A_137 = arith.constant 0 : i32
        %add3A_138 = arith.addi %mul3A_136, %add3A_137 : i32
        %get3A_139 = arith.index_cast %add3A_138 : i32 to index
        %get3A_140 = tpu.vector_load %arg12[%get3A_139] {strides = array<i32>} : memref<512xf32, #tpu.memory_space<vmem>>, vector<16xf32>,
        %add3A_141 = arith.constant 0 : i32
        %add3A_142 = arith.addi %mul3A_136, %add3A_141 : i32
        %get3A_143 = arith.index_cast %add3A_142 : i32 to index
        %get3A_144 = tpu.vector_load %arg13[%get3A_143] {strides = array<i32>} : memref<512xf32, #tpu.memory_space<vmem>>, vector<16xf32>,
        %pack3A_145 = tpu.pack_subelements %get3A_140, %get3A_140 {pack_format = #tpu.pack_format<interleaved>, positions = array<i32: 0, 1>} : vector<16xf32>, vector<16xf32> -> vector<32xbf16>
        %pack3A_146 = tpu.pack_subelements %get3A_144, %get3A_144 {pack_format = #tpu.pack_format<interleaved>, positions = array<i32: 0, 1>} : vector<16xf32>, vector<16xf32> -> vector<32xbf16>
        %add3A_147 = arith.constant 16 : i32
        %add3A_148 = arith.addi %mul3A_136, %add3A_147 : i32
        %get3A_149 = arith.index_cast %add3A_148 : i32 to index
        %get3A_150 = tpu.vector_load %arg12[%get3A_149] {strides = array<i32>} : memref<512xf32, #tpu.memory_space<vmem>>, vector<16xf32>,
        %add3A_151 = arith.constant 16 : i32
        %add3A_152 = arith.addi %mul3A_136, %add3A_151 : i32
        %get3A_153 = arith.index_cast %add3A_152 : i32 to index
        %get3A_154 = tpu.vector_load %arg13[%get3A_153] {strides = array<i32>} : memref<512xf32, #tpu.memory_space<vmem>>, vector<16xf32>,
        %pack3A_155 = tpu.pack_subelements %get3A_150, %get3A_150 {pack_format = #tpu.pack_format<interleaved>, positions = array<i32: 0, 1>} : vector<16xf32>, vector<16xf32> -> vector<32xbf16>
        %pack3A_156 = tpu.pack_subelements %get3A_154, %get3A_154 {pack_format = #tpu.pack_format<interleaved>, positions = array<i32: 0, 1>} : vector<16xf32>, vector<16xf32> -> vector<32xbf16>
        %scan3A_157 = arith.constant 0 : i32
        %scan3A_158 = arith.constant 64 : i32
        %scan3A_159 = arith.addi %scan3A_157, %scan3A_158 : i32
        %scan3A_160 = arith.constant 1 : i32
        %scan3A_161:4 = scf.for %scan3A_176 = %scan3A_157 to %scan3A_159 step %scan3A_160 iter_args(%scan3A_177 = %broadcast_in_dim3A_6, %scan3A_178 = %broadcast_in_dim3A_6, %scan3A_179 = %broadcast_in_dim3A_6, %scan3A_180 = %broadcast_in_dim3A_6) -> (vector<16xf32>, vector<16xf32>, vector<16xf32>, vector<16xf32>)  : i32 {
          %get3A_181 = arith.constant 0 : i32
          %get3A_182 = arith.index_cast %get3A_181 : i32 to index
          %get3A_183 = arith.index_cast %scan3A_176 : i32 to index
          %get3A_184 = arith.constant 0 : index
          %get3A_185 = tpu.vector_load %arg14[%get3A_182, %get3A_183, %get3A_184] {strides = array<i32>} : memref<3x64x16xi32, #tpu.memory_space<vmem>>, vector<16xi32>,
          %bitcast3A = vector.bitcast %get3A_185 : vector<16xi32> to vector<32xbf16>
          %get3A_186 = arith.constant 1 : i32
          %get3A_187 = arith.index_cast %get3A_186 : i32 to index
          %get3A_188 = arith.index_cast %scan3A_176 : i32 to index
          %get3A_189 = arith.constant 0 : index
          %get3A_190 = tpu.vector_load %arg14[%get3A_187, %get3A_188, %get3A_189] {strides = array<i32>} : memref<3x64x16xi32, #tpu.memory_space<vmem>>, vector<16xi32>,
          %bitcast3A_191 = vector.bitcast %get3A_190 : vector<16xi32> to vector<32xbf16>
          %get3A_192 = arith.constant 2 : i32
          %get3A_193 = arith.index_cast %get3A_192 : i32 to index
          %get3A_194 = arith.index_cast %scan3A_176 : i32 to index
          %get3A_195 = arith.constant 0 : index
          %get3A_196 = tpu.vector_load %arg14[%get3A_193, %get3A_194, %get3A_195] {strides = array<i32>} : memref<3x64x16xi32, #tpu.memory_space<vmem>>, vector<16xi32>,
          %bitcast3A_197 = vector.bitcast %get3A_196 : vector<16xi32> to vector<32xbf16>
          %broadcast_in_dim3A_198 = vector.broadcast %scan3A_176 : i32 to vector<16xi32>
          %add3A_199 = arith.constant 64 : i32
          %add3A_200 = vector.broadcast %add3A_199 : i32 to vector<16xi32>
          %add3A_201 = arith.addi %broadcast_in_dim3A_198, %add3A_200 : vector<16xi32>
          %add3A_202 = arith.constant 0 : i32
          %add3A_203 = vector.broadcast %add3A_202 : i32 to vector<16xi32>
          %add3A_204 = arith.addi %iota3A, %add3A_203 : vector<16xi32>
          %gather3A = tpu.vector_load_idx %arg17[%add3A_204, %broadcast_in_dim3A_198] : memref<32x128xi32, #tpu.memory_space<vmem>>[vector<16xi32>, vector<16xi32>], vector<16xi32>,
          %bitcast3A_205 = vector.bitcast %gather3A : vector<16xi32> to vector<32xbf16>
          %gather3A_206 = tpu.vector_load_idx %arg19[%add3A_204, %add3A_201] : memref<32x128xi32, #tpu.memory_space<vmem>>[vector<16xi32>, vector<16xi32>], vector<16xi32>,
          %bitcast3A_207 = vector.bitcast %gather3A_206 : vector<16xi32> to vector<32xbf16>
          %add3A_208 = arith.addf %bitcast3A_205, %bitcast3A_207 : vector<32xbf16>
          %mul3A_209 = arith.mulf %pack3A_145, %bitcast3A : vector<32xbf16>
          %add3A_210 = arith.addf %add3A_208, %mul3A_209 : vector<32xbf16>
          %mul3A_211 = arith.mulf %pack3A_146, %bitcast3A_191 : vector<32xbf16>
          %add3A_212 = arith.addf %add3A_210, %mul3A_211 : vector<32xbf16>
          %max3A = arith.maximumf %add3A_212, %broadcast_in_dim3A_8 : vector<32xbf16>
          %mul3A_213 = arith.mulf %max3A, %bitcast3A_197 : vector<32xbf16>
          %unpack3A = tpu.unpack_subelements %mul3A_213, 0 {pack_format = #tpu.pack_format<interleaved>} : vector<32xbf16> -> vector<16xf32>
          %unpack3A_214 = tpu.unpack_subelements %mul3A_213, 1 {pack_format = #tpu.pack_format<interleaved>} : vector<32xbf16> -> vector<16xf32>
          %add3A_215 = arith.addf %scan3A_177, %unpack3A : vector<16xf32>
          %add3A_216 = arith.addf %scan3A_178, %unpack3A_214 : vector<16xf32>
          %add3A_217 = arith.constant 16 : i32
          %add3A_218 = vector.broadcast %add3A_217 : i32 to vector<16xi32>
          %add3A_219 = arith.addi %iota3A, %add3A_218 : vector<16xi32>
          %gather3A_220 = tpu.vector_load_idx %arg17[%add3A_219, %broadcast_in_dim3A_198] : memref<32x128xi32, #tpu.memory_space<vmem>>[vector<16xi32>, vector<16xi32>], vector<16xi32>,
          %bitcast3A_221 = vector.bitcast %gather3A_220 : vector<16xi32> to vector<32xbf16>
          %gather3A_222 = tpu.vector_load_idx %arg19[%add3A_219, %add3A_201] : memref<32x128xi32, #tpu.memory_space<vmem>>[vector<16xi32>, vector<16xi32>], vector<16xi32>,
          %bitcast3A_223 = vector.bitcast %gather3A_222 : vector<16xi32> to vector<32xbf16>
          %add3A_224 = arith.addf %bitcast3A_221, %bitcast3A_223 : vector<32xbf16>
          %mul3A_225 = arith.mulf %pack3A_155, %bitcast3A : vector<32xbf16>
          %add3A_226 = arith.addf %add3A_224, %mul3A_225 : vector<32xbf16>
          %mul3A_227 = arith.mulf %pack3A_156, %bitcast3A_191 : vector<32xbf16>
          %add3A_228 = arith.addf %add3A_226, %mul3A_227 : vector<32xbf16>
          %max3A_229 = arith.maximumf %add3A_228, %broadcast_in_dim3A_8 : vector<32xbf16>
          %mul3A_230 = arith.mulf %max3A_229, %bitcast3A_197 : vector<32xbf16>
          %unpack3A_231 = tpu.unpack_subelements %mul3A_230, 0 {pack_format = #tpu.pack_format<interleaved>} : vector<32xbf16> -> vector<16xf32>
          %unpack3A_232 = tpu.unpack_subelements %mul3A_230, 1 {pack_format = #tpu.pack_format<interleaved>} : vector<32xbf16> -> vector<16xf32>
          %add3A_233 = arith.addf %scan3A_179, %unpack3A_231 : vector<16xf32>
          %add3A_234 = arith.addf %scan3A_180, %unpack3A_232 : vector<16xf32>
          scf.yield %add3A_215, %add3A_216, %add3A_233, %add3A_234 : vector<16xf32>, vector<16xf32>, vector<16xf32>, vector<16xf32>
        }
        %scan3A_162 = arith.constant 64 : i32
        %add3A_163 = arith.addf %scan3A_161#0, %scan3A_161#1 : vector<16xf32>
        %add3A_164 = arith.addf %add3A_163, %get3A_5 : vector<16xf32>
        %add3A_165 = arith.constant 0 : i32
        %add3A_166 = arith.addi %mul3A_136, %add3A_165 : i32
        %swap3A_167 = arith.index_cast %add3A_166 : i32 to index
        %swap3A_168 = tpu.vector_load %arg20[%swap3A_167] {strides = array<i32>} : memref<512xf32, #tpu.memory_space<vmem>>, vector<16xf32>,
        tpu.vector_store %arg20[%swap3A_167], %add3A_164 {strides = array<i32>} : memref<512xf32, #tpu.memory_space<vmem>>, vector<16xf32>,
        %add3A_169 = arith.addf %scan3A_161#2, %scan3A_161#3 : vector<16xf32>
        %add3A_170 = arith.addf %add3A_169, %get3A_5 : vector<16xf32>
        %add3A_171 = arith.constant 16 : i32
        %add3A_172 = arith.addi %mul3A_136, %add3A_171 : i32
        %swap3A_173 = arith.index_cast %add3A_172 : i32 to index
        %swap3A_174 = tpu.vector_load %arg20[%swap3A_173] {strides = array<i32>} : memref<512xf32, #tpu.memory_space<vmem>>, vector<16xf32>,
        tpu.vector_store %arg20[%swap3A_173], %add3A_170 {strides = array<i32>} : memref<512xf32, #tpu.memory_space<vmem>>, vector<16xf32>,
        %scan3A_175 = arith.constant 0 : i32
        scf.yield %scan3A_175 : i32
      }
      %scan3A_48 = arith.constant 8 : i32
      "tpu.region"() ({
        %run_scoped3A = tpu.sem_alloc : memref<!tpu.dma_semaphore, #tpu.memory_space<semaphore_mem>>
        %dma_start3A_50 = tpu.memref_slice %arg9[%multiple_of3A_28] : memref<327680xf32, #tpu.memory_space<hbm>> -> memref<512xf32, #tpu.memory_space<hbm>>
        %dma_start3A_51 = tpu.memref_slice %arg9[%multiple_of3A_28] : memref<327680xf32, #tpu.memory_space<hbm>> -> memref<512xf32, #tpu.memory_space<hbm>>
        tpu.enqueue_dma source(%arg20 : memref<512xf32, #tpu.memory_space<vmem>>) target(%dma_start3A_51 : memref<512xf32, #tpu.memory_space<hbm>>) target_semaphore(%run_scoped3A : memref<!tpu.dma_semaphore, #tpu.memory_space<semaphore_mem>>)
        %dma_wait3A = tpu.memref_slice %arg9[%multiple_of3A_28] : memref<327680xf32, #tpu.memory_space<hbm>> -> memref<512xf32, #tpu.memory_space<hbm>>
        %dma_wait3A_52 = tpu.memref_slice %arg9[%multiple_of3A_28] : memref<327680xf32, #tpu.memory_space<hbm>> -> memref<512xf32, #tpu.memory_space<hbm>>
        tpu.wait_dma2 semaphore(%run_scoped3A : memref<!tpu.dma_semaphore, #tpu.memory_space<semaphore_mem>>) src(%arg20 : memref<512xf32, #tpu.memory_space<vmem>>) dst(%dma_wait3A_52 : memref<512xf32, #tpu.memory_space<hbm>>)
        tpu.yield
      }) : () -> ()
      %scan3A_49 = arith.constant 0 : i32
      scf.yield %scan3A_49 : i32
    }
    %scan3A_14 = arith.constant 20 : i32
    return
  }
}

module attributes {stable_mosaic.version = 14 : i64} {
  func.func @_tc_b_body(%arg0: i32, %arg1: memref<2x2048x128xf32, #tpu.memory_space<vmem>>, %arg2: memref<2048x128xf32, #tpu.memory_space<vmem>>, %arg3: memref<2048x1xf32, #tpu.memory_space<vmem>>, %arg4: memref<128x256xf32, #tpu.memory_space<vmem>>, %arg5: memref<1x256xf32, #tpu.memory_space<vmem>>, %arg6: memref<256x128xf32, #tpu.memory_space<vmem>>, %arg7: memref<2048x128xf32, #tpu.memory_space<vmem>>, %arg8: memref<2048x128xf32, #tpu.memory_space<vmem>>) attributes {dimension_semantics = [#tpu.dimension_semantics<arbitrary>], iteration_bounds = array<i64: 5>, scalar_prefetch = 0 : i64, scratch_operands = 0 : i64, tpu.core_type = #tpu.core_type<tc>, window_params = [{transform_indices = @transform_0, window_bounds = array<i64: 2, 2048, 128>}, {transform_indices = @transform_1, window_bounds = array<i64: 2048, 128>}, {transform_indices = @transform_2, window_bounds = array<i64: 2048, 1>}, {pipeline_mode = #tpu.pipeline_mode<synchronous>, transform_indices = @transform_3, window_bounds = array<i64: 128, 256>}, {pipeline_mode = #tpu.pipeline_mode<synchronous>, transform_indices = @transform_4, window_bounds = array<i64: 1, 256>}, {pipeline_mode = #tpu.pipeline_mode<synchronous>, transform_indices = @transform_5, window_bounds = array<i64: 256, 128>}, {transform_indices = @transform_6, window_bounds = array<i64: 2048, 128>}, {transform_indices = @transform_7, window_bounds = array<i64: 2048, 128>}]} {
    %get3A = arith.constant 0 : index
    %get3A_0 = arith.constant 0 : index
    %get3A_1 = vector.load %arg3[%get3A, %get3A_0] : memref<2048x1xf32, #tpu.memory_space<vmem>>, vector<2048x1xf32>
    %get3A_2 = arith.constant 0 : index
    %get3A_3 = arith.constant 0 : index
    %get3A_4 = arith.constant 0 : index
    %get3A_5 = vector.load %arg1[%get3A_2, %get3A_3, %get3A_4] : memref<2x2048x128xf32, #tpu.memory_space<vmem>>, vector<1x2048x128xf32>
    %get3A_6 = vector.shape_cast %get3A_5 : vector<1x2048x128xf32> to vector<2048x128xf32>
    %get3A_7 = arith.constant 1 : index
    %get3A_8 = arith.constant 0 : index
    %get3A_9 = arith.constant 0 : index
    %get3A_10 = vector.load %arg1[%get3A_7, %get3A_8, %get3A_9] : memref<2x2048x128xf32, #tpu.memory_space<vmem>>, vector<1x2048x128xf32>
    %get3A_11 = vector.shape_cast %get3A_10 : vector<1x2048x128xf32> to vector<2048x128xf32>
    %add3A = arith.addf %get3A_6, %get3A_11 : vector<2048x128xf32>
    %mul3A = vector.broadcast %get3A_1 : vector<2048x1xf32> to vector<2048x128xf32>
    %mul3A_12 = arith.mulf %mul3A, %add3A : vector<2048x128xf32>
    %mul3A_13 = arith.mulf %get3A_1, %get3A_1 : vector<2048x1xf32>
    %get3A_14 = arith.constant 0 : index
    %get3A_15 = arith.constant 0 : index
    %get3A_16 = vector.load %arg2[%get3A_14, %get3A_15] : memref<2048x128xf32, #tpu.memory_space<vmem>>, vector<2048x128xf32>
    %mul3A_17 = vector.broadcast %mul3A_13 : vector<2048x1xf32> to vector<2048x128xf32>
    %mul3A_18 = arith.mulf %mul3A_17, %get3A_16 : vector<2048x128xf32>
    %add3A_19 = arith.addf %mul3A_12, %mul3A_18 : vector<2048x128xf32>
    %get3A_20 = arith.constant 0 : index
    %get3A_21 = arith.constant 0 : index
    %get3A_22 = vector.load %arg4[%get3A_20, %get3A_21] : memref<128x256xf32, #tpu.memory_space<vmem>>, vector<128x256xf32>
    %dot_general3A = arith.constant dense<0.000000e+00> : vector<2048x256xf32>
    %dot_general3A_23 = tpu.matmul %add3A_19, %get3A_22, %dot_general3A {dimension_numbers = #tpu.dot_dimension_numbers<[1], [0], [0], [1], [0, 0, 1, 1], [], []>, transpose_lhs_hint = false} : vector<2048x128xf32>, vector<128x256xf32>, vector<2048x256xf32> -> vector<2048x256xf32>
    %get3A_24 = arith.constant 0 : index
    %get3A_25 = arith.constant 0 : index
    %get3A_26 = vector.load %arg5[%get3A_24, %get3A_25] : memref<1x256xf32, #tpu.memory_space<vmem>>, vector<1x256xf32>
    %add3A_27 = vector.broadcast %get3A_26 : vector<1x256xf32> to vector<2048x256xf32>
    %add3A_28 = arith.addf %dot_general3A_23, %add3A_27 : vector<2048x256xf32>
    %max3A = arith.constant 0.000000e+00 : f32
    %max3A_29 = vector.broadcast %max3A : f32 to vector<2048x256xf32>
    %max3A_30 = arith.maximumf %add3A_28, %max3A_29 : vector<2048x256xf32>
    %get3A_31 = arith.constant 0 : index
    %get3A_32 = arith.constant 0 : index
    %get3A_33 = vector.load %arg6[%get3A_31, %get3A_32] : memref<256x128xf32, #tpu.memory_space<vmem>>, vector<256x128xf32>
    %dot_general3A_34 = arith.constant dense<0.000000e+00> : vector<2048x128xf32>
    %dot_general3A_35 = tpu.matmul %max3A_30, %get3A_33, %dot_general3A_34 {dimension_numbers = #tpu.dot_dimension_numbers<[1], [0], [0], [1], [0, 0, 1, 1], [], []>, transpose_lhs_hint = false} : vector<2048x256xf32>, vector<256x128xf32>, vector<2048x128xf32> -> vector<2048x128xf32>
    %swap3A = arith.constant 0 : index
    %swap3A_36 = arith.constant 0 : index
    %swap3A_37 = vector.load %arg7[%swap3A, %swap3A_36] : memref<2048x128xf32, #tpu.memory_space<vmem>>, vector<2048x128xf32>
    tpu.vector_store %arg7[%swap3A, %swap3A_36], %dot_general3A_35 {strides = array<i32>} : memref<2048x128xf32, #tpu.memory_space<vmem>>, vector<2048x128xf32>,
    %mul3A_38 = vector.broadcast %get3A_1 : vector<2048x1xf32> to vector<2048x128xf32>
    %mul3A_39 = arith.mulf %dot_general3A_35, %mul3A_38 : vector<2048x128xf32>
    %swap3A_40 = arith.constant 0 : index
    %swap3A_41 = arith.constant 0 : index
    %swap3A_42 = vector.load %arg8[%swap3A_40, %swap3A_41] : memref<2048x128xf32, #tpu.memory_space<vmem>>, vector<2048x128xf32>
    tpu.vector_store %arg8[%swap3A_40, %swap3A_41], %mul3A_39 {strides = array<i32>} : memref<2048x128xf32, #tpu.memory_space<vmem>>, vector<2048x128xf32>,
    return
  }
  func.func @transform_0(%arg0: i32) -> (i32, i32, i32) {
    %c0_i32 = arith.constant 0 : i32
    %c0_i32_0 = arith.constant 0 : i32
    %c0_i32_1 = arith.constant 0 : i32
    return %c0_i32, %arg0, %c0_i32_0 : i32, i32, i32
  }
  func.func @transform_1(%arg0: i32) -> (i32, i32) {
    %c0_i32 = arith.constant 0 : i32
    %c0_i32_0 = arith.constant 0 : i32
    return %arg0, %c0_i32 : i32, i32
  }
  func.func @transform_2(%arg0: i32) -> (i32, i32) {
    %c0_i32 = arith.constant 0 : i32
    %c0_i32_0 = arith.constant 0 : i32
    return %arg0, %c0_i32 : i32, i32
  }
  func.func @transform_3(%arg0: i32) -> (i32, i32) {
    %c0_i32 = arith.constant 0 : i32
    %c0_i32_0 = arith.constant 0 : i32
    %c0_i32_1 = arith.constant 0 : i32
    return %c0_i32, %c0_i32_0 : i32, i32
  }
  func.func @transform_4(%arg0: i32) -> (i32, i32) {
    %c0_i32 = arith.constant 0 : i32
    %c0_i32_0 = arith.constant 0 : i32
    %c0_i32_1 = arith.constant 0 : i32
    return %c0_i32, %c0_i32_0 : i32, i32
  }
  func.func @transform_5(%arg0: i32) -> (i32, i32) {
    %c0_i32 = arith.constant 0 : i32
    %c0_i32_0 = arith.constant 0 : i32
    %c0_i32_1 = arith.constant 0 : i32
    return %c0_i32, %c0_i32_0 : i32, i32
  }
  func.func @transform_6(%arg0: i32) -> (i32, i32) {
    %c0_i32 = arith.constant 0 : i32
    %c0_i32_0 = arith.constant 0 : i32
    return %arg0, %c0_i32 : i32, i32
  }
  func.func @transform_7(%arg0: i32) -> (i32, i32) {
    %c0_i32 = arith.constant 0 : i32
    %c0_i32_0 = arith.constant 0 : i32
    return %arg0, %c0_i32 : i32, i32
  }
}

module attributes {stable_mosaic.version = 14 : i64} {
  func.func @_tc_a_body(%arg0: memref<2x10240xf32, #tpu.memory_space<vmem>>, %arg1: memref<10240x128xf32, #tpu.memory_space<vmem>>, %arg2: memref<10240x1xf32, #tpu.memory_space<vmem>>, %arg3: memref<10240x128xf32, #tpu.memory_space<vmem>>) attributes {dimension_semantics = [], scalar_prefetch = 0 : i64, scratch_operands = 0 : i64, tpu.core_type = #tpu.core_type<tc>} {
    %get3A = arith.constant 0 : index
    %get3A_0 = arith.constant 0 : index
    %get3A_1 = vector.load %arg0[%get3A, %get3A_0] : memref<2x10240xf32, #tpu.memory_space<vmem>>, vector<1x10240xf32>
    %get3A_2 = vector.shape_cast %get3A_1 : vector<1x10240xf32> to vector<10240xf32>
    %get3A_3 = arith.constant 1 : index
    %get3A_4 = arith.constant 0 : index
    %get3A_5 = vector.load %arg0[%get3A_3, %get3A_4] : memref<2x10240xf32, #tpu.memory_space<vmem>>, vector<1x10240xf32>
    %get3A_6 = vector.shape_cast %get3A_5 : vector<1x10240xf32> to vector<10240xf32>
    %add3A = arith.addf %get3A_2, %get3A_6 : vector<10240xf32>
    %add3A_7 = arith.constant 1.000000e+00 : f32
    %add3A_8 = vector.broadcast %add3A_7 : f32 to vector<10240xf32>
    %add3A_9 = arith.addf %add3A, %add3A_8 : vector<10240xf32>
    %rsqrt3A = math.rsqrt %add3A_9 : vector<10240xf32>
    %broadcast_in_dim3A = vector.shape_cast %rsqrt3A : vector<10240xf32> to vector<10240x1xf32>
    %swap3A = arith.constant 0 : index
    %swap3A_10 = arith.constant 0 : index
    %swap3A_11 = vector.load %arg2[%swap3A, %swap3A_10] : memref<10240x1xf32, #tpu.memory_space<vmem>>, vector<10240x1xf32>
    tpu.vector_store %arg2[%swap3A, %swap3A_10], %broadcast_in_dim3A {strides = array<i32>} : memref<10240x1xf32, #tpu.memory_space<vmem>>, vector<10240x1xf32>,
    %get3A_12 = arith.constant 0 : index
    %get3A_13 = arith.constant 0 : index
    %get3A_14 = vector.load %arg1[%get3A_12, %get3A_13] : memref<10240x128xf32, #tpu.memory_space<vmem>>, vector<10240x128xf32>
    %mul3A = vector.broadcast %broadcast_in_dim3A : vector<10240x1xf32> to vector<10240x128xf32>
    %mul3A_15 = arith.mulf %get3A_14, %mul3A : vector<10240x128xf32>
    %swap3A_16 = arith.constant 0 : index
    %swap3A_17 = arith.constant 0 : index
    %swap3A_18 = vector.load %arg3[%swap3A_16, %swap3A_17] : memref<10240x128xf32, #tpu.memory_space<vmem>>, vector<10240x128xf32>
    tpu.vector_store %arg3[%swap3A_16, %swap3A_17], %mul3A_15 {strides = array<i32>} : memref<10240x128xf32, #tpu.memory_space<vmem>>, vector<10240x128xf32>,
    return
  }
}

module attributes {stable_mosaic.version = 14 : i64} {
  func.func @_tc_c_body(%arg0: i32, %arg1: memref<2x2048x128xf32, #tpu.memory_space<vmem>>, %arg2: memref<2048x128xf32, #tpu.memory_space<vmem>>, %arg3: memref<2048x1xf32, #tpu.memory_space<vmem>>, %arg4: memref<1x128xf32, #tpu.memory_space<vmem>>, %arg5: memref<128x256xf32, #tpu.memory_space<vmem>>, %arg6: memref<1x256xf32, #tpu.memory_space<vmem>>, %arg7: memref<2048x128xbf16, #tpu.memory_space<vmem>>, %arg8: memref<2048x128xbf16, #tpu.memory_space<vmem>>) attributes {dimension_semantics = [#tpu.dimension_semantics<arbitrary>], iteration_bounds = array<i64: 5>, scalar_prefetch = 0 : i64, scratch_operands = 0 : i64, tpu.core_type = #tpu.core_type<tc>, window_params = [{transform_indices = @transform_0, window_bounds = array<i64: 2, 2048, 128>}, {transform_indices = @transform_1, window_bounds = array<i64: 2048, 128>}, {transform_indices = @transform_2, window_bounds = array<i64: 2048, 1>}, {pipeline_mode = #tpu.pipeline_mode<synchronous>, transform_indices = @transform_3, window_bounds = array<i64: 1, 128>}, {pipeline_mode = #tpu.pipeline_mode<synchronous>, transform_indices = @transform_4, window_bounds = array<i64: 128, 256>}, {pipeline_mode = #tpu.pipeline_mode<synchronous>, transform_indices = @transform_5, window_bounds = array<i64: 1, 256>}, {transform_indices = @transform_6, window_bounds = array<i64: 2048, 128>}, {transform_indices = @transform_7, window_bounds = array<i64: 2048, 128>}]} {
    %get3A = arith.constant 0 : index
    %get3A_0 = arith.constant 0 : index
    %get3A_1 = vector.load %arg3[%get3A, %get3A_0] : memref<2048x1xf32, #tpu.memory_space<vmem>>, vector<2048x1xf32>
    %get3A_2 = arith.constant 0 : index
    %get3A_3 = arith.constant 0 : index
    %get3A_4 = arith.constant 0 : index
    %get3A_5 = vector.load %arg1[%get3A_2, %get3A_3, %get3A_4] : memref<2x2048x128xf32, #tpu.memory_space<vmem>>, vector<1x2048x128xf32>
    %get3A_6 = vector.shape_cast %get3A_5 : vector<1x2048x128xf32> to vector<2048x128xf32>
    %get3A_7 = arith.constant 1 : index
    %get3A_8 = arith.constant 0 : index
    %get3A_9 = arith.constant 0 : index
    %get3A_10 = vector.load %arg1[%get3A_7, %get3A_8, %get3A_9] : memref<2x2048x128xf32, #tpu.memory_space<vmem>>, vector<1x2048x128xf32>
    %get3A_11 = vector.shape_cast %get3A_10 : vector<1x2048x128xf32> to vector<2048x128xf32>
    %add3A = arith.addf %get3A_6, %get3A_11 : vector<2048x128xf32>
    %mul3A = vector.broadcast %get3A_1 : vector<2048x1xf32> to vector<2048x128xf32>
    %mul3A_12 = arith.mulf %mul3A, %add3A : vector<2048x128xf32>
    %mul3A_13 = arith.mulf %get3A_1, %get3A_1 : vector<2048x1xf32>
    %get3A_14 = arith.constant 0 : index
    %get3A_15 = arith.constant 0 : index
    %get3A_16 = vector.load %arg2[%get3A_14, %get3A_15] : memref<2048x128xf32, #tpu.memory_space<vmem>>, vector<2048x128xf32>
    %mul3A_17 = vector.broadcast %mul3A_13 : vector<2048x1xf32> to vector<2048x128xf32>
    %mul3A_18 = arith.mulf %mul3A_17, %get3A_16 : vector<2048x128xf32>
    %add3A_19 = arith.addf %mul3A_12, %mul3A_18 : vector<2048x128xf32>
    %get3A_20 = arith.constant 0 : index
    %get3A_21 = arith.constant 0 : index
    %get3A_22 = vector.load %arg4[%get3A_20, %get3A_21] : memref<1x128xf32, #tpu.memory_space<vmem>>, vector<1x128xf32>
    %add3A_23 = vector.broadcast %get3A_22 : vector<1x128xf32> to vector<2048x128xf32>
    %add3A_24 = arith.addf %add3A_19, %add3A_23 : vector<2048x128xf32>
    %get3A_25 = arith.constant 0 : index
    %get3A_26 = arith.constant 0 : index
    %get3A_27 = vector.load %arg5[%get3A_25, %get3A_26] : memref<128x256xf32, #tpu.memory_space<vmem>>, vector<128x256xf32>
    %dot_general3A = arith.constant dense<0.000000e+00> : vector<2048x256xf32>
    %dot_general3A_28 = tpu.matmul %add3A_24, %get3A_27, %dot_general3A {dimension_numbers = #tpu.dot_dimension_numbers<[1], [0], [0], [1], [0, 0, 1, 1], [], []>, transpose_lhs_hint = false} : vector<2048x128xf32>, vector<128x256xf32>, vector<2048x256xf32> -> vector<2048x256xf32>
    %get3A_29 = arith.constant 0 : index
    %get3A_30 = arith.constant 0 : index
    %get3A_31 = vector.load %arg6[%get3A_29, %get3A_30] : memref<1x256xf32, #tpu.memory_space<vmem>>, vector<1x256xf32>
    %add3A_32 = vector.broadcast %get3A_31 : vector<1x256xf32> to vector<2048x256xf32>
    %add3A_33 = arith.addf %dot_general3A_28, %add3A_32 : vector<2048x256xf32>
    %slice3A = vector.extract_strided_slice %add3A_33 {offsets = [0, 0], sizes = [2048, 128], strides = [1, 1]} : vector<2048x256xf32> to vector<2048x128xf32>
    %convert_element_type3A = arith.truncf %slice3A : vector<2048x128xf32> to vector<2048x128xbf16>
    %swap3A = arith.constant 0 : index
    %swap3A_34 = arith.constant 0 : index
    %swap3A_35 = vector.load %arg7[%swap3A, %swap3A_34] : memref<2048x128xbf16, #tpu.memory_space<vmem>>, vector<2048x128xbf16>
    tpu.vector_store %arg7[%swap3A, %swap3A_34], %convert_element_type3A {strides = array<i32>} : memref<2048x128xbf16, #tpu.memory_space<vmem>>, vector<2048x128xbf16>,
    %slice3A_36 = vector.extract_strided_slice %add3A_33 {offsets = [0, 128], sizes = [2048, 128], strides = [1, 1]} : vector<2048x256xf32> to vector<2048x128xf32>
    %convert_element_type3A_37 = arith.truncf %slice3A_36 : vector<2048x128xf32> to vector<2048x128xbf16>
    %swap3A_38 = arith.constant 0 : index
    %swap3A_39 = arith.constant 0 : index
    %swap3A_40 = vector.load %arg8[%swap3A_38, %swap3A_39] : memref<2048x128xbf16, #tpu.memory_space<vmem>>, vector<2048x128xbf16>
    tpu.vector_store %arg8[%swap3A_38, %swap3A_39], %convert_element_type3A_37 {strides = array<i32>} : memref<2048x128xbf16, #tpu.memory_space<vmem>>, vector<2048x128xbf16>,
    return
  }
  func.func @transform_0(%arg0: i32) -> (i32, i32, i32) {
    %c0_i32 = arith.constant 0 : i32
    %c0_i32_0 = arith.constant 0 : i32
    %c0_i32_1 = arith.constant 0 : i32
    return %c0_i32, %arg0, %c0_i32_0 : i32, i32, i32
  }
  func.func @transform_1(%arg0: i32) -> (i32, i32) {
    %c0_i32 = arith.constant 0 : i32
    %c0_i32_0 = arith.constant 0 : i32
    return %arg0, %c0_i32 : i32, i32
  }
  func.func @transform_2(%arg0: i32) -> (i32, i32) {
    %c0_i32 = arith.constant 0 : i32
    %c0_i32_0 = arith.constant 0 : i32
    return %arg0, %c0_i32 : i32, i32
  }
  func.func @transform_3(%arg0: i32) -> (i32, i32) {
    %c0_i32 = arith.constant 0 : i32
    %c0_i32_0 = arith.constant 0 : i32
    %c0_i32_1 = arith.constant 0 : i32
    return %c0_i32, %c0_i32_0 : i32, i32
  }
  func.func @transform_4(%arg0: i32) -> (i32, i32) {
    %c0_i32 = arith.constant 0 : i32
    %c0_i32_0 = arith.constant 0 : i32
    %c0_i32_1 = arith.constant 0 : i32
    return %c0_i32, %c0_i32_0 : i32, i32
  }
  func.func @transform_5(%arg0: i32) -> (i32, i32) {
    %c0_i32 = arith.constant 0 : i32
    %c0_i32_0 = arith.constant 0 : i32
    %c0_i32_1 = arith.constant 0 : i32
    return %c0_i32, %c0_i32_0 : i32, i32
  }
  func.func @transform_6(%arg0: i32) -> (i32, i32) {
    %c0_i32 = arith.constant 0 : i32
    %c0_i32_0 = arith.constant 0 : i32
    return %arg0, %c0_i32 : i32, i32
  }
  func.func @transform_7(%arg0: i32) -> (i32, i32) {
    %c0_i32 = arith.constant 0 : i32
    %c0_i32_0 = arith.constant 0 : i32
    return %arg0, %c0_i32 : i32, i32
  }
}

</mosaic_0001>

<sc_bundles>
// kernel: kernel.12.cloned.1.call-start
scs
__scs_entry_jumppad:
0x0: {  	(pc) =	sbr.rel $0x88, $3  }
0x1: {  	(tag) =	ssettag $0x0;
	lr =	simm.s32 $0x1  }
0x2: {  	[smem:$0x3F96] =	sst lr;
	_ =	strace $0xD0000000  }
0x3: {  	_ = 	snop  }
0x4: {  	_ = 	snop  }
0x5: {  	_ = 	snop  }
0x6: {  	_ = 	snop  }
0x7: {  	_ = 	snop  }
__scs_overlays_trampoline_lowered:
0x8: {  	[smem:$0x3FA5] =	sst s0  }
0x9: {  	[smem:$0x3FA6] =	sst s1  }
0xa: {  	[smem:$0x3FA7] =	sst s2  }
0xb: {  	[smem:$0x3FA8] =	sst s3  }
0xc: {  	[smem:$0x3FA9] =	sst s4  }
0xd: {  	[smem:$0x3FAA] =	sst s5  }
0xe: {  	[smem:$0x3FAB] =	sst s6  }
0xf: {  	[smem:$0x3FAC] =	sst s7  }
0x10: {  	[smem:$0x3FAD] =	sst s8  }
0x11: {  	[smem:$0x3FAE] =	sst s9;
	s0 =	simm.s32 @!p0 $0x0  }
0x12: {  	s1 =	sld [smem:$0x3F94];
	s0 =	simm.s32 @p0 $0x1  }
0x13: {  	[smem:$0x3FAF] =	sst s0;
	s0 =	simm.s32 @!p1 $0x0  }
0x14: {  	s2 =	sld [smem:$0x3F93];
	s0 =	simm.s32 @p1 $0x1  }
0x15: {  	[smem:$0x3FB0] =	sst s0;
	s0 =	simm.s32 @!p2 $0x0  }
0x16: {  	s3 =	sld [smem:$0x3FDB];
	s0 =	simm.s32 @p2 $0x1  }
0x17: {  	s4 =	simm.s32 $0x1BF5;
	[smem:$0x3FB2] =	sst s0  }
0x18: {  	s0 =	sld [smem:$0x3F95];
	_ =	swait.ge [sflag:s4], $0x0  }
0x19: {  	s7 =	sld [smem:$0x3F96]  }
0x1a: {  	s8 =	sadd.s32 $0xFFFFE003, lr  }
0x1b: {  	s9 =	sadd.s32 $0xFFFFFEF7, lr;
	s5 =	simm.s32 $0xFFFFFFFF;
	p2 =	slt.u32 s8, $0xFFFFF086  }
0x1c: {  	p1 =	slt.u32 s9, $0xF7A;
	s5 =	simm.s32 @!p2 $0x0  }
0x1d: {  	s5 =	simm.s32 @p1 $0x1;
	p0 =	seq.s32 s7, s2  }
0x1e: {  	s7 =	smul.u32 @!p0 $0xF7A, s2;
	p2 =	seq.s32 @!p0 s5, $0x0  }
0x1f: {  	s9 =	smul.u32 $0xF7A, s1;
	s8 =	simm.s32 @!p0 $0x1BF5;
	p2 =	por !p2, p0  }
0x20: {  	[sflag:s8] =	ssyncset.s32 @!p0 $0xFFFFF086;
	s6 =	sadd.s32 @!p0 s3, s7;
	s7 =	simm.s32 @!p0 $0x108  }
0x21: {  	s3 =	sadd.s32 s3, s9;
	s6 =	sadd.s32 @!p0 $0x88, s6;
	s7 =	simm.s32 @p2 $0x1082  }
0x22: {  	[simem:s7], [sflag:s8] =	dma.local @!p0 [hbm:s6], $0xF7A  }
0x23: {  	s9 =	sor.u32 $0xD0000000, s2;
	s6 =	simm.s32 $0x108;
	_ =	swait.ge @!p0 [sflag:s8], $0x0  }
0x24: {  	s3 =	sadd.s32 $0x88, s3;
	s6 =	simm.s32 @!p1 $0x1082;
	[sflag:s4] =	ssyncset.s32 $0xFFFFF086  }
0x25: {  	[simem:s6], [sflag:s4] =	dma.local [hbm:s3], $0xF7A  }
0x26: {  	[smem:$0x3F96] =	sst s1;
	(tag) =	ssettag s2;
	_ =	strace s9  }
0x27: {  	s1 =	sld [smem:$0x3FA6]  }
0x28: {  	s2 =	sld [smem:$0x3FA7]  }
0x29: {  	s4 =	sld [smem:$0x3FA9]  }
0x2a: {  	p0 =	seq.s32 s5, $0x0;
	s5 =	sld [smem:$0x3FAA]  }
0x2b: {  	s6 =	sld [smem:$0x3FAB]  }
0x2c: {  	s7 =	sld [smem:$0x3FAC]  }
0x2d: {  	s3 =	simm.s32 $0x108;
	s8 =	sld [smem:$0x3FAD]  }
0x2e: {  	s3 =	simm.s32 @!p0 $0x1082;
	s9 =	sld [smem:$0x3FAE]  }
0x2f: {  	lr =	sadd.s32 s0, s3;
	s0 =	sld [smem:$0x3FA5]  }
0x30: {  	s3 =	sld [smem:$0x3FA8]  }
0x31: {  	[smem:$0x3FB1] =	sst s10  }
0x32: {  	s10 =	sld [smem:$0x3FAF];
	_ =	sdelay $0x3  }
0x33: {  	p0 =	seq.s32 s10, $0x1;
	s10 =	sld [smem:$0x3FB1];
	_ =	sdelay $0x3  }
0x34: {  	[smem:$0x3FB1] =	sst s10  }
0x35: {  	s10 =	sld [smem:$0x3FB0];
	_ =	sdelay $0x3  }
0x36: {  	p1 =	seq.s32 s10, $0x1;
	s10 =	sld [smem:$0x3FB1];
	_ =	sdelay $0x3  }
0x37: {  	[smem:$0x3FB1] =	sst s10  }
0x38: {  	s10 =	sld [smem:$0x3FB2]  }
0x39: {  	_ = 	snop;
	(pc) =	sbr.ind lr, $3  }
0x3a: {  	_ = 	snop  }
0x3b: {  	_ = 	snop  }
0x3c: {  	p2 =	seq.s32 s10, $0x1;
	s10 =	sld [smem:$0x3FB1]  }
0x3d: {  	_ =	shalt  }
0x3e: {  	_ =	shalt  }
0x3f: {  	_ =	shalt  }
0x40: {  	_ =	shalt  }
0x41: {  	_ =	shalt  }
0x42: {  	_ =	shalt  }
0x43: {  	_ =	shalt  }
0x44: {  	_ =	shalt  }
0x45: {  	_ =	shalt  }
0x46: {  	_ =	shalt  }
0x47: {  	_ =	shalt  }
0x48: {  	_ =	shalt  }
0x49: {  	_ =	shalt  }
0x4a: {  	_ =	shalt  }
0x4b: {  	_ =	shalt  }
0x4c: {  	_ =	shalt  }
0x4d: {  	_ =	shalt  }
0x4e: {  	_ =	shalt  }
0x4f: {  	_ =	shalt  }
0x50: {  	_ =	shalt  }
0x51: {  	_ =	shalt  }
0x52: {  	_ =	shalt  }
0x53: {  	_ =	shalt  }
0x54: {  	_ =	shalt  }
0x55: {  	_ =	shalt  }
0x56: {  	_ =	shalt  }
0x57: {  	_ =	shalt  }
0x58: {  	_ =	shalt  }
0x59: {  	_ =	shalt  }
0x5a: {  	_ =	shalt  }
0x5b: {  	_ =	shalt  }
0x5c: {  	_ =	shalt  }
0x5d: {  	_ =	shalt  }
0x5e: {  	_ =	shalt  }
0x5f: {  	_ =	shalt  }
0x60: {  	_ =	shalt  }
0x61: {  	_ =	shalt  }
0x62: {  	_ =	shalt  }
0x63: {  	_ =	shalt  }
0x64: {  	_ =	shalt  }
0x65: {  	_ =	shalt  }
0x66: {  	_ =	shalt  }
0x67: {  	_ =	shalt  }
0x68: {  	_ =	shalt  }
0x69: {  	_ =	shalt  }
0x6a: {  	_ =	shalt  }
0x6b: {  	_ =	shalt  }
0x6c: {  	_ =	shalt  }
0x6d: {  	_ =	shalt  }
0x6e: {  	_ =	shalt  }
0x6f: {  	_ =	shalt  }
0x70: {  	_ =	shalt  }
0x71: {  	_ =	shalt  }
0x72: {  	_ =	shalt  }
0x73: {  	_ =	shalt  }
0x74: {  	_ =	shalt  }
0x75: {  	_ =	shalt  }
0x76: {  	_ =	shalt  }
0x77: {  	_ =	shalt  }
0x78: {  	_ =	shalt  }
0x79: {  	_ =	shalt  }
0x7a: {  	_ =	shalt  }
0x7b: {  	_ =	shalt  }
0x7c: {  	_ =	shalt  }
0x7d: {  	_ =	shalt  }
0x7e: {  	_ =	shalt  }
0x7f: {  	_ =	shalt  }
0x80: {  	_ =	shalt  }
0x81: {  	_ =	shalt  }
0x82: {  	_ =	shalt  }
0x83: {  	_ =	shalt  }
0x84: {  	_ =	shalt  }
0x85: {  	_ =	shalt  }
0x86: {  	_ =	shalt  }
0x87: {  	_ =	shalt  }
.Lfunc_end0:
.L_simem_size_0:
called_computation.1_lowered:
.L_overlay_start_0:
0x88: {  	s2 =	sld [smem:$0x3FD9]  }
0x89: {  	s3 =	sld [smem:$0x3FFE];
	_ =	sdelay $0x1  }
0x8a: {  	s1 =	srdreg.scid  }
0x8b: {  	s0 =	sand.u32 $0x1, s1  }
0x8c: {  	s17 =	sshll.u32 s0, $0xA;
	s2 =	sadd.s32 s3, s2  }
0x8d: {  	s2 =	sadd.s32 s2, s17  }
0x8e: {  	[smem:$0x3FBD] =	sst s2  }
0x8f: {  	_ = 	snop  }
0x90: {  	s2 =	sld [smem:$0x3FD0];
	(tm) =	ssettm $0x1  }
0x91: {  	s18 =	sld [smem:$0x3FFB];
	_ =	sdelay $0x3  }
0x92: {  	_ =	strace s18  }
0x93: {  	s3 =	sld [smem:$0x3FFC];
	_ =	sdelay $0x3  }
0x94: {  	_ =	strace s3  }
0x95: {  	s3 =	sld [smem:$0x3FFD];
	_ =	sdelay $0x3  }
0x96: {  	_ =	strace s3  }
0x97: {  	_ =	strace $0x8FFFFFFF  }
0x98: {  	s19 =	sld [smem:$0x3FDB];
	_ =	sdelay $0x1  }
0x99: {  	s4 =	simm.s32 $_scs_section_size  }
0x9a: {  	s5 =	simm.s32 $_size__tile_overlayer_lowered;
	s6 =	simm.s32 $_tile_overlayer_lowered  }
0x9b: {  	s22 =	simm.s32 $0x1BFF;
	s21 =	sshll.u32 s6, $0x1;
	s3 =	sadd.s32 s4, s19  }
0x9c: {  	s7 =	simm.s32 $0x0;
	s20 =	sshll.u32 s5, $0x1;
	s5 =	sadd.s32 s21, s3  }
0x9d: {  	[timem:s7], [sflag:s22] =	dma.local [hbm:s5], s20  }
0x9e: {  	_ =	swait.ge [sflag:s22], s20  }
0x9f: {  	s4 =	ssub.s32 $0x0, s20;
	[sflag:s22] =	ssyncset.done $0x0  }
0xa0: {  	[sflag:s22] =	ssyncadd.s32 s4;
	_ =	sdelay $0x1  }
0xa1: {  	s23 =	simm.s32 $0x1B8B  }
0xa2: {  	_ =	swait.ge [sflag:s23], $0x1  }
0xa3: {  	[sflag:s23] =	ssyncset.done $0x0  }
0xa4: {  	s25 =	simm.s32 $0x1B8E;
	s24 =	sld [smem:$0x3FFE];
	[sflag:s23] =	ssyncadd.s32 $0xFFFFFFFF  }
0xa5: {  	s26 =	simm.s32 $execute0_lowered;
	[smem:$0x3FD2] =	sst s25  }
0xa6: {  	s5 =	sshll.u32 s26, $0x1;
	_ =	strace $0x80000049;
	[dreg:$0x1] =	wrdreg $0xFFFFFFFF  }
0xa7: {  	s28 =	simm.s32 $_size_execute0_lowered;
	s3 =	sadd.s32 s3, s5;
	[dreg:$0x0] =	wrdreg $0x0  }
0xa8: {  	s5 =	sshll.u32 s28, $0x1;
	[dreg:$0x2] =	wrdreg s3  }
0xa9: {  	[dreg:$0x3] =	wrdreg s5  }
0xaa: {  	[dreg:$0x4] =	wrdreg $0xC0  }
0xab: {  	_ =	task [dreg:s7], $0x5FFFF  }
0xac: {  	[dreg:$0x1] =	wrdreg $0xFFFFFFFF  }
0xad: {  	[dreg:$0x0] =	wrdreg $0x60  }
0xae: {  	[dreg:$0x2] =	wrdreg s24  }
0xaf: {  	[dreg:$0x3] =	wrdreg s2  }
0xb0: {  	[dreg:$0x4] =	wrdreg $0x90000  }
0xb1: {  	[dreg:$0x5] =	wrdreg $0x9  }
0xb2: {  	_ =	task.clear_ibuf [dreg:s7], $0x6FFFF;
	_ =	strace $0x90000049  }
0xb3: {  	s29 =	simm.s32 $0x9;
	_ =	strace $0x8000004B  }
0xb4: {  	_ =	swait.ge [sflag:s29], $0x1  }
0xb5: {  	[sflag:s29] =	ssyncadd.s32 $0xFFFFFFFF  }
0xb6: {  	_ =	strace $0x9000004B  }
0xb7: {  	_ =	sfence  }
0xb8: {  	s30 =	sld [smem:$0x0];
	_ =	sdelay $0x2  }
0xb9: {  	s31 =	sshll.u32 s1, $0xD;
	s1 =	sshrl.u32 s1, $0x2  }
0xba: {  	s3 =	sand.u32 $0x4000, s31;
	s1 =	sadd.s32 s1, s30  }
0xbb: {  	s0 =	sor.u32 s3, s0;
	s1 =	sshll.u32 s1, $0x11  }
0xbc: {  	s0 =	sor.u32 s1, s0  }
0xbd: {  	s0 =	sadd.s32 $0x8F2B, s0  }
0xbe: {  	[sflag:s0] =	ssyncadd.remote.s32 $0x1  }
0xbf: {  	_ =	sfence.sel $0xFFFF  }
0xc0: {  	[dreg:$0x0] =	wrdreg $0xFFFFFFFF;
	(pc) =	sbr.abs _section_cstart, $3  }
0xc1: {  	[dreg:$0x1] =	wrdreg $0xFFFFFFFF  }
0xc2: {  	_ =	task.clear_ibuf [dreg:s7], $0x2FFFF;
	_ =	strace $0x9FFFFFFF  }
0xc3: {  	(tm) =	ssettm $0x7FFFFFFF  }
tec
execute0_lowered:
.L_overlay_start_1:
0x0: {  	(tag) =	ssettag $0x1  }
0x1: {  	s0 =	rddreg [dreg:$0x0];
	s1 =	srdreg.scid  }
0x2: {  	s9 =	stileid.u32;
	s3 =	rddreg [dreg:$0x2];
	s4 =	simm.s32 $0x0  }
0x3: {  	s13 =	simm.s32 $0x100;
	s15 =	simm.s32 $0x880;
	s16 =	simm.s32 $0x180  }
0x4: {  	s17 =	simm.s32 $0x900;
	s18 =	simm.s32 $0x200;
	[smem:$0x7FF] =	sst s4  }
0x5: {  	s19 =	simm.s32 $0x980;
	_ =	strace $0x8000004A;
	[dreg:$0x5] =	wrdreg s13  }
0x6: {  	s20 =	simm.s32 $0x280;
	s21 =	simm.s32 $0xA00;
	[dreg:$0x6] =	wrdreg s15  }
0x7: {  	s22 =	simm.s32 $0x300;
	s23 =	simm.s32 $0xA80;
	[dreg:$0x7] =	wrdreg s16  }
0x8: {  	s24 =	simm.s32 $0x380;
	s25 =	simm.s32 $0xB00;
	[dreg:$0x8] =	wrdreg s17  }
0x9: {  	s28 =	simm.s32 $0x680;
	s29 =	simm.s32 $0xE00;
	[dreg:$0x9] =	wrdreg s18  }
0xa: {  	s30 =	simm.s32 $0x700;
	s5 =	smul.u32 $0x14000, s9;
	[dreg:$0xa] =	wrdreg s19  }
0xb: {  	s31 =	simm.s32 $0xE80;
	s7 =	smul.u32 $0x2800, s9;
	[dreg:$0xb] =	wrdreg s20  }
0xc: {  	s1 =	sand.u32 $0x1, s1;
	s26 =	smul.u32 $0x50000, s9;
	[dreg:$0xc] =	wrdreg s21  }
0xd: {  	s14 =	sshll.u32 s9, $0x6;
	s2 =	smul.u32 $0x140000, s1;
	[dreg:$0xd] =	wrdreg s22  }
0xe: {  	s6 =	smul.u32 $0x28000, s1;
	s1 =	ssub.s32 $0x2, s1;
	[dreg:$0xe] =	wrdreg s23  }
0xf: {  	s13 =	simm.s32 $0x80;
	s15 =	simm.s32 $0x5000;
	[dreg:$0xf] =	wrdreg s24  }
0x10: {  	s16 =	simm.s32 $0x1;
	s17 =	simm.s32 $0x2;
	[dreg:$0x10] =	wrdreg s25  }
0x11: {  	s18 =	simm.s32 $0xB80;
	s19 =	simm.s32 $0x480;
	s20 =	simm.s32 $0xC00  }
0x12: {  	s21 =	simm.s32 $0x500;
	s22 =	simm.s32 $0xC80;
	s23 =	simm.s32 $0x580  }
0x13: {  	s24 =	simm.s32 $0xD00;
	s25 =	simm.s32 $0x600;
	s8 =	sshrl.u32 s1, $0x1  }
0x14: {  	s11 =	sshrl.u32 s26, $0x2;
	s26 =	simm.s32 $0x400;
	s2 =	sadd.s32 s5, s2  }
0x15: {  	s5 =	sadd.s32 $0x14000, s0;
	s6 =	sadd.s32 s7, s6;
	s10 =	ssub.s32 s1, s8  }
0x16: {  	s1 =	sadd.s32 s11, s3;
	s8 =	sor.u32 $0x1C03, s14;
	s11 =	simm.s32 $0x3  }
0x17: {  	s14 =	simm.s32 $0x1000;
	[dreg:$0x11] =	wrdreg s26;
	s26 =	simm.s32 $0xD80  }
0x18: {  	s2 =	sshrl.u32 s2, $0x3;
	s6 =	sshrl.u32 s6, $0x3;
	s9 =	sshrl.u32 s1, $0x3  }
0x19: {  	s1 =	simm.s32 $0x780;
	[dreg:$0x12] =	wrdreg s8;
	s2 =	sadd.s32 s2, s0  }
0x1a: {  	s6 =	sadd.s32 s6, s0;
	s0 =	smax.u32 s10, $0x1;
	[dreg:$0x15] =	wrdreg s9  }
0x1b: {  	s10 =	simm.s32 $0x0;
	s12 =	sadd.s32 $0xA000, s6;
	[dreg:$0x14] =	wrdreg s0  }
0x1c: {  	s2 =	sadd.s32 $0x3C000, s2;
	s0 =	simm.s32 $0xF00;
	[dreg:$0x4] =	wrdreg s12  }
0x1d: {  	[dreg:$0x13] =	wrdreg s2;
	s12 =	simm.s32 $0x800;
	s2 =	simm.s32 $0xF80  }
.LBB2_1:
0x1e: {  	[dreg:$0x16] =	wrdreg s10  }
0x1f: {  	s7 =	rddreg [dreg:$0x1]  }
0x20: {  	[spmem:s9], [sflag:s8] =	dma.local [hbm:s7], $0x2800  }
0x21: {  	_ =	swait.ge [sflag:s11], $0x2800  }
0x22: {  	[sflag:s11] =	ssyncset.done $0x0  }
0x23: {  	[sflag:s11] =	ssyncadd.s32 $0xFFFFD800  }
0x24: {  	[bflag:$0x0] =	sbarrier.arrive $0xFFFF  }
0x25: {  	s8 =	rddreg [dreg:$0x4]  }
0x26: {  	s7 =	sadd.s32 $0x0, s8  }
0x27: {  	[tilespmem:s4], [sflag:$0x3] =	stream.linear.gather [hbm4b:s7+s4], $0x800, $0x38;
	[tilespmem:$0x1D000] =	vst v63  }
0x28: {  	_ =	swait.ge [sflag:s11], $0x800  }
0x29: {  	[sflag:s11] =	ssyncset.done $0x0  }
0x2a: {  	s9 =	sadd.s32 $0x0, s6;
	[sflag:s11] =	ssyncadd.s32 $0xFFFFF800  }
0x2b: {  	[tilespmem:s12], [sflag:$0x3] =	stream.linear.gather [hbm4b:s9+s4], $0x800, $0x38;
	[tilespmem:$0x1D000] =	vst v63  }
0x2c: {  	_ =	swait.ge [sflag:s11], $0x800  }
0x2d: {  	[sflag:s11] =	ssyncset.done $0x0  }
0x2e: {  	[sflag:s11] =	ssyncadd.s32 $0xFFFFF800  }
0x2f: {  	[tilespmem:s14], [sflag:$0x1] =	stream.indirect.gather [hbm4b:s5+s13], $0x80, s4, s13, $0xb8;
	[tilespmem:$0x1D000] =	vst v63  }
0x30: {  	_ = 	snop  }
0x31: {  	[tilespmem:s15], [sflag:$0x2] =	stream.indirect.gather [hbm4b:s5+s13], $0x80, s13, s13, $0xb8;
	[tilespmem:$0x1D000] =	vst v63  }
0x32: {  	_ =	swait.ge [sflag:s16], $0x4000  }
0x33: {  	[sflag:s16] =	ssyncset.done $0x0  }
0x34: {  	[sflag:s16] =	ssyncadd.s32 $0xFFFFC000  }
0x35: {  	[spmem:s3] =	stream.indirect.scatter.add.f32 [tilespmem:s14], [sflag:$0x3], $0x80, s12, s13, $0xb8;
	[tilespmem:$0x1D000] =	vst v63  }
0x36: {  	_ =	swait.ge [sflag:s11], $0x4000  }
0x37: {  	[sflag:s11] =	ssyncset.done $0x0  }
0x38: {  	s10 =	rddreg [dreg:$0x5];
	[sflag:s11] =	ssyncadd.s32 $0xFFFFC000  }
0x39: {  	[tilespmem:s14], [sflag:$0x1] =	stream.indirect.gather [hbm4b:s5+s13], $0x80, s10, s13, $0xb8;
	[tilespmem:$0x1D000] =	vst v63  }
0x3a: {  	_ =	swait.ge [sflag:s17], $0x4000  }
0x3b: {  	[sflag:s17] =	ssyncset.done $0x0  }
0x3c: {  	s8 =	rddreg [dreg:$0x6];
	[sflag:s17] =	ssyncadd.s32 $0xFFFFC000  }
0x3d: {  	[spmem:s3] =	stream.indirect.scatter.add.f32 [tilespmem:s15], [sflag:$0x3], $0x80, s8, s13, $0xb8;
	[tilespmem:$0x1D000] =	vst v63  }
0x3e: {  	_ =	swait.ge [sflag:s11], $0x4000  }
0x3f: {  	[sflag:s11] =	ssyncset.done $0x0  }
0x40: {  	s9 =	rddreg [dreg:$0x7];
	[sflag:s11] =	ssyncadd.s32 $0xFFFFC000  }
0x41: {  	[tilespmem:s15], [sflag:$0x2] =	stream.indirect.gather [hbm4b:s5+s13], $0x80, s9, s13, $0xb8;
	[tilespmem:$0x1D000] =	vst v63  }
0x42: {  	_ =	swait.ge [sflag:s16], $0x4000  }
0x43: {  	[sflag:s16] =	ssyncset.done $0x0  }
0x44: {  	s10 =	rddreg [dreg:$0x8];
	[sflag:s16] =	ssyncadd.s32 $0xFFFFC000  }
0x45: {  	[spmem:s3] =	stream.indirect.scatter.add.f32 [tilespmem:s14], [sflag:$0x3], $0x80, s10, s13, $0xb8;
	[tilespmem:$0x1D000] =	vst v63  }
0x46: {  	_ =	swait.ge [sflag:s11], $0x4000  }
0x47: {  	[sflag:s11] =	ssyncset.done $0x0  }
0x48: {  	s8 =	rddreg [dreg:$0x9];
	[sflag:s11] =	ssyncadd.s32 $0xFFFFC000  }
0x49: {  	[tilespmem:s14], [sflag:$0x1] =	stream.indirect.gather [hbm4b:s5+s13], $0x80, s8, s13, $0xb8;
	[tilespmem:$0x1D000] =	vst v63  }
0x4a: {  	_ =	swait.ge [sflag:s17], $0x4000  }
0x4b: {  	[sflag:s17] =	ssyncset.done $0x0  }
0x4c: {  	s9 =	rddreg [dreg:$0xa];
	[sflag:s17] =	ssyncadd.s32 $0xFFFFC000  }
0x4d: {  	[spmem:s3] =	stream.indirect.scatter.add.f32 [tilespmem:s15], [sflag:$0x3], $0x80, s9, s13, $0xb8;
	[tilespmem:$0x1D000] =	vst v63  }
0x4e: {  	_ =	swait.ge [sflag:s11], $0x4000  }
0x4f: {  	[sflag:s11] =	ssyncset.done $0x0  }
0x50: {  	s10 =	rddreg [dreg:$0xb];
	[sflag:s11] =	ssyncadd.s32 $0xFFFFC000  }
0x51: {  	[tilespmem:s15], [sflag:$0x2] =	stream.indirect.gather [hbm4b:s5+s13], $0x80, s10, s13, $0xb8;
	[tilespmem:$0x1D000] =	vst v63  }
0x52: {  	_ =	swait.ge [sflag:s16], $0x4000  }
0x53: {  	[sflag:s16] =	ssyncset.done $0x0  }
0x54: {  	s8 =	rddreg [dreg:$0xc];
	[sflag:s16] =	ssyncadd.s32 $0xFFFFC000  }
0x55: {  	[spmem:s3] =	stream.indirect.scatter.add.f32 [tilespmem:s14], [sflag:$0x3], $0x80, s8, s13, $0xb8;
	[tilespmem:$0x1D000] =	vst v63  }
0x56: {  	_ =	swait.ge [sflag:s11], $0x4000  }
0x57: {  	[sflag:s11] =	ssyncset.done $0x0  }
0x58: {  	s9 =	rddreg [dreg:$0xd];
	[sflag:s11] =	ssyncadd.s32 $0xFFFFC000  }
0x59: {  	[tilespmem:s14], [sflag:$0x1] =	stream.indirect.gather [hbm4b:s5+s13], $0x80, s9, s13, $0xb8;
	[tilespmem:$0x1D000] =	vst v63  }
0x5a: {  	_ =	swait.ge [sflag:s17], $0x4000  }
0x5b: {  	[sflag:s17] =	ssyncset.done $0x0  }
0x5c: {  	s10 =	rddreg [dreg:$0xe];
	[sflag:s17] =	ssyncadd.s32 $0xFFFFC000  }
0x5d: {  	[spmem:s3] =	stream.indirect.scatter.add.f32 [tilespmem:s15], [sflag:$0x3], $0x80, s10, s13, $0xb8;
	[tilespmem:$0x1D000] =	vst v63  }
0x5e: {  	_ =	swait.ge [sflag:s11], $0x4000  }
0x5f: {  	[sflag:s11] =	ssyncset.done $0x0  }
0x60: {  	s8 =	rddreg [dreg:$0xf];
	[sflag:s11] =	ssyncadd.s32 $0xFFFFC000  }
0x61: {  	[tilespmem:s15], [sflag:$0x2] =	stream.indirect.gather [hbm4b:s5+s13], $0x80, s8, s13, $0xb8;
	[tilespmem:$0x1D000] =	vst v63  }
0x62: {  	_ =	swait.ge [sflag:s16], $0x4000  }
0x63: {  	[sflag:s16] =	ssyncset.done $0x0  }
0x64: {  	s9 =	rddreg [dreg:$0x10];
	[sflag:s16] =	ssyncadd.s32 $0xFFFFC000  }
0x65: {  	[spmem:s3] =	stream.indirect.scatter.add.f32 [tilespmem:s14], [sflag:$0x3], $0x80, s9, s13, $0xb8;
	[tilespmem:$0x1D000] =	vst v63  }
0x66: {  	_ =	swait.ge [sflag:s11], $0x4000  }
0x67: {  	[sflag:s11] =	ssyncset.done $0x0  }
0x68: {  	s10 =	rddreg [dreg:$0x11];
	[sflag:s11] =	ssyncadd.s32 $0xFFFFC000  }
0x69: {  	[tilespmem:s14], [sflag:$0x1] =	stream.indirect.gather [hbm4b:s5+s13], $0x80, s10, s13, $0xb8;
	[tilespmem:$0x1D000] =	vst v63  }
0x6a: {  	_ =	swait.ge [sflag:s17], $0x4000  }
0x6b: {  	[sflag:s17] =	ssyncset.done $0x0  }
0x6c: {  	[sflag:s17] =	ssyncadd.s32 $0xFFFFC000  }
0x6d: {  	[spmem:s3] =	stream.indirect.scatter.add.f32 [tilespmem:s15], [sflag:$0x3], $0x80, s18, s13, $0xb8;
	[tilespmem:$0x1D000] =	vst v63  }
0x6e: {  	_ =	swait.ge [sflag:s11], $0x4000  }
0x6f: {  	[sflag:s11] =	ssyncset.done $0x0  }
0x70: {  	[sflag:s11] =	ssyncadd.s32 $0xFFFFC000  }
0x71: {  	[tilespmem:s15], [sflag:$0x2] =	stream.indirect.gather [hbm4b:s5+s13], $0x80, s19, s13, $0xb8;
	[tilespmem:$0x1D000] =	vst v63  }
0x72: {  	_ =	swait.ge [sflag:s16], $0x4000  }
0x73: {  	[sflag:s16] =	ssyncset.done $0x0  }
0x74: {  	[sflag:s16] =	ssyncadd.s32 $0xFFFFC000  }
0x75: {  	[spmem:s3] =	stream.indirect.scatter.add.f32 [tilespmem:s14], [sflag:$0x3], $0x80, s20, s13, $0xb8;
	[tilespmem:$0x1D000] =	vst v63  }
0x76: {  	_ =	swait.ge [sflag:s11], $0x4000  }
0x77: {  	[sflag:s11] =	ssyncset.done $0x0  }
0x78: {  	[sflag:s11] =	ssyncadd.s32 $0xFFFFC000  }
0x79: {  	[tilespmem:s14], [sflag:$0x1] =	stream.indirect.gather [hbm4b:s5+s13], $0x80, s21, s13, $0xb8;
	[tilespmem:$0x1D000] =	vst v63  }
0x7a: {  	_ =	swait.ge [sflag:s17], $0x4000  }
0x7b: {  	[sflag:s17] =	ssyncset.done $0x0  }
0x7c: {  	[sflag:s17] =	ssyncadd.s32 $0xFFFFC000  }
0x7d: {  	[spmem:s3] =	stream.indirect.scatter.add.f32 [tilespmem:s15], [sflag:$0x3], $0x80, s22, s13, $0xb8;
	[tilespmem:$0x1D000] =	vst v63  }
0x7e: {  	_ =	swait.ge [sflag:s11], $0x4000  }
0x7f: {  	[sflag:s11] =	ssyncset.done $0x0  }
0x80: {  	[sflag:s11] =	ssyncadd.s32 $0xFFFFC000  }
0x81: {  	[tilespmem:s15], [sflag:$0x2] =	stream.indirect.gather [hbm4b:s5+s13], $0x80, s23, s13, $0xb8;
	[tilespmem:$0x1D000] =	vst v63  }
0x82: {  	_ =	swait.ge [sflag:s16], $0x4000  }
0x83: {  	[sflag:s16] =	ssyncset.done $0x0  }
0x84: {  	[sflag:s16] =	ssyncadd.s32 $0xFFFFC000  }
0x85: {  	[spmem:s3] =	stream.indirect.scatter.add.f32 [tilespmem:s14], [sflag:$0x3], $0x80, s24, s13, $0xb8;
	[tilespmem:$0x1D000] =	vst v63  }
0x86: {  	_ =	swait.ge [sflag:s11], $0x4000  }
0x87: {  	[sflag:s11] =	ssyncset.done $0x0  }
0x88: {  	[sflag:s11] =	ssyncadd.s32 $0xFFFFC000  }
0x89: {  	[tilespmem:s14], [sflag:$0x1] =	stream.indirect.gather [hbm4b:s5+s13], $0x80, s25, s13, $0xb8;
	[tilespmem:$0x1D000] =	vst v63  }
0x8a: {  	_ =	swait.ge [sflag:s17], $0x4000  }
0x8b: {  	[sflag:s17] =	ssyncset.done $0x0  }
0x8c: {  	[sflag:s17] =	ssyncadd.s32 $0xFFFFC000  }
0x8d: {  	[spmem:s3] =	stream.indirect.scatter.add.f32 [tilespmem:s15], [sflag:$0x3], $0x80, s26, s13, $0xb8;
	[tilespmem:$0x1D000] =	vst v63  }
0x8e: {  	_ =	swait.ge [sflag:s11], $0x4000  }
0x8f: {  	[sflag:s11] =	ssyncset.done $0x0  }
0x90: {  	[sflag:s11] =	ssyncadd.s32 $0xFFFFC000  }
0x91: {  	[tilespmem:s15], [sflag:$0x2] =	stream.indirect.gather [hbm4b:s5+s13], $0x80, s28, s13, $0xb8;
	[tilespmem:$0x1D000] =	vst v63  }
0x92: {  	_ =	swait.ge [sflag:s16], $0x4000  }
0x93: {  	[sflag:s16] =	ssyncset.done $0x0  }
0x94: {  	[sflag:s16] =	ssyncadd.s32 $0xFFFFC000  }
0x95: {  	[spmem:s3] =	stream.indirect.scatter.add.f32 [tilespmem:s14], [sflag:$0x3], $0x80, s29, s13, $0xb8;
	[tilespmem:$0x1D000] =	vst v63  }
0x96: {  	_ =	swait.ge [sflag:s11], $0x4000  }
0x97: {  	[sflag:s11] =	ssyncset.done $0x0  }
0x98: {  	[sflag:s11] =	ssyncadd.s32 $0xFFFFC000  }
0x99: {  	[tilespmem:s14], [sflag:$0x1] =	stream.indirect.gather [hbm4b:s5+s13], $0x80, s30, s13, $0xb8;
	[tilespmem:$0x1D000] =	vst v63  }
0x9a: {  	_ =	swait.ge [sflag:s17], $0x4000  }
0x9b: {  	[sflag:s17] =	ssyncset.done $0x0  }
0x9c: {  	[sflag:s17] =	ssyncadd.s32 $0xFFFFC000  }
0x9d: {  	[spmem:s3] =	stream.indirect.scatter.add.f32 [tilespmem:s15], [sflag:$0x3], $0x80, s31, s13, $0xb8;
	[tilespmem:$0x1D000] =	vst v63  }
0x9e: {  	_ =	swait.ge [sflag:s11], $0x4000  }
0x9f: {  	[sflag:s11] =	ssyncset.done $0x0  }
0xa0: {  	[sflag:s11] =	ssyncadd.s32 $0xFFFFC000  }
0xa1: {  	[tilespmem:s15], [sflag:$0x2] =	stream.indirect.gather [hbm4b:s5+s13], $0x80, s1, s13, $0xb8;
	[tilespmem:$0x1D000] =	vst v63  }
0xa2: {  	_ =	swait.ge [sflag:s16], $0x4000  }
0xa3: {  	[sflag:s16] =	ssyncset.done $0x0  }
0xa4: {  	[sflag:s16] =	ssyncadd.s32 $0xFFFFC000  }
0xa5: {  	[spmem:s3] =	stream.indirect.scatter.add.f32 [tilespmem:s14], [sflag:$0x3], $0x80, s0, s13, $0xb8;
	[tilespmem:$0x1D000] =	vst v63  }
0xa6: {  	_ =	swait.ge [sflag:s11], $0x4000  }
0xa7: {  	[sflag:s11] =	ssyncset.done $0x0  }
0xa8: {  	[sflag:s11] =	ssyncadd.s32 $0xFFFFC000  }
0xa9: {  	_ =	swait.ge [sflag:s17], $0x4000  }
0xaa: {  	[sflag:s17] =	ssyncset.done $0x0  }
0xab: {  	[sflag:s17] =	ssyncadd.s32 $0xFFFFC000  }
0xac: {  	[spmem:s3] =	stream.indirect.scatter.add.f32 [tilespmem:s15], [sflag:$0x3], $0x80, s2, s13, $0xb8;
	[tilespmem:$0x1D000] =	vst v63  }
0xad: {  	s7 =	simm.s32 $0x200;
	_ =	swait.ge [sflag:s11], $0x4000  }
0xae: {  	s9 =	simm.s32 $0x100;
	s10 =	rddreg [dreg:$0x4];
	[sflag:s11] =	ssyncset.done $0x0  }
.LBB2_2:
0xaf: {  	[sflag:s11] =	ssyncadd.s32 $0xFFFFC000;
	s10 =	sadd.s32 s9, s10  }
0xb0: {  	[tilespmem:s4], [sflag:$0x3] =	stream.linear.gather [hbm4b:s10+s4], $0x800, $0x38;
	[tilespmem:$0x1D000] =	vst v63  }
0xb1: {  	_ =	swait.ge [sflag:s11], $0x800  }
0xb2: {  	[sflag:s11] =	ssyncset.done $0x0  }
0xb3: {  	s10 =	sadd.s32 s9, s6;
	[sflag:s11] =	ssyncadd.s32 $0xFFFFF800  }
0xb4: {  	[tilespmem:s12], [sflag:$0x3] =	stream.linear.gather [hbm4b:s10+s4], $0x800, $0x38;
	[tilespmem:$0x1D000] =	vst v63  }
0xb5: {  	_ =	swait.ge [sflag:s11], $0x800  }
0xb6: {  	[sflag:s11] =	ssyncset.done $0x0  }
0xb7: {  	[sflag:s11] =	ssyncadd.s32 $0xFFFFF800  }
0xb8: {  	[tilespmem:s14], [sflag:$0x1] =	stream.indirect.gather [hbm4b:s5+s13], $0x80, s4, s13, $0xb8;
	[tilespmem:$0x1D000] =	vst v63  }
0xb9: {  	_ = 	snop  }
0xba: {  	[tilespmem:s15], [sflag:$0x2] =	stream.indirect.gather [hbm4b:s5+s13], $0x80, s13, s13, $0xb8;
	[tilespmem:$0x1D000] =	vst v63  }
0xbb: {  	_ =	swait.ge [sflag:s16], $0x4000  }
0xbc: {  	[sflag:s16] =	ssyncset.done $0x0  }
0xbd: {  	[sflag:s16] =	ssyncadd.s32 $0xFFFFC000  }
0xbe: {  	[spmem:s3] =	stream.indirect.scatter.add.f32 [tilespmem:s14], [sflag:$0x3], $0x80, s12, s13, $0xb8;
	[tilespmem:$0x1D000] =	vst v63  }
0xbf: {  	_ =	swait.ge [sflag:s11], $0x4000  }
0xc0: {  	[sflag:s11] =	ssyncset.done $0x0  }
0xc1: {  	s10 =	rddreg [dreg:$0x5];
	[sflag:s11] =	ssyncadd.s32 $0xFFFFC000  }
0xc2: {  	[tilespmem:s14], [sflag:$0x1] =	stream.indirect.gather [hbm4b:s5+s13], $0x80, s10, s13, $0xb8;
	[tilespmem:$0x1D000] =	vst v63  }
0xc3: {  	_ =	swait.ge [sflag:s17], $0x4000  }
0xc4: {  	[sflag:s17] =	ssyncset.done $0x0  }
0xc5: {  	s10 =	rddreg [dreg:$0x6];
	[sflag:s17] =	ssyncadd.s32 $0xFFFFC000  }
0xc6: {  	[spmem:s3] =	stream.indirect.scatter.add.f32 [tilespmem:s15], [sflag:$0x3], $0x80, s10, s13, $0xb8;
	[tilespmem:$0x1D000] =	vst v63  }
0xc7: {  	_ =	swait.ge [sflag:s11], $0x4000  }
0xc8: {  	[sflag:s11] =	ssyncset.done $0x0  }
0xc9: {  	s10 =	rddreg [dreg:$0x7];
	[sflag:s11] =	ssyncadd.s32 $0xFFFFC000  }
0xca: {  	[tilespmem:s15], [sflag:$0x2] =	stream.indirect.gather [hbm4b:s5+s13], $0x80, s10, s13, $0xb8;
	[tilespmem:$0x1D000] =	vst v63  }
0xcb: {  	_ =	swait.ge [sflag:s16], $0x4000  }
0xcc: {  	[sflag:s16] =	ssyncset.done $0x0  }
0xcd: {  	s10 =	rddreg [dreg:$0x8];
	[sflag:s16] =	ssyncadd.s32 $0xFFFFC000  }
0xce: {  	[spmem:s3] =	stream.indirect.scatter.add.f32 [tilespmem:s14], [sflag:$0x3], $0x80, s10, s13, $0xb8;
	[tilespmem:$0x1D000] =	vst v63  }
0xcf: {  	_ =	swait.ge [sflag:s11], $0x4000  }
0xd0: {  	[sflag:s11] =	ssyncset.done $0x0  }
0xd1: {  	s10 =	rddreg [dreg:$0x9];
	[sflag:s11] =	ssyncadd.s32 $0xFFFFC000  }
0xd2: {  	[tilespmem:s14], [sflag:$0x1] =	stream.indirect.gather [hbm4b:s5+s13], $0x80, s10, s13, $0xb8;
	[tilespmem:$0x1D000] =	vst v63  }
0xd3: {  	_ =	swait.ge [sflag:s17], $0x4000  }
0xd4: {  	[sflag:s17] =	ssyncset.done $0x0  }
0xd5: {  	s10 =	rddreg [dreg:$0xa];
	[sflag:s17] =	ssyncadd.s32 $0xFFFFC000  }
0xd6: {  	[spmem:s3] =	stream.indirect.scatter.add.f32 [tilespmem:s15], [sflag:$0x3], $0x80, s10, s13, $0xb8;
	[tilespmem:$0x1D000] =	vst v63  }
0xd7: {  	_ =	swait.ge [sflag:s11], $0x4000  }
0xd8: {  	[sflag:s11] =	ssyncset.done $0x0  }
0xd9: {  	s10 =	rddreg [dreg:$0xb];
	[sflag:s11] =	ssyncadd.s32 $0xFFFFC000  }
0xda: {  	[tilespmem:s15], [sflag:$0x2] =	stream.indirect.gather [hbm4b:s5+s13], $0x80, s10, s13, $0xb8;
	[tilespmem:$0x1D000] =	vst v63  }
0xdb: {  	_ =	swait.ge [sflag:s16], $0x4000  }
0xdc: {  	[sflag:s16] =	ssyncset.done $0x0  }
0xdd: {  	s10 =	rddreg [dreg:$0xc];
	[sflag:s16] =	ssyncadd.s32 $0xFFFFC000  }
0xde: {  	[spmem:s3] =	stream.indirect.scatter.add.f32 [tilespmem:s14], [sflag:$0x3], $0x80, s10, s13, $0xb8;
	[tilespmem:$0x1D000] =	vst v63  }
0xdf: {  	_ =	swait.ge [sflag:s11], $0x4000  }
0xe0: {  	[sflag:s11] =	ssyncset.done $0x0  }
0xe1: {  	s10 =	rddreg [dreg:$0xd];
	[sflag:s11] =	ssyncadd.s32 $0xFFFFC000  }
0xe2: {  	[tilespmem:s14], [sflag:$0x1] =	stream.indirect.gather [hbm4b:s5+s13], $0x80, s10, s13, $0xb8;
	[tilespmem:$0x1D000] =	vst v63  }
0xe3: {  	_ =	swait.ge [sflag:s17], $0x4000  }
0xe4: {  	[sflag:s17] =	ssyncset.done $0x0  }
0xe5: {  	s10 =	rddreg [dreg:$0xe];
	[sflag:s17] =	ssyncadd.s32 $0xFFFFC000  }
0xe6: {  	[spmem:s3] =	stream.indirect.scatter.add.f32 [tilespmem:s15], [sflag:$0x3], $0x80, s10, s13, $0xb8;
	[tilespmem:$0x1D000] =	vst v63  }
0xe7: {  	_ =	swait.ge [sflag:s11], $0x4000  }
0xe8: {  	[sflag:s11] =	ssyncset.done $0x0  }
0xe9: {  	s10 =	rddreg [dreg:$0xf];
	[sflag:s11] =	ssyncadd.s32 $0xFFFFC000  }
0xea: {  	[tilespmem:s15], [sflag:$0x2] =	stream.indirect.gather [hbm4b:s5+s13], $0x80, s10, s13, $0xb8;
	[tilespmem:$0x1D000] =	vst v63  }
0xeb: {  	_ =	swait.ge [sflag:s16], $0x4000  }
0xec: {  	[sflag:s16] =	ssyncset.done $0x0  }
0xed: {  	s10 =	rddreg [dreg:$0x10];
	[sflag:s16] =	ssyncadd.s32 $0xFFFFC000  }
0xee: {  	[spmem:s3] =	stream.indirect.scatter.add.f32 [tilespmem:s14], [sflag:$0x3], $0x80, s10, s13, $0xb8;
	[tilespmem:$0x1D000] =	vst v63  }
0xef: {  	_ =	swait.ge [sflag:s11], $0x4000  }
0xf0: {  	[sflag:s11] =	ssyncset.done $0x0  }
0xf1: {  	s10 =	rddreg [dreg:$0x11];
	[sflag:s11] =	ssyncadd.s32 $0xFFFFC000  }
0xf2: {  	[tilespmem:s14], [sflag:$0x1] =	stream.indirect.gather [hbm4b:s5+s13], $0x80, s10, s13, $0xb8;
	[tilespmem:$0x1D000] =	vst v63  }
0xf3: {  	_ =	swait.ge [sflag:s17], $0x4000  }
0xf4: {  	[sflag:s17] =	ssyncset.done $0x0  }
0xf5: {  	[sflag:s17] =	ssyncadd.s32 $0xFFFFC000  }
0xf6: {  	[spmem:s3] =	stream.indirect.scatter.add.f32 [tilespmem:s15], [sflag:$0x3], $0x80, s18, s13, $0xb8;
	[tilespmem:$0x1D000] =	vst v63  }
0xf7: {  	_ =	swait.ge [sflag:s11], $0x4000  }
0xf8: {  	[sflag:s11] =	ssyncset.done $0x0  }
0xf9: {  	[sflag:s11] =	ssyncadd.s32 $0xFFFFC000  }
0xfa: {  	[tilespmem:s15], [sflag:$0x2] =	stream.indirect.gather [hbm4b:s5+s13], $0x80, s19, s13, $0xb8;
	[tilespmem:$0x1D000] =	vst v63  }
0xfb: {  	_ =	swait.ge [sflag:s16], $0x4000  }
0xfc: {  	[sflag:s16] =	ssyncset.done $0x0  }
0xfd: {  	[sflag:s16] =	ssyncadd.s32 $0xFFFFC000  }
0xfe: {  	[spmem:s3] =	stream.indirect.scatter.add.f32 [tilespmem:s14], [sflag:$0x3], $0x80, s20, s13, $0xb8;
	[tilespmem:$0x1D000] =	vst v63  }
0xff: {  	_ =	swait.ge [sflag:s11], $0x4000  }
0x100: {  	[sflag:s11] =	ssyncset.done $0x0  }
0x101: {  	[sflag:s11] =	ssyncadd.s32 $0xFFFFC000  }
0x102: {  	[tilespmem:s14], [sflag:$0x1] =	stream.indirect.gather [hbm4b:s5+s13], $0x80, s21, s13, $0xb8;
	[tilespmem:$0x1D000] =	vst v63  }
0x103: {  	_ =	swait.ge [sflag:s17], $0x4000  }
0x104: {  	[sflag:s17] =	ssyncset.done $0x0  }
0x105: {  	[sflag:s17] =	ssyncadd.s32 $0xFFFFC000  }
0x106: {  	[spmem:s3] =	stream.indirect.scatter.add.f32 [tilespmem:s15], [sflag:$0x3], $0x80, s22, s13, $0xb8;
	[tilespmem:$0x1D000] =	vst v63  }
0x107: {  	_ =	swait.ge [sflag:s11], $0x4000  }
0x108: {  	[sflag:s11] =	ssyncset.done $0x0  }
0x109: {  	[sflag:s11] =	ssyncadd.s32 $0xFFFFC000  }
0x10a: {  	[tilespmem:s15], [sflag:$0x2] =	stream.indirect.gather [hbm4b:s5+s13], $0x80, s23, s13, $0xb8;
	[tilespmem:$0x1D000] =	vst v63  }
0x10b: {  	_ =	swait.ge [sflag:s16], $0x4000  }
0x10c: {  	[sflag:s16] =	ssyncset.done $0x0  }
0x10d: {  	[sflag:s16] =	ssyncadd.s32 $0xFFFFC000  }
0x10e: {  	[spmem:s3] =	stream.indirect.scatter.add.f32 [tilespmem:s14], [sflag:$0x3], $0x80, s24, s13, $0xb8;
	[tilespmem:$0x1D000] =	vst v63  }
0x10f: {  	_ =	swait.ge [sflag:s11], $0x4000  }
0x110: {  	[sflag:s11] =	ssyncset.done $0x0  }
0x111: {  	[sflag:s11] =	ssyncadd.s32 $0xFFFFC000  }
0x112: {  	[tilespmem:s14], [sflag:$0x1] =	stream.indirect.gather [hbm4b:s5+s13], $0x80, s25, s13, $0xb8;
	[tilespmem:$0x1D000] =	vst v63  }
0x113: {  	_ =	swait.ge [sflag:s17], $0x4000  }
0x114: {  	[sflag:s17] =	ssyncset.done $0x0  }
0x115: {  	[sflag:s17] =	ssyncadd.s32 $0xFFFFC000  }
0x116: {  	[spmem:s3] =	stream.indirect.scatter.add.f32 [tilespmem:s15], [sflag:$0x3], $0x80, s26, s13, $0xb8;
	[tilespmem:$0x1D000] =	vst v63  }
0x117: {  	_ =	swait.ge [sflag:s11], $0x4000  }
0x118: {  	[sflag:s11] =	ssyncset.done $0x0  }
0x119: {  	[sflag:s11] =	ssyncadd.s32 $0xFFFFC000  }
0x11a: {  	[tilespmem:s15], [sflag:$0x2] =	stream.indirect.gather [hbm4b:s5+s13], $0x80, s28, s13, $0xb8;
	[tilespmem:$0x1D000] =	vst v63  }
0x11b: {  	_ =	swait.ge [sflag:s16], $0x4000  }
0x11c: {  	[sflag:s16] =	ssyncset.done $0x0  }
0x11d: {  	[sflag:s16] =	ssyncadd.s32 $0xFFFFC000  }
0x11e: {  	[spmem:s3] =	stream.indirect.scatter.add.f32 [tilespmem:s14], [sflag:$0x3], $0x80, s29, s13, $0xb8;
	[tilespmem:$0x1D000] =	vst v63  }
0x11f: {  	_ =	swait.ge [sflag:s11], $0x4000  }
0x120: {  	[sflag:s11] =	ssyncset.done $0x0  }
0x121: {  	[sflag:s11] =	ssyncadd.s32 $0xFFFFC000  }
0x122: {  	[tilespmem:s14], [sflag:$0x1] =	stream.indirect.gather [hbm4b:s5+s13], $0x80, s30, s13, $0xb8;
	[tilespmem:$0x1D000] =	vst v63  }
0x123: {  	_ =	swait.ge [sflag:s17], $0x4000  }
0x124: {  	[sflag:s17] =	ssyncset.done $0x0  }
0x125: {  	[sflag:s17] =	ssyncadd.s32 $0xFFFFC000  }
0x126: {  	[spmem:s3] =	stream.indirect.scatter.add.f32 [tilespmem:s15], [sflag:$0x3], $0x80, s31, s13, $0xb8;
	[tilespmem:$0x1D000] =	vst v63  }
0x127: {  	_ =	swait.ge [sflag:s11], $0x4000  }
0x128: {  	[sflag:s11] =	ssyncset.done $0x0  }
0x129: {  	[sflag:s11] =	ssyncadd.s32 $0xFFFFC000  }
0x12a: {  	[tilespmem:s15], [sflag:$0x2] =	stream.indirect.gather [hbm4b:s5+s13], $0x80, s1, s13, $0xb8;
	[tilespmem:$0x1D000] =	vst v63  }
0x12b: {  	_ =	swait.ge [sflag:s16], $0x4000  }
0x12c: {  	[sflag:s16] =	ssyncset.done $0x0  }
0x12d: {  	[sflag:s16] =	ssyncadd.s32 $0xFFFFC000  }
0x12e: {  	[spmem:s3] =	stream.indirect.scatter.add.f32 [tilespmem:s14], [sflag:$0x3], $0x80, s0, s13, $0xb8;
	[tilespmem:$0x1D000] =	vst v63  }
0x12f: {  	_ =	swait.ge [sflag:s11], $0x4000  }
0x130: {  	[sflag:s11] =	ssyncset.done $0x0  }
0x131: {  	[sflag:s11] =	ssyncadd.s32 $0xFFFFC000  }
0x132: {  	p0 =	sne.s32 s7, $0x400;
	_ =	swait.ge [sflag:s17], $0x4000  }
.Ltmp0:
0x133: {  	[sflag:s17] =	ssyncset.done $0x0;
	(pc) =	sbr.rel @p0 .LBB2_2-.Ltmp0, $4  }
0x134: {  	[sflag:s17] =	ssyncadd.s32 $0xFFFFC000  }
0x135: {  	[spmem:s3] =	stream.indirect.scatter.add.f32 [tilespmem:s15], [sflag:$0x3], $0x80, s2, s13, $0xb8;
	[tilespmem:$0x1D000] =	vst v63  }
0x136: {  	s8 =	smov.u32 s7;
	s7 =	sadd.s32 $0x100, s7;
	_ =	swait.ge [sflag:s11], $0x4000  }
0x137: {  	s9 =	smov.u32 s8;
	s10 =	rddreg [dreg:$0x4];
	[sflag:s11] =	ssyncset.done $0x0  }
0x138: {  	[sflag:s11] =	ssyncadd.s32 $0xFFFFC000;
	s7 =	sadd.s32 s9, s10  }
0x139: {  	[tilespmem:s4], [sflag:$0x3] =	stream.linear.gather [hbm4b:s7+s4], $0x800, $0x38;
	[tilespmem:$0x1D000] =	vst v63  }
0x13a: {  	_ =	swait.ge [sflag:s11], $0x800  }
0x13b: {  	[sflag:s11] =	ssyncset.done $0x0  }
0x13c: {  	s8 =	sadd.s32 s9, s6;
	[sflag:s11] =	ssyncadd.s32 $0xFFFFF800  }
0x13d: {  	[tilespmem:s12], [sflag:$0x3] =	stream.linear.gather [hbm4b:s8+s4], $0x800, $0x38;
	[tilespmem:$0x1D000] =	vst v63  }
0x13e: {  	_ =	swait.ge [sflag:s11], $0x800  }
0x13f: {  	[sflag:s11] =	ssyncset.done $0x0  }
0x140: {  	[sflag:s11] =	ssyncadd.s32 $0xFFFFF800  }
0x141: {  	[tilespmem:s14], [sflag:$0x1] =	stream.indirect.gather [hbm4b:s5+s13], $0x80, s4, s13, $0xb8;
	[tilespmem:$0x1D000] =	vst v63  }
0x142: {  	_ = 	snop  }
0x143: {  	[tilespmem:s15], [sflag:$0x2] =	stream.indirect.gather [hbm4b:s5+s13], $0x80, s13, s13, $0xb8;
	[tilespmem:$0x1D000] =	vst v63  }
0x144: {  	_ =	swait.ge [sflag:s16], $0x4000  }
0x145: {  	[sflag:s16] =	ssyncset.done $0x0  }
0x146: {  	[sflag:s16] =	ssyncadd.s32 $0xFFFFC000  }
0x147: {  	[spmem:s3] =	stream.indirect.scatter.add.f32 [tilespmem:s14], [sflag:$0x3], $0x80, s12, s13, $0xb8;
	[tilespmem:$0x1D000] =	vst v63  }
0x148: {  	_ =	swait.ge [sflag:s11], $0x4000  }
0x149: {  	[sflag:s11] =	ssyncset.done $0x0  }
0x14a: {  	s9 =	rddreg [dreg:$0x5];
	[sflag:s11] =	ssyncadd.s32 $0xFFFFC000  }
0x14b: {  	[tilespmem:s14], [sflag:$0x1] =	stream.indirect.gather [hbm4b:s5+s13], $0x80, s9, s13, $0xb8;
	[tilespmem:$0x1D000] =	vst v63  }
0x14c: {  	_ =	swait.ge [sflag:s17], $0x4000  }
0x14d: {  	[sflag:s17] =	ssyncset.done $0x0  }
0x14e: {  	s10 =	rddreg [dreg:$0x6];
	[sflag:s17] =	ssyncadd.s32 $0xFFFFC000  }
0x14f: {  	[spmem:s3] =	stream.indirect.scatter.add.f32 [tilespmem:s15], [sflag:$0x3], $0x80, s10, s13, $0xb8;
	[tilespmem:$0x1D000] =	vst v63  }
0x150: {  	_ =	swait.ge [sflag:s11], $0x4000  }
0x151: {  	[sflag:s11] =	ssyncset.done $0x0  }
0x152: {  	s8 =	rddreg [dreg:$0x7];
	[sflag:s11] =	ssyncadd.s32 $0xFFFFC000  }
0x153: {  	[tilespmem:s15], [sflag:$0x2] =	stream.indirect.gather [hbm4b:s5+s13], $0x80, s8, s13, $0xb8;
	[tilespmem:$0x1D000] =	vst v63  }
0x154: {  	_ =	swait.ge [sflag:s16], $0x4000  }
0x155: {  	[sflag:s16] =	ssyncset.done $0x0  }
0x156: {  	s9 =	rddreg [dreg:$0x8];
	[sflag:s16] =	ssyncadd.s32 $0xFFFFC000  }
0x157: {  	[spmem:s3] =	stream.indirect.scatter.add.f32 [tilespmem:s14], [sflag:$0x3], $0x80, s9, s13, $0xb8;
	[tilespmem:$0x1D000] =	vst v63  }
0x158: {  	_ =	swait.ge [sflag:s11], $0x4000  }
0x159: {  	[sflag:s11] =	ssyncset.done $0x0  }
0x15a: {  	s10 =	rddreg [dreg:$0x9];
	[sflag:s11] =	ssyncadd.s32 $0xFFFFC000  }
0x15b: {  	[tilespmem:s14], [sflag:$0x1] =	stream.indirect.gather [hbm4b:s5+s13], $0x80, s10, s13, $0xb8;
	[tilespmem:$0x1D000] =	vst v63  }
0x15c: {  	_ =	swait.ge [sflag:s17], $0x4000  }
0x15d: {  	[sflag:s17] =	ssyncset.done $0x0  }
0x15e: {  	s8 =	rddreg [dreg:$0xa];
	[sflag:s17] =	ssyncadd.s32 $0xFFFFC000  }
0x15f: {  	[spmem:s3] =	stream.indirect.scatter.add.f32 [tilespmem:s15], [sflag:$0x3], $0x80, s8, s13, $0xb8;
	[tilespmem:$0x1D000] =	vst v63  }
0x160: {  	_ =	swait.ge [sflag:s11], $0x4000  }
0x161: {  	[sflag:s11] =	ssyncset.done $0x0  }
0x162: {  	s9 =	rddreg [dreg:$0xb];
	[sflag:s11] =	ssyncadd.s32 $0xFFFFC000  }
0x163: {  	[tilespmem:s15], [sflag:$0x2] =	stream.indirect.gather [hbm4b:s5+s13], $0x80, s9, s13, $0xb8;
	[tilespmem:$0x1D000] =	vst v63  }
0x164: {  	_ =	swait.ge [sflag:s16], $0x4000  }
0x165: {  	[sflag:s16] =	ssyncset.done $0x0  }
0x166: {  	s10 =	rddreg [dreg:$0xc];
	[sflag:s16] =	ssyncadd.s32 $0xFFFFC000  }
0x167: {  	[spmem:s3] =	stream.indirect.scatter.add.f32 [tilespmem:s14], [sflag:$0x3], $0x80, s10, s13, $0xb8;
	[tilespmem:$0x1D000] =	vst v63  }
0x168: {  	_ =	swait.ge [sflag:s11], $0x4000  }
0x169: {  	[sflag:s11] =	ssyncset.done $0x0  }
0x16a: {  	s8 =	rddreg [dreg:$0xd];
	[sflag:s11] =	ssyncadd.s32 $0xFFFFC000  }
0x16b: {  	[tilespmem:s14], [sflag:$0x1] =	stream.indirect.gather [hbm4b:s5+s13], $0x80, s8, s13, $0xb8;
	[tilespmem:$0x1D000] =	vst v63  }
0x16c: {  	_ =	swait.ge [sflag:s17], $0x4000  }
0x16d: {  	[sflag:s17] =	ssyncset.done $0x0  }
0x16e: {  	s9 =	rddreg [dreg:$0xe];
	[sflag:s17] =	ssyncadd.s32 $0xFFFFC000  }
0x16f: {  	[spmem:s3] =	stream.indirect.scatter.add.f32 [tilespmem:s15], [sflag:$0x3], $0x80, s9, s13, $0xb8;
	[tilespmem:$0x1D000] =	vst v63  }
0x170: {  	_ =	swait.ge [sflag:s11], $0x4000  }
0x171: {  	[sflag:s11] =	ssyncset.done $0x0  }
0x172: {  	s10 =	rddreg [dreg:$0xf];
	[sflag:s11] =	ssyncadd.s32 $0xFFFFC000  }
0x173: {  	[tilespmem:s15], [sflag:$0x2] =	stream.indirect.gather [hbm4b:s5+s13], $0x80, s10, s13, $0xb8;
	[tilespmem:$0x1D000] =	vst v63  }
0x174: {  	_ =	swait.ge [sflag:s16], $0x4000  }
0x175: {  	[sflag:s16] =	ssyncset.done $0x0  }
0x176: {  	s8 =	rddreg [dreg:$0x10];
	[sflag:s16] =	ssyncadd.s32 $0xFFFFC000  }
0x177: {  	[spmem:s3] =	stream.indirect.scatter.add.f32 [tilespmem:s14], [sflag:$0x3], $0x80, s8, s13, $0xb8;
	[tilespmem:$0x1D000] =	vst v63  }
0x178: {  	_ =	swait.ge [sflag:s11], $0x4000  }
0x179: {  	[sflag:s11] =	ssyncset.done $0x0  }
0x17a: {  	s9 =	rddreg [dreg:$0x11];
	[sflag:s11] =	ssyncadd.s32 $0xFFFFC000  }
0x17b: {  	[tilespmem:s14], [sflag:$0x1] =	stream.indirect.gather [hbm4b:s5+s13], $0x80, s9, s13, $0xb8;
	[tilespmem:$0x1D000] =	vst v63  }
0x17c: {  	_ =	swait.ge [sflag:s17], $0x4000  }
0x17d: {  	[sflag:s17] =	ssyncset.done $0x0  }
0x17e: {  	[sflag:s17] =	ssyncadd.s32 $0xFFFFC000  }
0x17f: {  	[spmem:s3] =	stream.indirect.scatter.add.f32 [tilespmem:s15], [sflag:$0x3], $0x80, s18, s13, $0xb8;
	[tilespmem:$0x1D000] =	vst v63  }
0x180: {  	_ =	swait.ge [sflag:s11], $0x4000  }
0x181: {  	[sflag:s11] =	ssyncset.done $0x0  }
0x182: {  	[sflag:s11] =	ssyncadd.s32 $0xFFFFC000  }
0x183: {  	[tilespmem:s15], [sflag:$0x2] =	stream.indirect.gather [hbm4b:s5+s13], $0x80, s19, s13, $0xb8;
	[tilespmem:$0x1D000] =	vst v63  }
0x184: {  	_ =	swait.ge [sflag:s16], $0x4000  }
0x185: {  	[sflag:s16] =	ssyncset.done $0x0  }
0x186: {  	[sflag:s16] =	ssyncadd.s32 $0xFFFFC000  }
0x187: {  	[spmem:s3] =	stream.indirect.scatter.add.f32 [tilespmem:s14], [sflag:$0x3], $0x80, s20, s13, $0xb8;
	[tilespmem:$0x1D000] =	vst v63  }
0x188: {  	_ =	swait.ge [sflag:s11], $0x4000  }
0x189: {  	[sflag:s11] =	ssyncset.done $0x0  }
0x18a: {  	[sflag:s11] =	ssyncadd.s32 $0xFFFFC000  }
0x18b: {  	[tilespmem:s14], [sflag:$0x1] =	stream.indirect.gather [hbm4b:s5+s13], $0x80, s21, s13, $0xb8;
	[tilespmem:$0x1D000] =	vst v63  }
0x18c: {  	_ =	swait.ge [sflag:s17], $0x4000  }
0x18d: {  	[sflag:s17] =	ssyncset.done $0x0  }
0x18e: {  	[sflag:s17] =	ssyncadd.s32 $0xFFFFC000  }
0x18f: {  	[spmem:s3] =	stream.indirect.scatter.add.f32 [tilespmem:s15], [sflag:$0x3], $0x80, s22, s13, $0xb8;
	[tilespmem:$0x1D000] =	vst v63  }
0x190: {  	_ =	swait.ge [sflag:s11], $0x4000  }
0x191: {  	[sflag:s11] =	ssyncset.done $0x0  }
0x192: {  	[sflag:s11] =	ssyncadd.s32 $0xFFFFC000  }
0x193: {  	[tilespmem:s15], [sflag:$0x2] =	stream.indirect.gather [hbm4b:s5+s13], $0x80, s23, s13, $0xb8;
	[tilespmem:$0x1D000] =	vst v63  }
0x194: {  	_ =	swait.ge [sflag:s16], $0x4000  }
0x195: {  	[sflag:s16] =	ssyncset.done $0x0  }
0x196: {  	[sflag:s16] =	ssyncadd.s32 $0xFFFFC000  }
0x197: {  	[spmem:s3] =	stream.indirect.scatter.add.f32 [tilespmem:s14], [sflag:$0x3], $0x80, s24, s13, $0xb8;
	[tilespmem:$0x1D000] =	vst v63  }
0x198: {  	_ =	swait.ge [sflag:s11], $0x4000  }
0x199: {  	[sflag:s11] =	ssyncset.done $0x0  }
0x19a: {  	[sflag:s11] =	ssyncadd.s32 $0xFFFFC000  }
0x19b: {  	[tilespmem:s14], [sflag:$0x1] =	stream.indirect.gather [hbm4b:s5+s13], $0x80, s25, s13, $0xb8;
	[tilespmem:$0x1D000] =	vst v63  }
0x19c: {  	_ =	swait.ge [sflag:s17], $0x4000  }
0x19d: {  	[sflag:s17] =	ssyncset.done $0x0  }
0x19e: {  	[sflag:s17] =	ssyncadd.s32 $0xFFFFC000  }
0x19f: {  	[spmem:s3] =	stream.indirect.scatter.add.f32 [tilespmem:s15], [sflag:$0x3], $0x80, s26, s13, $0xb8;
	[tilespmem:$0x1D000] =	vst v63  }
0x1a0: {  	_ =	swait.ge [sflag:s11], $0x4000  }
0x1a1: {  	[sflag:s11] =	ssyncset.done $0x0  }
0x1a2: {  	[sflag:s11] =	ssyncadd.s32 $0xFFFFC000  }
0x1a3: {  	[tilespmem:s15], [sflag:$0x2] =	stream.indirect.gather [hbm4b:s5+s13], $0x80, s28, s13, $0xb8;
	[tilespmem:$0x1D000] =	vst v63  }
0x1a4: {  	_ =	swait.ge [sflag:s16], $0x4000  }
0x1a5: {  	[sflag:s16] =	ssyncset.done $0x0  }
0x1a6: {  	[sflag:s16] =	ssyncadd.s32 $0xFFFFC000  }
0x1a7: {  	[spmem:s3] =	stream.indirect.scatter.add.f32 [tilespmem:s14], [sflag:$0x3], $0x80, s29, s13, $0xb8;
	[tilespmem:$0x1D000] =	vst v63  }
0x1a8: {  	_ =	swait.ge [sflag:s11], $0x4000  }
0x1a9: {  	[sflag:s11] =	ssyncset.done $0x0  }
0x1aa: {  	[sflag:s11] =	ssyncadd.s32 $0xFFFFC000  }
0x1ab: {  	[tilespmem:s14], [sflag:$0x1] =	stream.indirect.gather [hbm4b:s5+s13], $0x80, s30, s13, $0xb8;
	[tilespmem:$0x1D000] =	vst v63  }
0x1ac: {  	_ =	swait.ge [sflag:s17], $0x4000  }
0x1ad: {  	[sflag:s17] =	ssyncset.done $0x0  }
0x1ae: {  	[sflag:s17] =	ssyncadd.s32 $0xFFFFC000  }
0x1af: {  	[spmem:s3] =	stream.indirect.scatter.add.f32 [tilespmem:s15], [sflag:$0x3], $0x80, s31, s13, $0xb8;
	[tilespmem:$0x1D000] =	vst v63  }
0x1b0: {  	_ =	swait.ge [sflag:s11], $0x4000  }
0x1b1: {  	[sflag:s11] =	ssyncset.done $0x0  }
0x1b2: {  	[sflag:s11] =	ssyncadd.s32 $0xFFFFC000  }
0x1b3: {  	[tilespmem:s15], [sflag:$0x2] =	stream.indirect.gather [hbm4b:s5+s13], $0x80, s1, s13, $0xb8;
	[tilespmem:$0x1D000] =	vst v63  }
0x1b4: {  	_ =	swait.ge [sflag:s16], $0x4000  }
0x1b5: {  	[sflag:s16] =	ssyncset.done $0x0  }
0x1b6: {  	[sflag:s16] =	ssyncadd.s32 $0xFFFFC000  }
0x1b7: {  	[spmem:s3] =	stream.indirect.scatter.add.f32 [tilespmem:s14], [sflag:$0x3], $0x80, s0, s13, $0xb8;
	[tilespmem:$0x1D000] =	vst v63  }
0x1b8: {  	_ =	swait.ge [sflag:s11], $0x4000  }
0x1b9: {  	[sflag:s11] =	ssyncset.done $0x0  }
0x1ba: {  	[sflag:s11] =	ssyncadd.s32 $0xFFFFC000  }
0x1bb: {  	_ =	swait.ge [sflag:s17], $0x4000  }
0x1bc: {  	[sflag:s17] =	ssyncset.done $0x0  }
0x1bd: {  	[sflag:s17] =	ssyncadd.s32 $0xFFFFC000  }
0x1be: {  	[spmem:s3] =	stream.indirect.scatter.add.f32 [tilespmem:s15], [sflag:$0x3], $0x80, s2, s13, $0xb8;
	[tilespmem:$0x1D000] =	vst v63  }
0x1bf: {  	_ =	swait.ge [sflag:s11], $0x4000  }
0x1c0: {  	[sflag:s11] =	ssyncset.done $0x0  }
0x1c1: {  	[sflag:s11] =	ssyncadd.s32 $0xFFFFC000  }
0x1c2: {  	[bflag:$0x0] =	sbarrier.arrive $0xFFFF  }
0x1c3: {  	s8 =	rddreg [dreg:$0x12]  }
0x1c4: {  	s10 =	rddreg [dreg:$0x13]  }
0x1c5: {  	s9 =	rddreg [dreg:$0x15]  }
0x1c6: {  	[hbm:s10], [sflag:s8] =	dma.local [spmem:s9], $0x2800  }
0x1c7: {  	_ =	swait.ge [sflag:s11], $0x2800  }
0x1c8: {  	s7 =	rddreg [dreg:$0x16]  }
0x1c9: {  	s10 =	sadd.s32 $0x1, s7;
	s7 =	rddreg [dreg:$0x14]  }
0x1ca: {  	p0 =	sne.s32 s10, s7  }
.Ltmp1:
0x1cb: {  	_ = 	snop;
	(pc) =	sbr.rel @p0 .LBB2_1-.Ltmp1, $3  }
0x1cc: {  	_ =	sdelay $0x1  }
0x1cd: {  	[sflag:s11] =	ssyncset.done $0x0  }
0x1ce: {  	[sflag:s11] =	ssyncadd.s32 $0xFFFFD800  }
0x1cf: {  	_ =	sfence.sel $0x180000  }
0x1d0: {  	[bflag:$0x0] =	sbarrier.arrive $0xFFFF  }
0x1d1: {  	_ =	strace $0x9000004A  }
0x1d2: {  	s0 =	stileid.u32;
	[bflag:$0x2] =	sbarrier.arrive $0xFFFF  }
0x1d3: {  	p0 =	sne.s32 s0, $0x0;
	s0 =	rddreg [dreg:$0x3]  }
0x1d4: {  	s0 =	sadd.s32 @!p0 $0x100000, s0  }
0x1d5: {  	[sflag:s0] =	ssyncadd.tile.s32 @!p0 $0x1;
	_ =	shalt  }
.Lfunc_end2:
_tile_overlayer_lowered:
.L_overlay_start_2:
0x1d6: {  	(tag) =	ssettag $0x2  }
0x1d7: {  	s0 =	rddreg [dreg:$0x0];
	s2 =	stileid.u32  }
0x1d8: {  	s1 =	rddreg [dreg:$0x1];
	p0 =	sne.s32 s2, $0x0  }
0x1d9: {  	s3 =	rddreg [dreg:$0x2];
	[bflag:$0x3] =	sbarrier.arrive $0xFFFF;
	s2 =	simm.s32 @!p0 $0x1C03  }
0x1da: {  	[timem:s3], [sflag:s2] =	dma.local @!p0 [hbm:s0], s1  }
0x1db: {  	s0 =	simm.s32 @!p0 $0x3  }
0x1dc: {  	_ =	swait.ge @!p0 [sflag:s0], s1  }
0x1dd: {  	s1 =	ssub.s32 @!p0 $0x0, s1;
	[sflag:s0] =	ssyncset.done @!p0 $0x0  }
0x1de: {  	[sflag:s0] =	ssyncadd.s32 @!p0 s1  }
0x1df: {  	[bflag:$0x3] =	sbarrier.arrive $0xFFFF  }
0x1e0: {  	_ =	shalt  }

// kernel: kernel.15.cloned.1.call-start
scs
__scs_entry_jumppad:
0x0: {  	(pc) =	sbr.rel $0x88, $3  }
0x1: {  	(tag) =	ssettag $0x0;
	lr =	simm.s32 $0x1  }
0x2: {  	[smem:$0x3F96] =	sst lr;
	_ =	strace $0xD0000000  }
0x3: {  	_ = 	snop  }
0x4: {  	_ = 	snop  }
0x5: {  	_ = 	snop  }
0x6: {  	_ = 	snop  }
0x7: {  	_ = 	snop  }
__scs_overlays_trampoline_lowered:
0x8: {  	[smem:$0x3FA5] =	sst s0  }
0x9: {  	[smem:$0x3FA6] =	sst s1  }
0xa: {  	[smem:$0x3FA7] =	sst s2  }
0xb: {  	[smem:$0x3FA8] =	sst s3  }
0xc: {  	[smem:$0x3FA9] =	sst s4  }
0xd: {  	[smem:$0x3FAA] =	sst s5  }
0xe: {  	[smem:$0x3FAB] =	sst s6  }
0xf: {  	[smem:$0x3FAC] =	sst s7  }
0x10: {  	[smem:$0x3FAD] =	sst s8  }
0x11: {  	[smem:$0x3FAE] =	sst s9;
	s0 =	simm.s32 @!p0 $0x0  }
0x12: {  	s1 =	sld [smem:$0x3F94];
	s0 =	simm.s32 @p0 $0x1  }
0x13: {  	[smem:$0x3FAF] =	sst s0;
	s0 =	simm.s32 @!p1 $0x0  }
0x14: {  	s2 =	sld [smem:$0x3F93];
	s0 =	simm.s32 @p1 $0x1  }
0x15: {  	[smem:$0x3FB0] =	sst s0;
	s0 =	simm.s32 @!p2 $0x0  }
0x16: {  	s3 =	sld [smem:$0x3FDB];
	s0 =	simm.s32 @p2 $0x1  }
0x17: {  	s4 =	simm.s32 $0x1BF5;
	[smem:$0x3FB2] =	sst s0  }
0x18: {  	s0 =	sld [smem:$0x3F95];
	_ =	swait.ge [sflag:s4], $0x0  }
0x19: {  	s7 =	sld [smem:$0x3F96]  }
0x1a: {  	s8 =	sadd.s32 $0xFFFFE003, lr  }
0x1b: {  	s9 =	sadd.s32 $0xFFFFFEF7, lr;
	s5 =	simm.s32 $0xFFFFFFFF;
	p2 =	slt.u32 s8, $0xFFFFF086  }
0x1c: {  	p1 =	slt.u32 s9, $0xF7A;
	s5 =	simm.s32 @!p2 $0x0  }
0x1d: {  	s5 =	simm.s32 @p1 $0x1;
	p0 =	seq.s32 s7, s2  }
0x1e: {  	s7 =	smul.u32 @!p0 $0xF7A, s2;
	p2 =	seq.s32 @!p0 s5, $0x0  }
0x1f: {  	s9 =	smul.u32 $0xF7A, s1;
	s8 =	simm.s32 @!p0 $0x1BF5;
	p2 =	por !p2, p0  }
0x20: {  	[sflag:s8] =	ssyncset.s32 @!p0 $0xFFFFF086;
	s6 =	sadd.s32 @!p0 s3, s7;
	s7 =	simm.s32 @!p0 $0x108  }
0x21: {  	s3 =	sadd.s32 s3, s9;
	s6 =	sadd.s32 @!p0 $0x88, s6;
	s7 =	simm.s32 @p2 $0x1082  }
0x22: {  	[simem:s7], [sflag:s8] =	dma.local @!p0 [hbm:s6], $0xF7A  }
0x23: {  	s9 =	sor.u32 $0xD0000000, s2;
	s6 =	simm.s32 $0x108;
	_ =	swait.ge @!p0 [sflag:s8], $0x0  }
0x24: {  	s3 =	sadd.s32 $0x88, s3;
	s6 =	simm.s32 @!p1 $0x1082;
	[sflag:s4] =	ssyncset.s32 $0xFFFFF086  }
0x25: {  	[simem:s6], [sflag:s4] =	dma.local [hbm:s3], $0xF7A  }
0x26: {  	[smem:$0x3F96] =	sst s1;
	(tag) =	ssettag s2;
	_ =	strace s9  }
0x27: {  	s1 =	sld [smem:$0x3FA6]  }
0x28: {  	s2 =	sld [smem:$0x3FA7]  }
0x29: {  	s4 =	sld [smem:$0x3FA9]  }
0x2a: {  	p0 =	seq.s32 s5, $0x0;
	s5 =	sld [smem:$0x3FAA]  }
0x2b: {  	s6 =	sld [smem:$0x3FAB]  }
0x2c: {  	s7 =	sld [smem:$0x3FAC]  }
0x2d: {  	s3 =	simm.s32 $0x108;
	s8 =	sld [smem:$0x3FAD]  }
0x2e: {  	s3 =	simm.s32 @!p0 $0x1082;
	s9 =	sld [smem:$0x3FAE]  }
0x2f: {  	lr =	sadd.s32 s0, s3;
	s0 =	sld [smem:$0x3FA5]  }
0x30: {  	s3 =	sld [smem:$0x3FA8]  }
0x31: {  	[smem:$0x3FB1] =	sst s10  }
0x32: {  	s10 =	sld [smem:$0x3FAF];
	_ =	sdelay $0x3  }
0x33: {  	p0 =	seq.s32 s10, $0x1;
	s10 =	sld [smem:$0x3FB1];
	_ =	sdelay $0x3  }
0x34: {  	[smem:$0x3FB1] =	sst s10  }
0x35: {  	s10 =	sld [smem:$0x3FB0];
	_ =	sdelay $0x3  }
0x36: {  	p1 =	seq.s32 s10, $0x1;
	s10 =	sld [smem:$0x3FB1];
	_ =	sdelay $0x3  }
0x37: {  	[smem:$0x3FB1] =	sst s10  }
0x38: {  	s10 =	sld [smem:$0x3FB2]  }
0x39: {  	_ = 	snop;
	(pc) =	sbr.ind lr, $3  }
0x3a: {  	_ = 	snop  }
0x3b: {  	_ = 	snop  }
0x3c: {  	p2 =	seq.s32 s10, $0x1;
	s10 =	sld [smem:$0x3FB1]  }
0x3d: {  	_ =	shalt  }
0x3e: {  	_ =	shalt  }
0x3f: {  	_ =	shalt  }
0x40: {  	_ =	shalt  }
0x41: {  	_ =	shalt  }
0x42: {  	_ =	shalt  }
0x43: {  	_ =	shalt  }
0x44: {  	_ =	shalt  }
0x45: {  	_ =	shalt  }
0x46: {  	_ =	shalt  }
0x47: {  	_ =	shalt  }
0x48: {  	_ =	shalt  }
0x49: {  	_ =	shalt  }
0x4a: {  	_ =	shalt  }
0x4b: {  	_ =	shalt  }
0x4c: {  	_ =	shalt  }
0x4d: {  	_ =	shalt  }
0x4e: {  	_ =	shalt  }
0x4f: {  	_ =	shalt  }
0x50: {  	_ =	shalt  }
0x51: {  	_ =	shalt  }
0x52: {  	_ =	shalt  }
0x53: {  	_ =	shalt  }
0x54: {  	_ =	shalt  }
0x55: {  	_ =	shalt  }
0x56: {  	_ =	shalt  }
0x57: {  	_ =	shalt  }
0x58: {  	_ =	shalt  }
0x59: {  	_ =	shalt  }
0x5a: {  	_ =	shalt  }
0x5b: {  	_ =	shalt  }
0x5c: {  	_ =	shalt  }
0x5d: {  	_ =	shalt  }
0x5e: {  	_ =	shalt  }
0x5f: {  	_ =	shalt  }
0x60: {  	_ =	shalt  }
0x61: {  	_ =	shalt  }
0x62: {  	_ =	shalt  }
0x63: {  	_ =	shalt  }
0x64: {  	_ =	shalt  }
0x65: {  	_ =	shalt  }
0x66: {  	_ =	shalt  }
0x67: {  	_ =	shalt  }
0x68: {  	_ =	shalt  }
0x69: {  	_ =	shalt  }
0x6a: {  	_ =	shalt  }
0x6b: {  	_ =	shalt  }
0x6c: {  	_ =	shalt  }
0x6d: {  	_ =	shalt  }
0x6e: {  	_ =	shalt  }
0x6f: {  	_ =	shalt  }
0x70: {  	_ =	shalt  }
0x71: {  	_ =	shalt  }
0x72: {  	_ =	shalt  }
0x73: {  	_ =	shalt  }
0x74: {  	_ =	shalt  }
0x75: {  	_ =	shalt  }
0x76: {  	_ =	shalt  }
0x77: {  	_ =	shalt  }
0x78: {  	_ =	shalt  }
0x79: {  	_ =	shalt  }
0x7a: {  	_ =	shalt  }
0x7b: {  	_ =	shalt  }
0x7c: {  	_ =	shalt  }
0x7d: {  	_ =	shalt  }
0x7e: {  	_ =	shalt  }
0x7f: {  	_ =	shalt  }
0x80: {  	_ =	shalt  }
0x81: {  	_ =	shalt  }
0x82: {  	_ =	shalt  }
0x83: {  	_ =	shalt  }
0x84: {  	_ =	shalt  }
0x85: {  	_ =	shalt  }
0x86: {  	_ =	shalt  }
0x87: {  	_ =	shalt  }
.Lfunc_end0:
.L_simem_size_0:
called_computation.2_lowered:
.L_overlay_start_0:
0x88: {  	s2 =	sld [smem:$0x3FD9]  }
0x89: {  	s3 =	sld [smem:$0x3FFE];
	_ =	sdelay $0x1  }
0x8a: {  	s1 =	srdreg.scid  }
0x8b: {  	s0 =	sand.u32 $0x1, s1  }
0x8c: {  	s17 =	sshll.u32 s0, $0xA;
	s2 =	sadd.s32 s3, s2  }
0x8d: {  	s2 =	sadd.s32 s2, s17  }
0x8e: {  	[smem:$0x3FBD] =	sst s2  }
0x8f: {  	_ = 	snop  }
0x90: {  	s2 =	sld [smem:$0x3FD0];
	(tm) =	ssettm $0x1  }
0x91: {  	s18 =	sld [smem:$0x3FFB];
	_ =	sdelay $0x3  }
0x92: {  	_ =	strace s18  }
0x93: {  	s3 =	sld [smem:$0x3FFC];
	_ =	sdelay $0x3  }
0x94: {  	_ =	strace s3  }
0x95: {  	s3 =	sld [smem:$0x3FFD];
	_ =	sdelay $0x3  }
0x96: {  	_ =	strace s3  }
0x97: {  	_ =	strace $0x8FFFFFFF  }
0x98: {  	s19 =	sld [smem:$0x3FDB];
	_ =	sdelay $0x1  }
0x99: {  	s4 =	simm.s32 $_scs_section_size  }
0x9a: {  	s5 =	simm.s32 $_size__tile_overlayer_lowered;
	s6 =	simm.s32 $_tile_overlayer_lowered  }
0x9b: {  	s22 =	simm.s32 $0x1BFF;
	s21 =	sshll.u32 s6, $0x1;
	s3 =	sadd.s32 s4, s19  }
0x9c: {  	s7 =	simm.s32 $0x0;
	s20 =	sshll.u32 s5, $0x1;
	s5 =	sadd.s32 s21, s3  }
0x9d: {  	[timem:s7], [sflag:s22] =	dma.local [hbm:s5], s20  }
0x9e: {  	_ =	swait.ge [sflag:s22], s20  }
0x9f: {  	s4 =	ssub.s32 $0x0, s20;
	[sflag:s22] =	ssyncset.done $0x0  }
0xa0: {  	[sflag:s22] =	ssyncadd.s32 s4;
	_ =	sdelay $0x1  }
0xa1: {  	s23 =	simm.s32 $0x1B8B  }
0xa2: {  	_ =	swait.ge [sflag:s23], $0x1  }
0xa3: {  	[sflag:s23] =	ssyncset.done $0x0  }
0xa4: {  	s25 =	simm.s32 $0x1B8E;
	s24 =	sld [smem:$0x3FFE];
	[sflag:s23] =	ssyncadd.s32 $0xFFFFFFFF  }
0xa5: {  	s26 =	simm.s32 $execute0_lowered;
	[smem:$0x3FD2] =	sst s25  }
0xa6: {  	s5 =	sshll.u32 s26, $0x1;
	_ =	strace $0x8000004C;
	[dreg:$0x1] =	wrdreg $0xFFFFFFFF  }
0xa7: {  	s28 =	simm.s32 $_size_execute0_lowered;
	s3 =	sadd.s32 s3, s5;
	[dreg:$0x0] =	wrdreg $0x0  }
0xa8: {  	s5 =	sshll.u32 s28, $0x1;
	[dreg:$0x2] =	wrdreg s3  }
0xa9: {  	[dreg:$0x3] =	wrdreg s5  }
0xaa: {  	[dreg:$0x4] =	wrdreg $0xC0  }
0xab: {  	_ =	task [dreg:s7], $0x5FFFF  }
0xac: {  	[dreg:$0x1] =	wrdreg $0xFFFFFFFF  }
0xad: {  	[dreg:$0x0] =	wrdreg $0x60  }
0xae: {  	[dreg:$0x2] =	wrdreg s24  }
0xaf: {  	[dreg:$0x3] =	wrdreg s2  }
0xb0: {  	[dreg:$0x4] =	wrdreg $0x90000  }
0xb1: {  	[dreg:$0x5] =	wrdreg $0x9  }
0xb2: {  	_ =	task.clear_ibuf [dreg:s7], $0x6FFFF;
	_ =	strace $0x9000004C  }
0xb3: {  	s29 =	simm.s32 $0x9;
	_ =	strace $0x8000004E  }
0xb4: {  	_ =	swait.ge [sflag:s29], $0x1  }
0xb5: {  	[sflag:s29] =	ssyncadd.s32 $0xFFFFFFFF  }
0xb6: {  	_ =	strace $0x9000004E  }
0xb7: {  	_ =	sfence  }
0xb8: {  	s30 =	sld [smem:$0x0];
	_ =	sdelay $0x2  }
0xb9: {  	s31 =	sshll.u32 s1, $0xD;
	s1 =	sshrl.u32 s1, $0x2  }
0xba: {  	s3 =	sand.u32 $0x4000, s31;
	s1 =	sadd.s32 s1, s30  }
0xbb: {  	s0 =	sor.u32 s3, s0;
	s1 =	sshll.u32 s1, $0x11  }
0xbc: {  	s0 =	sor.u32 s1, s0  }
0xbd: {  	s0 =	sadd.s32 $0x8F2B, s0  }
0xbe: {  	[sflag:s0] =	ssyncadd.remote.s32 $0x1  }
0xbf: {  	_ =	sfence.sel $0xFFFF  }
0xc0: {  	[dreg:$0x0] =	wrdreg $0xFFFFFFFF;
	(pc) =	sbr.abs _section_cstart, $3  }
0xc1: {  	[dreg:$0x1] =	wrdreg $0xFFFFFFFF  }
0xc2: {  	_ =	task.clear_ibuf [dreg:s7], $0x2FFFF;
	_ =	strace $0x9FFFFFFF  }
0xc3: {  	(tm) =	ssettm $0x7FFFFFFF  }
tec
execute0_lowered:
.L_overlay_start_1:
0x0: {  	(tag) =	ssettag $0x1  }
0x1: {  	s0 =	rddreg [dreg:$0x0];
	s1 =	srdreg.scid  }
0x2: {  	s9 =	stileid.u32;
	s3 =	rddreg [dreg:$0x2];
	s4 =	simm.s32 $0x0  }
0x3: {  	s13 =	simm.s32 $0x100;
	s15 =	simm.s32 $0x880;
	s16 =	simm.s32 $0x180  }
0x4: {  	s17 =	simm.s32 $0x900;
	s18 =	simm.s32 $0x200;
	[smem:$0x7FF] =	sst s4  }
0x5: {  	s19 =	simm.s32 $0x980;
	_ =	strace $0x8000004D;
	[dreg:$0x5] =	wrdreg s13  }
0x6: {  	s20 =	simm.s32 $0x280;
	s21 =	simm.s32 $0xA00;
	[dreg:$0x6] =	wrdreg s15  }
0x7: {  	s22 =	simm.s32 $0x300;
	s23 =	simm.s32 $0xA80;
	[dreg:$0x7] =	wrdreg s16  }
0x8: {  	s24 =	simm.s32 $0x380;
	s25 =	simm.s32 $0xB00;
	[dreg:$0x8] =	wrdreg s17  }
0x9: {  	s28 =	simm.s32 $0x680;
	s29 =	simm.s32 $0xE00;
	[dreg:$0x9] =	wrdreg s18  }
0xa: {  	s30 =	simm.s32 $0x700;
	s5 =	smul.u32 $0x14000, s9;
	[dreg:$0xa] =	wrdreg s19  }
0xb: {  	s31 =	simm.s32 $0xE80;
	s7 =	smul.u32 $0x2800, s9;
	[dreg:$0xb] =	wrdreg s20  }
0xc: {  	s1 =	sand.u32 $0x1, s1;
	s26 =	smul.u32 $0x50000, s9;
	[dreg:$0xc] =	wrdreg s21  }
0xd: {  	s14 =	sshll.u32 s9, $0x6;
	s2 =	smul.u32 $0x140000, s1;
	[dreg:$0xd] =	wrdreg s22  }
0xe: {  	s6 =	smul.u32 $0x28000, s1;
	s1 =	ssub.s32 $0x2, s1;
	[dreg:$0xe] =	wrdreg s23  }
0xf: {  	s13 =	simm.s32 $0x80;
	s15 =	simm.s32 $0x5000;
	[dreg:$0xf] =	wrdreg s24  }
0x10: {  	s16 =	simm.s32 $0x1;
	s17 =	simm.s32 $0x2;
	[dreg:$0x10] =	wrdreg s25  }
0x11: {  	s18 =	simm.s32 $0xB80;
	s19 =	simm.s32 $0x480;
	s20 =	simm.s32 $0xC00  }
0x12: {  	s21 =	simm.s32 $0x500;
	s22 =	simm.s32 $0xC80;
	s23 =	simm.s32 $0x580  }
0x13: {  	s24 =	simm.s32 $0xD00;
	s25 =	simm.s32 $0x600;
	s8 =	sshrl.u32 s1, $0x1  }
0x14: {  	s11 =	sshrl.u32 s26, $0x2;
	s26 =	simm.s32 $0x400;
	s2 =	sadd.s32 s5, s2  }
0x15: {  	s5 =	sadd.s32 $0x14000, s0;
	s6 =	sadd.s32 s7, s6;
	s10 =	ssub.s32 s1, s8  }
0x16: {  	s1 =	sadd.s32 s11, s3;
	s8 =	sor.u32 $0x1C03, s14;
	s11 =	simm.s32 $0x3  }
0x17: {  	s14 =	simm.s32 $0x1000;
	[dreg:$0x11] =	wrdreg s26;
	s26 =	simm.s32 $0xD80  }
0x18: {  	s2 =	sshrl.u32 s2, $0x3;
	s6 =	sshrl.u32 s6, $0x3;
	s9 =	sshrl.u32 s1, $0x3  }
0x19: {  	s1 =	simm.s32 $0x780;
	[dreg:$0x12] =	wrdreg s8;
	s2 =	sadd.s32 s2, s0  }
0x1a: {  	s6 =	sadd.s32 s6, s0;
	s0 =	smax.u32 s10, $0x1;
	[dreg:$0x15] =	wrdreg s9  }
0x1b: {  	s10 =	simm.s32 $0x0;
	s12 =	sadd.s32 $0xA000, s6;
	[dreg:$0x14] =	wrdreg s0  }
0x1c: {  	s2 =	sadd.s32 $0x3C000, s2;
	s0 =	simm.s32 $0xF00;
	[dreg:$0x4] =	wrdreg s12  }
0x1d: {  	[dreg:$0x13] =	wrdreg s2;
	s12 =	simm.s32 $0x800;
	s2 =	simm.s32 $0xF80  }
.LBB2_1:
0x1e: {  	[dreg:$0x16] =	wrdreg s10  }
0x1f: {  	s7 =	rddreg [dreg:$0x1]  }
0x20: {  	[spmem:s9], [sflag:s8] =	dma.local [hbm:s7], $0x2800  }
0x21: {  	_ =	swait.ge [sflag:s11], $0x2800  }
0x22: {  	[sflag:s11] =	ssyncset.done $0x0  }
0x23: {  	[sflag:s11] =	ssyncadd.s32 $0xFFFFD800  }
0x24: {  	[bflag:$0x0] =	sbarrier.arrive $0xFFFF  }
0x25: {  	s8 =	rddreg [dreg:$0x4]  }
0x26: {  	s7 =	sadd.s32 $0x0, s8  }
0x27: {  	[tilespmem:s4], [sflag:$0x3] =	stream.linear.gather [hbm4b:s7+s4], $0x800, $0x38;
	[tilespmem:$0x1D000] =	vst v63  }
0x28: {  	_ =	swait.ge [sflag:s11], $0x800  }
0x29: {  	[sflag:s11] =	ssyncset.done $0x0  }
0x2a: {  	s9 =	sadd.s32 $0x0, s6;
	[sflag:s11] =	ssyncadd.s32 $0xFFFFF800  }
0x2b: {  	[tilespmem:s12], [sflag:$0x3] =	stream.linear.gather [hbm4b:s9+s4], $0x800, $0x38;
	[tilespmem:$0x1D000] =	vst v63  }
0x2c: {  	_ =	swait.ge [sflag:s11], $0x800  }
0x2d: {  	[sflag:s11] =	ssyncset.done $0x0  }
0x2e: {  	[sflag:s11] =	ssyncadd.s32 $0xFFFFF800  }
0x2f: {  	[tilespmem:s14], [sflag:$0x1] =	stream.indirect.gather [hbm4b:s5+s13], $0x80, s4, s13, $0xb8;
	[tilespmem:$0x1D000] =	vst v63  }
0x30: {  	_ = 	snop  }
0x31: {  	[tilespmem:s15], [sflag:$0x2] =	stream.indirect.gather [hbm4b:s5+s13], $0x80, s13, s13, $0xb8;
	[tilespmem:$0x1D000] =	vst v63  }
0x32: {  	_ =	swait.ge [sflag:s16], $0x4000  }
0x33: {  	[sflag:s16] =	ssyncset.done $0x0  }
0x34: {  	[sflag:s16] =	ssyncadd.s32 $0xFFFFC000  }
0x35: {  	[spmem:s3] =	stream.indirect.scatter.add.f32 [tilespmem:s14], [sflag:$0x3], $0x80, s12, s13, $0xb8;
	[tilespmem:$0x1D000] =	vst v63  }
0x36: {  	_ =	swait.ge [sflag:s11], $0x4000  }
0x37: {  	[sflag:s11] =	ssyncset.done $0x0  }
0x38: {  	s10 =	rddreg [dreg:$0x5];
	[sflag:s11] =	ssyncadd.s32 $0xFFFFC000  }
0x39: {  	[tilespmem:s14], [sflag:$0x1] =	stream.indirect.gather [hbm4b:s5+s13], $0x80, s10, s13, $0xb8;
	[tilespmem:$0x1D000] =	vst v63  }
0x3a: {  	_ =	swait.ge [sflag:s17], $0x4000  }
0x3b: {  	[sflag:s17] =	ssyncset.done $0x0  }
0x3c: {  	s8 =	rddreg [dreg:$0x6];
	[sflag:s17] =	ssyncadd.s32 $0xFFFFC000  }
0x3d: {  	[spmem:s3] =	stream.indirect.scatter.add.f32 [tilespmem:s15], [sflag:$0x3], $0x80, s8, s13, $0xb8;
	[tilespmem:$0x1D000] =	vst v63  }
0x3e: {  	_ =	swait.ge [sflag:s11], $0x4000  }
0x3f: {  	[sflag:s11] =	ssyncset.done $0x0  }
0x40: {  	s9 =	rddreg [dreg:$0x7];
	[sflag:s11] =	ssyncadd.s32 $0xFFFFC000  }
0x41: {  	[tilespmem:s15], [sflag:$0x2] =	stream.indirect.gather [hbm4b:s5+s13], $0x80, s9, s13, $0xb8;
	[tilespmem:$0x1D000] =	vst v63  }
0x42: {  	_ =	swait.ge [sflag:s16], $0x4000  }
0x43: {  	[sflag:s16] =	ssyncset.done $0x0  }
0x44: {  	s10 =	rddreg [dreg:$0x8];
	[sflag:s16] =	ssyncadd.s32 $0xFFFFC000  }
0x45: {  	[spmem:s3] =	stream.indirect.scatter.add.f32 [tilespmem:s14], [sflag:$0x3], $0x80, s10, s13, $0xb8;
	[tilespmem:$0x1D000] =	vst v63  }
0x46: {  	_ =	swait.ge [sflag:s11], $0x4000  }
0x47: {  	[sflag:s11] =	ssyncset.done $0x0  }
0x48: {  	s8 =	rddreg [dreg:$0x9];
	[sflag:s11] =	ssyncadd.s32 $0xFFFFC000  }
0x49: {  	[tilespmem:s14], [sflag:$0x1] =	stream.indirect.gather [hbm4b:s5+s13], $0x80, s8, s13, $0xb8;
	[tilespmem:$0x1D000] =	vst v63  }
0x4a: {  	_ =	swait.ge [sflag:s17], $0x4000  }
0x4b: {  	[sflag:s17] =	ssyncset.done $0x0  }
0x4c: {  	s9 =	rddreg [dreg:$0xa];
	[sflag:s17] =	ssyncadd.s32 $0xFFFFC000  }
0x4d: {  	[spmem:s3] =	stream.indirect.scatter.add.f32 [tilespmem:s15], [sflag:$0x3], $0x80, s9, s13, $0xb8;
	[tilespmem:$0x1D000] =	vst v63  }
0x4e: {  	_ =	swait.ge [sflag:s11], $0x4000  }
0x4f: {  	[sflag:s11] =	ssyncset.done $0x0  }
0x50: {  	s10 =	rddreg [dreg:$0xb];
	[sflag:s11] =	ssyncadd.s32 $0xFFFFC000  }
0x51: {  	[tilespmem:s15], [sflag:$0x2] =	stream.indirect.gather [hbm4b:s5+s13], $0x80, s10, s13, $0xb8;
	[tilespmem:$0x1D000] =	vst v63  }
0x52: {  	_ =	swait.ge [sflag:s16], $0x4000  }
0x53: {  	[sflag:s16] =	ssyncset.done $0x0  }
0x54: {  	s8 =	rddreg [dreg:$0xc];
	[sflag:s16] =	ssyncadd.s32 $0xFFFFC000  }
0x55: {  	[spmem:s3] =	stream.indirect.scatter.add.f32 [tilespmem:s14], [sflag:$0x3], $0x80, s8, s13, $0xb8;
	[tilespmem:$0x1D000] =	vst v63  }
0x56: {  	_ =	swait.ge [sflag:s11], $0x4000  }
0x57: {  	[sflag:s11] =	ssyncset.done $0x0  }
0x58: {  	s9 =	rddreg [dreg:$0xd];
	[sflag:s11] =	ssyncadd.s32 $0xFFFFC000  }
0x59: {  	[tilespmem:s14], [sflag:$0x1] =	stream.indirect.gather [hbm4b:s5+s13], $0x80, s9, s13, $0xb8;
	[tilespmem:$0x1D000] =	vst v63  }
0x5a: {  	_ =	swait.ge [sflag:s17], $0x4000  }
0x5b: {  	[sflag:s17] =	ssyncset.done $0x0  }
0x5c: {  	s10 =	rddreg [dreg:$0xe];
	[sflag:s17] =	ssyncadd.s32 $0xFFFFC000  }
0x5d: {  	[spmem:s3] =	stream.indirect.scatter.add.f32 [tilespmem:s15], [sflag:$0x3], $0x80, s10, s13, $0xb8;
	[tilespmem:$0x1D000] =	vst v63  }
0x5e: {  	_ =	swait.ge [sflag:s11], $0x4000  }
0x5f: {  	[sflag:s11] =	ssyncset.done $0x0  }
0x60: {  	s8 =	rddreg [dreg:$0xf];
	[sflag:s11] =	ssyncadd.s32 $0xFFFFC000  }
0x61: {  	[tilespmem:s15], [sflag:$0x2] =	stream.indirect.gather [hbm4b:s5+s13], $0x80, s8, s13, $0xb8;
	[tilespmem:$0x1D000] =	vst v63  }
0x62: {  	_ =	swait.ge [sflag:s16], $0x4000  }
0x63: {  	[sflag:s16] =	ssyncset.done $0x0  }
0x64: {  	s9 =	rddreg [dreg:$0x10];
	[sflag:s16] =	ssyncadd.s32 $0xFFFFC000  }
0x65: {  	[spmem:s3] =	stream.indirect.scatter.add.f32 [tilespmem:s14], [sflag:$0x3], $0x80, s9, s13, $0xb8;
	[tilespmem:$0x1D000] =	vst v63  }
0x66: {  	_ =	swait.ge [sflag:s11], $0x4000  }
0x67: {  	[sflag:s11] =	ssyncset.done $0x0  }
0x68: {  	s10 =	rddreg [dreg:$0x11];
	[sflag:s11] =	ssyncadd.s32 $0xFFFFC000  }
0x69: {  	[tilespmem:s14], [sflag:$0x1] =	stream.indirect.gather [hbm4b:s5+s13], $0x80, s10, s13, $0xb8;
	[tilespmem:$0x1D000] =	vst v63  }
0x6a: {  	_ =	swait.ge [sflag:s17], $0x4000  }
0x6b: {  	[sflag:s17] =	ssyncset.done $0x0  }
0x6c: {  	[sflag:s17] =	ssyncadd.s32 $0xFFFFC000  }
0x6d: {  	[spmem:s3] =	stream.indirect.scatter.add.f32 [tilespmem:s15], [sflag:$0x3], $0x80, s18, s13, $0xb8;
	[tilespmem:$0x1D000] =	vst v63  }
0x6e: {  	_ =	swait.ge [sflag:s11], $0x4000  }
0x6f: {  	[sflag:s11] =	ssyncset.done $0x0  }
0x70: {  	[sflag:s11] =	ssyncadd.s32 $0xFFFFC000  }
0x71: {  	[tilespmem:s15], [sflag:$0x2] =	stream.indirect.gather [hbm4b:s5+s13], $0x80, s19, s13, $0xb8;
	[tilespmem:$0x1D000] =	vst v63  }
0x72: {  	_ =	swait.ge [sflag:s16], $0x4000  }
0x73: {  	[sflag:s16] =	ssyncset.done $0x0  }
0x74: {  	[sflag:s16] =	ssyncadd.s32 $0xFFFFC000  }
0x75: {  	[spmem:s3] =	stream.indirect.scatter.add.f32 [tilespmem:s14], [sflag:$0x3], $0x80, s20, s13, $0xb8;
	[tilespmem:$0x1D000] =	vst v63  }
0x76: {  	_ =	swait.ge [sflag:s11], $0x4000  }
0x77: {  	[sflag:s11] =	ssyncset.done $0x0  }
0x78: {  	[sflag:s11] =	ssyncadd.s32 $0xFFFFC000  }
0x79: {  	[tilespmem:s14], [sflag:$0x1] =	stream.indirect.gather [hbm4b:s5+s13], $0x80, s21, s13, $0xb8;
	[tilespmem:$0x1D000] =	vst v63  }
0x7a: {  	_ =	swait.ge [sflag:s17], $0x4000  }
0x7b: {  	[sflag:s17] =	ssyncset.done $0x0  }
0x7c: {  	[sflag:s17] =	ssyncadd.s32 $0xFFFFC000  }
0x7d: {  	[spmem:s3] =	stream.indirect.scatter.add.f32 [tilespmem:s15], [sflag:$0x3], $0x80, s22, s13, $0xb8;
	[tilespmem:$0x1D000] =	vst v63  }
0x7e: {  	_ =	swait.ge [sflag:s11], $0x4000  }
0x7f: {  	[sflag:s11] =	ssyncset.done $0x0  }
0x80: {  	[sflag:s11] =	ssyncadd.s32 $0xFFFFC000  }
0x81: {  	[tilespmem:s15], [sflag:$0x2] =	stream.indirect.gather [hbm4b:s5+s13], $0x80, s23, s13, $0xb8;
	[tilespmem:$0x1D000] =	vst v63  }
0x82: {  	_ =	swait.ge [sflag:s16], $0x4000  }
0x83: {  	[sflag:s16] =	ssyncset.done $0x0  }
0x84: {  	[sflag:s16] =	ssyncadd.s32 $0xFFFFC000  }
0x85: {  	[spmem:s3] =	stream.indirect.scatter.add.f32 [tilespmem:s14], [sflag:$0x3], $0x80, s24, s13, $0xb8;
	[tilespmem:$0x1D000] =	vst v63  }
0x86: {  	_ =	swait.ge [sflag:s11], $0x4000  }
0x87: {  	[sflag:s11] =	ssyncset.done $0x0  }
0x88: {  	[sflag:s11] =	ssyncadd.s32 $0xFFFFC000  }
0x89: {  	[tilespmem:s14], [sflag:$0x1] =	stream.indirect.gather [hbm4b:s5+s13], $0x80, s25, s13, $0xb8;
	[tilespmem:$0x1D000] =	vst v63  }
0x8a: {  	_ =	swait.ge [sflag:s17], $0x4000  }
0x8b: {  	[sflag:s17] =	ssyncset.done $0x0  }
0x8c: {  	[sflag:s17] =	ssyncadd.s32 $0xFFFFC000  }
0x8d: {  	[spmem:s3] =	stream.indirect.scatter.add.f32 [tilespmem:s15], [sflag:$0x3], $0x80, s26, s13, $0xb8;
	[tilespmem:$0x1D000] =	vst v63  }
0x8e: {  	_ =	swait.ge [sflag:s11], $0x4000  }
0x8f: {  	[sflag:s11] =	ssyncset.done $0x0  }
0x90: {  	[sflag:s11] =	ssyncadd.s32 $0xFFFFC000  }
0x91: {  	[tilespmem:s15], [sflag:$0x2] =	stream.indirect.gather [hbm4b:s5+s13], $0x80, s28, s13, $0xb8;
	[tilespmem:$0x1D000] =	vst v63  }
0x92: {  	_ =	swait.ge [sflag:s16], $0x4000  }
0x93: {  	[sflag:s16] =	ssyncset.done $0x0  }
0x94: {  	[sflag:s16] =	ssyncadd.s32 $0xFFFFC000  }
0x95: {  	[spmem:s3] =	stream.indirect.scatter.add.f32 [tilespmem:s14], [sflag:$0x3], $0x80, s29, s13, $0xb8;
	[tilespmem:$0x1D000] =	vst v63  }
0x96: {  	_ =	swait.ge [sflag:s11], $0x4000  }
0x97: {  	[sflag:s11] =	ssyncset.done $0x0  }
0x98: {  	[sflag:s11] =	ssyncadd.s32 $0xFFFFC000  }
0x99: {  	[tilespmem:s14], [sflag:$0x1] =	stream.indirect.gather [hbm4b:s5+s13], $0x80, s30, s13, $0xb8;
	[tilespmem:$0x1D000] =	vst v63  }
0x9a: {  	_ =	swait.ge [sflag:s17], $0x4000  }
0x9b: {  	[sflag:s17] =	ssyncset.done $0x0  }
0x9c: {  	[sflag:s17] =	ssyncadd.s32 $0xFFFFC000  }
0x9d: {  	[spmem:s3] =	stream.indirect.scatter.add.f32 [tilespmem:s15], [sflag:$0x3], $0x80, s31, s13, $0xb8;
	[tilespmem:$0x1D000] =	vst v63  }
0x9e: {  	_ =	swait.ge [sflag:s11], $0x4000  }
0x9f: {  	[sflag:s11] =	ssyncset.done $0x0  }
0xa0: {  	[sflag:s11] =	ssyncadd.s32 $0xFFFFC000  }
0xa1: {  	[tilespmem:s15], [sflag:$0x2] =	stream.indirect.gather [hbm4b:s5+s13], $0x80, s1, s13, $0xb8;
	[tilespmem:$0x1D000] =	vst v63  }
0xa2: {  	_ =	swait.ge [sflag:s16], $0x4000  }
0xa3: {  	[sflag:s16] =	ssyncset.done $0x0  }
0xa4: {  	[sflag:s16] =	ssyncadd.s32 $0xFFFFC000  }
0xa5: {  	[spmem:s3] =	stream.indirect.scatter.add.f32 [tilespmem:s14], [sflag:$0x3], $0x80, s0, s13, $0xb8;
	[tilespmem:$0x1D000] =	vst v63  }
0xa6: {  	_ =	swait.ge [sflag:s11], $0x4000  }
0xa7: {  	[sflag:s11] =	ssyncset.done $0x0  }
0xa8: {  	[sflag:s11] =	ssyncadd.s32 $0xFFFFC000  }
0xa9: {  	_ =	swait.ge [sflag:s17], $0x4000  }
0xaa: {  	[sflag:s17] =	ssyncset.done $0x0  }
0xab: {  	[sflag:s17] =	ssyncadd.s32 $0xFFFFC000  }
0xac: {  	[spmem:s3] =	stream.indirect.scatter.add.f32 [tilespmem:s15], [sflag:$0x3], $0x80, s2, s13, $0xb8;
	[tilespmem:$0x1D000] =	vst v63  }
0xad: {  	s7 =	simm.s32 $0x200;
	_ =	swait.ge [sflag:s11], $0x4000  }
0xae: {  	s9 =	simm.s32 $0x100;
	s10 =	rddreg [dreg:$0x4];
	[sflag:s11] =	ssyncset.done $0x0  }
.LBB2_2:
0xaf: {  	[sflag:s11] =	ssyncadd.s32 $0xFFFFC000;
	s10 =	sadd.s32 s9, s10  }
0xb0: {  	[tilespmem:s4], [sflag:$0x3] =	stream.linear.gather [hbm4b:s10+s4], $0x800, $0x38;
	[tilespmem:$0x1D000] =	vst v63  }
0xb1: {  	_ =	swait.ge [sflag:s11], $0x800  }
0xb2: {  	[sflag:s11] =	ssyncset.done $0x0  }
0xb3: {  	s10 =	sadd.s32 s9, s6;
	[sflag:s11] =	ssyncadd.s32 $0xFFFFF800  }
0xb4: {  	[tilespmem:s12], [sflag:$0x3] =	stream.linear.gather [hbm4b:s10+s4], $0x800, $0x38;
	[tilespmem:$0x1D000] =	vst v63  }
0xb5: {  	_ =	swait.ge [sflag:s11], $0x800  }
0xb6: {  	[sflag:s11] =	ssyncset.done $0x0  }
0xb7: {  	[sflag:s11] =	ssyncadd.s32 $0xFFFFF800  }
0xb8: {  	[tilespmem:s14], [sflag:$0x1] =	stream.indirect.gather [hbm4b:s5+s13], $0x80, s4, s13, $0xb8;
	[tilespmem:$0x1D000] =	vst v63  }
0xb9: {  	_ = 	snop  }
0xba: {  	[tilespmem:s15], [sflag:$0x2] =	stream.indirect.gather [hbm4b:s5+s13], $0x80, s13, s13, $0xb8;
	[tilespmem:$0x1D000] =	vst v63  }
0xbb: {  	_ =	swait.ge [sflag:s16], $0x4000  }
0xbc: {  	[sflag:s16] =	ssyncset.done $0x0  }
0xbd: {  	[sflag:s16] =	ssyncadd.s32 $0xFFFFC000  }
0xbe: {  	[spmem:s3] =	stream.indirect.scatter.add.f32 [tilespmem:s14], [sflag:$0x3], $0x80, s12, s13, $0xb8;
	[tilespmem:$0x1D000] =	vst v63  }
0xbf: {  	_ =	swait.ge [sflag:s11], $0x4000  }
0xc0: {  	[sflag:s11] =	ssyncset.done $0x0  }
0xc1: {  	s10 =	rddreg [dreg:$0x5];
	[sflag:s11] =	ssyncadd.s32 $0xFFFFC000  }
0xc2: {  	[tilespmem:s14], [sflag:$0x1] =	stream.indirect.gather [hbm4b:s5+s13], $0x80, s10, s13, $0xb8;
	[tilespmem:$0x1D000] =	vst v63  }
0xc3: {  	_ =	swait.ge [sflag:s17], $0x4000  }
0xc4: {  	[sflag:s17] =	ssyncset.done $0x0  }
0xc5: {  	s10 =	rddreg [dreg:$0x6];
	[sflag:s17] =	ssyncadd.s32 $0xFFFFC000  }
0xc6: {  	[spmem:s3] =	stream.indirect.scatter.add.f32 [tilespmem:s15], [sflag:$0x3], $0x80, s10, s13, $0xb8;
	[tilespmem:$0x1D000] =	vst v63  }
0xc7: {  	_ =	swait.ge [sflag:s11], $0x4000  }
0xc8: {  	[sflag:s11] =	ssyncset.done $0x0  }
0xc9: {  	s10 =	rddreg [dreg:$0x7];
	[sflag:s11] =	ssyncadd.s32 $0xFFFFC000  }
0xca: {  	[tilespmem:s15], [sflag:$0x2] =	stream.indirect.gather [hbm4b:s5+s13], $0x80, s10, s13, $0xb8;
	[tilespmem:$0x1D000] =	vst v63  }
0xcb: {  	_ =	swait.ge [sflag:s16], $0x4000  }
0xcc: {  	[sflag:s16] =	ssyncset.done $0x0  }
0xcd: {  	s10 =	rddreg [dreg:$0x8];
	[sflag:s16] =	ssyncadd.s32 $0xFFFFC000  }
0xce: {  	[spmem:s3] =	stream.indirect.scatter.add.f32 [tilespmem:s14], [sflag:$0x3], $0x80, s10, s13, $0xb8;
	[tilespmem:$0x1D000] =	vst v63  }
0xcf: {  	_ =	swait.ge [sflag:s11], $0x4000  }
0xd0: {  	[sflag:s11] =	ssyncset.done $0x0  }
0xd1: {  	s10 =	rddreg [dreg:$0x9];
	[sflag:s11] =	ssyncadd.s32 $0xFFFFC000  }
0xd2: {  	[tilespmem:s14], [sflag:$0x1] =	stream.indirect.gather [hbm4b:s5+s13], $0x80, s10, s13, $0xb8;
	[tilespmem:$0x1D000] =	vst v63  }
0xd3: {  	_ =	swait.ge [sflag:s17], $0x4000  }
0xd4: {  	[sflag:s17] =	ssyncset.done $0x0  }
0xd5: {  	s10 =	rddreg [dreg:$0xa];
	[sflag:s17] =	ssyncadd.s32 $0xFFFFC000  }
0xd6: {  	[spmem:s3] =	stream.indirect.scatter.add.f32 [tilespmem:s15], [sflag:$0x3], $0x80, s10, s13, $0xb8;
	[tilespmem:$0x1D000] =	vst v63  }
0xd7: {  	_ =	swait.ge [sflag:s11], $0x4000  }
0xd8: {  	[sflag:s11] =	ssyncset.done $0x0  }
0xd9: {  	s10 =	rddreg [dreg:$0xb];
	[sflag:s11] =	ssyncadd.s32 $0xFFFFC000  }
0xda: {  	[tilespmem:s15], [sflag:$0x2] =	stream.indirect.gather [hbm4b:s5+s13], $0x80, s10, s13, $0xb8;
	[tilespmem:$0x1D000] =	vst v63  }
0xdb: {  	_ =	swait.ge [sflag:s16], $0x4000  }
0xdc: {  	[sflag:s16] =	ssyncset.done $0x0  }
0xdd: {  	s10 =	rddreg [dreg:$0xc];
	[sflag:s16] =	ssyncadd.s32 $0xFFFFC000  }
0xde: {  	[spmem:s3] =	stream.indirect.scatter.add.f32 [tilespmem:s14], [sflag:$0x3], $0x80, s10, s13, $0xb8;
	[tilespmem:$0x1D000] =	vst v63  }
0xdf: {  	_ =	swait.ge [sflag:s11], $0x4000  }
0xe0: {  	[sflag:s11] =	ssyncset.done $0x0  }
0xe1: {  	s10 =	rddreg [dreg:$0xd];
	[sflag:s11] =	ssyncadd.s32 $0xFFFFC000  }
0xe2: {  	[tilespmem:s14], [sflag:$0x1] =	stream.indirect.gather [hbm4b:s5+s13], $0x80, s10, s13, $0xb8;
	[tilespmem:$0x1D000] =	vst v63  }
0xe3: {  	_ =	swait.ge [sflag:s17], $0x4000  }
0xe4: {  	[sflag:s17] =	ssyncset.done $0x0  }
0xe5: {  	s10 =	rddreg [dreg:$0xe];
	[sflag:s17] =	ssyncadd.s32 $0xFFFFC000  }
0xe6: {  	[spmem:s3] =	stream.indirect.scatter.add.f32 [tilespmem:s15], [sflag:$0x3], $0x80, s10, s13, $0xb8;
	[tilespmem:$0x1D000] =	vst v63  }
0xe7: {  	_ =	swait.ge [sflag:s11], $0x4000  }
0xe8: {  	[sflag:s11] =	ssyncset.done $0x0  }
0xe9: {  	s10 =	rddreg [dreg:$0xf];
	[sflag:s11] =	ssyncadd.s32 $0xFFFFC000  }
0xea: {  	[tilespmem:s15], [sflag:$0x2] =	stream.indirect.gather [hbm4b:s5+s13], $0x80, s10, s13, $0xb8;
	[tilespmem:$0x1D000] =	vst v63  }
0xeb: {  	_ =	swait.ge [sflag:s16], $0x4000  }
0xec: {  	[sflag:s16] =	ssyncset.done $0x0  }
0xed: {  	s10 =	rddreg [dreg:$0x10];
	[sflag:s16] =	ssyncadd.s32 $0xFFFFC000  }
0xee: {  	[spmem:s3] =	stream.indirect.scatter.add.f32 [tilespmem:s14], [sflag:$0x3], $0x80, s10, s13, $0xb8;
	[tilespmem:$0x1D000] =	vst v63  }
0xef: {  	_ =	swait.ge [sflag:s11], $0x4000  }
0xf0: {  	[sflag:s11] =	ssyncset.done $0x0  }
0xf1: {  	s10 =	rddreg [dreg:$0x11];
	[sflag:s11] =	ssyncadd.s32 $0xFFFFC000  }
0xf2: {  	[tilespmem:s14], [sflag:$0x1] =	stream.indirect.gather [hbm4b:s5+s13], $0x80, s10, s13, $0xb8;
	[tilespmem:$0x1D000] =	vst v63  }
0xf3: {  	_ =	swait.ge [sflag:s17], $0x4000  }
0xf4: {  	[sflag:s17] =	ssyncset.done $0x0  }
0xf5: {  	[sflag:s17] =	ssyncadd.s32 $0xFFFFC000  }
0xf6: {  	[spmem:s3] =	stream.indirect.scatter.add.f32 [tilespmem:s15], [sflag:$0x3], $0x80, s18, s13, $0xb8;
	[tilespmem:$0x1D000] =	vst v63  }
0xf7: {  	_ =	swait.ge [sflag:s11], $0x4000  }
0xf8: {  	[sflag:s11] =	ssyncset.done $0x0  }
0xf9: {  	[sflag:s11] =	ssyncadd.s32 $0xFFFFC000  }
0xfa: {  	[tilespmem:s15], [sflag:$0x2] =	stream.indirect.gather [hbm4b:s5+s13], $0x80, s19, s13, $0xb8;
	[tilespmem:$0x1D000] =	vst v63  }
0xfb: {  	_ =	swait.ge [sflag:s16], $0x4000  }
0xfc: {  	[sflag:s16] =	ssyncset.done $0x0  }
0xfd: {  	[sflag:s16] =	ssyncadd.s32 $0xFFFFC000  }
0xfe: {  	[spmem:s3] =	stream.indirect.scatter.add.f32 [tilespmem:s14], [sflag:$0x3], $0x80, s20, s13, $0xb8;
	[tilespmem:$0x1D000] =	vst v63  }
0xff: {  	_ =	swait.ge [sflag:s11], $0x4000  }
0x100: {  	[sflag:s11] =	ssyncset.done $0x0  }
0x101: {  	[sflag:s11] =	ssyncadd.s32 $0xFFFFC000  }
0x102: {  	[tilespmem:s14], [sflag:$0x1] =	stream.indirect.gather [hbm4b:s5+s13], $0x80, s21, s13, $0xb8;
	[tilespmem:$0x1D000] =	vst v63  }
0x103: {  	_ =	swait.ge [sflag:s17], $0x4000  }
0x104: {  	[sflag:s17] =	ssyncset.done $0x0  }
0x105: {  	[sflag:s17] =	ssyncadd.s32 $0xFFFFC000  }
0x106: {  	[spmem:s3] =	stream.indirect.scatter.add.f32 [tilespmem:s15], [sflag:$0x3], $0x80, s22, s13, $0xb8;
	[tilespmem:$0x1D000] =	vst v63  }
0x107: {  	_ =	swait.ge [sflag:s11], $0x4000  }
0x108: {  	[sflag:s11] =	ssyncset.done $0x0  }
0x109: {  	[sflag:s11] =	ssyncadd.s32 $0xFFFFC000  }
0x10a: {  	[tilespmem:s15], [sflag:$0x2] =	stream.indirect.gather [hbm4b:s5+s13], $0x80, s23, s13, $0xb8;
	[tilespmem:$0x1D000] =	vst v63  }
0x10b: {  	_ =	swait.ge [sflag:s16], $0x4000  }
0x10c: {  	[sflag:s16] =	ssyncset.done $0x0  }
0x10d: {  	[sflag:s16] =	ssyncadd.s32 $0xFFFFC000  }
0x10e: {  	[spmem:s3] =	stream.indirect.scatter.add.f32 [tilespmem:s14], [sflag:$0x3], $0x80, s24, s13, $0xb8;
	[tilespmem:$0x1D000] =	vst v63  }
0x10f: {  	_ =	swait.ge [sflag:s11], $0x4000  }
0x110: {  	[sflag:s11] =	ssyncset.done $0x0  }
0x111: {  	[sflag:s11] =	ssyncadd.s32 $0xFFFFC000  }
0x112: {  	[tilespmem:s14], [sflag:$0x1] =	stream.indirect.gather [hbm4b:s5+s13], $0x80, s25, s13, $0xb8;
	[tilespmem:$0x1D000] =	vst v63  }
0x113: {  	_ =	swait.ge [sflag:s17], $0x4000  }
0x114: {  	[sflag:s17] =	ssyncset.done $0x0  }
0x115: {  	[sflag:s17] =	ssyncadd.s32 $0xFFFFC000  }
0x116: {  	[spmem:s3] =	stream.indirect.scatter.add.f32 [tilespmem:s15], [sflag:$0x3], $0x80, s26, s13, $0xb8;
	[tilespmem:$0x1D000] =	vst v63  }
0x117: {  	_ =	swait.ge [sflag:s11], $0x4000  }
0x118: {  	[sflag:s11] =	ssyncset.done $0x0  }
0x119: {  	[sflag:s11] =	ssyncadd.s32 $0xFFFFC000  }
0x11a: {  	[tilespmem:s15], [sflag:$0x2] =	stream.indirect.gather [hbm4b:s5+s13], $0x80, s28, s13, $0xb8;
	[tilespmem:$0x1D000] =	vst v63  }
0x11b: {  	_ =	swait.ge [sflag:s16], $0x4000  }
0x11c: {  	[sflag:s16] =	ssyncset.done $0x0  }
0x11d: {  	[sflag:s16] =	ssyncadd.s32 $0xFFFFC000  }
0x11e: {  	[spmem:s3] =	stream.indirect.scatter.add.f32 [tilespmem:s14], [sflag:$0x3], $0x80, s29, s13, $0xb8;
	[tilespmem:$0x1D000] =	vst v63  }
0x11f: {  	_ =	swait.ge [sflag:s11], $0x4000  }
0x120: {  	[sflag:s11] =	ssyncset.done $0x0  }
0x121: {  	[sflag:s11] =	ssyncadd.s32 $0xFFFFC000  }
0x122: {  	[tilespmem:s14], [sflag:$0x1] =	stream.indirect.gather [hbm4b:s5+s13], $0x80, s30, s13, $0xb8;
	[tilespmem:$0x1D000] =	vst v63  }
0x123: {  	_ =	swait.ge [sflag:s17], $0x4000  }
0x124: {  	[sflag:s17] =	ssyncset.done $0x0  }
0x125: {  	[sflag:s17] =	ssyncadd.s32 $0xFFFFC000  }
0x126: {  	[spmem:s3] =	stream.indirect.scatter.add.f32 [tilespmem:s15], [sflag:$0x3], $0x80, s31, s13, $0xb8;
	[tilespmem:$0x1D000] =	vst v63  }
0x127: {  	_ =	swait.ge [sflag:s11], $0x4000  }
0x128: {  	[sflag:s11] =	ssyncset.done $0x0  }
0x129: {  	[sflag:s11] =	ssyncadd.s32 $0xFFFFC000  }
0x12a: {  	[tilespmem:s15], [sflag:$0x2] =	stream.indirect.gather [hbm4b:s5+s13], $0x80, s1, s13, $0xb8;
	[tilespmem:$0x1D000] =	vst v63  }
0x12b: {  	_ =	swait.ge [sflag:s16], $0x4000  }
0x12c: {  	[sflag:s16] =	ssyncset.done $0x0  }
0x12d: {  	[sflag:s16] =	ssyncadd.s32 $0xFFFFC000  }
0x12e: {  	[spmem:s3] =	stream.indirect.scatter.add.f32 [tilespmem:s14], [sflag:$0x3], $0x80, s0, s13, $0xb8;
	[tilespmem:$0x1D000] =	vst v63  }
0x12f: {  	_ =	swait.ge [sflag:s11], $0x4000  }
0x130: {  	[sflag:s11] =	ssyncset.done $0x0  }
0x131: {  	[sflag:s11] =	ssyncadd.s32 $0xFFFFC000  }
0x132: {  	p0 =	sne.s32 s7, $0x400;
	_ =	swait.ge [sflag:s17], $0x4000  }
.Ltmp0:
0x133: {  	[sflag:s17] =	ssyncset.done $0x0;
	(pc) =	sbr.rel @p0 .LBB2_2-.Ltmp0, $4  }
0x134: {  	[sflag:s17] =	ssyncadd.s32 $0xFFFFC000  }
0x135: {  	[spmem:s3] =	stream.indirect.scatter.add.f32 [tilespmem:s15], [sflag:$0x3], $0x80, s2, s13, $0xb8;
	[tilespmem:$0x1D000] =	vst v63  }
0x136: {  	s8 =	smov.u32 s7;
	s7 =	sadd.s32 $0x100, s7;
	_ =	swait.ge [sflag:s11], $0x4000  }
0x137: {  	s9 =	smov.u32 s8;
	s10 =	rddreg [dreg:$0x4];
	[sflag:s11] =	ssyncset.done $0x0  }
0x138: {  	[sflag:s11] =	ssyncadd.s32 $0xFFFFC000;
	s7 =	sadd.s32 s9, s10  }
0x139: {  	[tilespmem:s4], [sflag:$0x3] =	stream.linear.gather [hbm4b:s7+s4], $0x800, $0x38;
	[tilespmem:$0x1D000] =	vst v63  }
0x13a: {  	_ =	swait.ge [sflag:s11], $0x800  }
0x13b: {  	[sflag:s11] =	ssyncset.done $0x0  }
0x13c: {  	s8 =	sadd.s32 s9, s6;
	[sflag:s11] =	ssyncadd.s32 $0xFFFFF800  }
0x13d: {  	[tilespmem:s12], [sflag:$0x3] =	stream.linear.gather [hbm4b:s8+s4], $0x800, $0x38;
	[tilespmem:$0x1D000] =	vst v63  }
0x13e: {  	_ =	swait.ge [sflag:s11], $0x800  }
0x13f: {  	[sflag:s11] =	ssyncset.done $0x0  }
0x140: {  	[sflag:s11] =	ssyncadd.s32 $0xFFFFF800  }
0x141: {  	[tilespmem:s14], [sflag:$0x1] =	stream.indirect.gather [hbm4b:s5+s13], $0x80, s4, s13, $0xb8;
	[tilespmem:$0x1D000] =	vst v63  }
0x142: {  	_ = 	snop  }
0x143: {  	[tilespmem:s15], [sflag:$0x2] =	stream.indirect.gather [hbm4b:s5+s13], $0x80, s13, s13, $0xb8;
	[tilespmem:$0x1D000] =	vst v63  }
0x144: {  	_ =	swait.ge [sflag:s16], $0x4000  }
0x145: {  	[sflag:s16] =	ssyncset.done $0x0  }
0x146: {  	[sflag:s16] =	ssyncadd.s32 $0xFFFFC000  }
0x147: {  	[spmem:s3] =	stream.indirect.scatter.add.f32 [tilespmem:s14], [sflag:$0x3], $0x80, s12, s13, $0xb8;
	[tilespmem:$0x1D000] =	vst v63  }
0x148: {  	_ =	swait.ge [sflag:s11], $0x4000  }
0x149: {  	[sflag:s11] =	ssyncset.done $0x0  }
0x14a: {  	s9 =	rddreg [dreg:$0x5];
	[sflag:s11] =	ssyncadd.s32 $0xFFFFC000  }
0x14b: {  	[tilespmem:s14], [sflag:$0x1] =	stream.indirect.gather [hbm4b:s5+s13], $0x80, s9, s13, $0xb8;
	[tilespmem:$0x1D000] =	vst v63  }
0x14c: {  	_ =	swait.ge [sflag:s17], $0x4000  }
0x14d: {  	[sflag:s17] =	ssyncset.done $0x0  }
0x14e: {  	s10 =	rddreg [dreg:$0x6];
	[sflag:s17] =	ssyncadd.s32 $0xFFFFC000  }
0x14f: {  	[spmem:s3] =	stream.indirect.scatter.add.f32 [tilespmem:s15], [sflag:$0x3], $0x80, s10, s13, $0xb8;
	[tilespmem:$0x1D000] =	vst v63  }
0x150: {  	_ =	swait.ge [sflag:s11], $0x4000  }
0x151: {  	[sflag:s11] =	ssyncset.done $0x0  }
0x152: {  	s8 =	rddreg [dreg:$0x7];
	[sflag:s11] =	ssyncadd.s32 $0xFFFFC000  }
0x153: {  	[tilespmem:s15], [sflag:$0x2] =	stream.indirect.gather [hbm4b:s5+s13], $0x80, s8, s13, $0xb8;
	[tilespmem:$0x1D000] =	vst v63  }
0x154: {  	_ =	swait.ge [sflag:s16], $0x4000  }
0x155: {  	[sflag:s16] =	ssyncset.done $0x0  }
0x156: {  	s9 =	rddreg [dreg:$0x8];
	[sflag:s16] =	ssyncadd.s32 $0xFFFFC000  }
0x157: {  	[spmem:s3] =	stream.indirect.scatter.add.f32 [tilespmem:s14], [sflag:$0x3], $0x80, s9, s13, $0xb8;
	[tilespmem:$0x1D000] =	vst v63  }
0x158: {  	_ =	swait.ge [sflag:s11], $0x4000  }
0x159: {  	[sflag:s11] =	ssyncset.done $0x0  }
0x15a: {  	s10 =	rddreg [dreg:$0x9];
	[sflag:s11] =	ssyncadd.s32 $0xFFFFC000  }
0x15b: {  	[tilespmem:s14], [sflag:$0x1] =	stream.indirect.gather [hbm4b:s5+s13], $0x80, s10, s13, $0xb8;
	[tilespmem:$0x1D000] =	vst v63  }
0x15c: {  	_ =	swait.ge [sflag:s17], $0x4000  }
0x15d: {  	[sflag:s17] =	ssyncset.done $0x0  }
0x15e: {  	s8 =	rddreg [dreg:$0xa];
	[sflag:s17] =	ssyncadd.s32 $0xFFFFC000  }
0x15f: {  	[spmem:s3] =	stream.indirect.scatter.add.f32 [tilespmem:s15], [sflag:$0x3], $0x80, s8, s13, $0xb8;
	[tilespmem:$0x1D000] =	vst v63  }
0x160: {  	_ =	swait.ge [sflag:s11], $0x4000  }
0x161: {  	[sflag:s11] =	ssyncset.done $0x0  }
0x162: {  	s9 =	rddreg [dreg:$0xb];
	[sflag:s11] =	ssyncadd.s32 $0xFFFFC000  }
0x163: {  	[tilespmem:s15], [sflag:$0x2] =	stream.indirect.gather [hbm4b:s5+s13], $0x80, s9, s13, $0xb8;
	[tilespmem:$0x1D000] =	vst v63  }
0x164: {  	_ =	swait.ge [sflag:s16], $0x4000  }
0x165: {  	[sflag:s16] =	ssyncset.done $0x0  }
0x166: {  	s10 =	rddreg [dreg:$0xc];
	[sflag:s16] =	ssyncadd.s32 $0xFFFFC000  }
0x167: {  	[spmem:s3] =	stream.indirect.scatter.add.f32 [tilespmem:s14], [sflag:$0x3], $0x80, s10, s13, $0xb8;
	[tilespmem:$0x1D000] =	vst v63  }
0x168: {  	_ =	swait.ge [sflag:s11], $0x4000  }
0x169: {  	[sflag:s11] =	ssyncset.done $0x0  }
0x16a: {  	s8 =	rddreg [dreg:$0xd];
	[sflag:s11] =	ssyncadd.s32 $0xFFFFC000  }
0x16b: {  	[tilespmem:s14], [sflag:$0x1] =	stream.indirect.gather [hbm4b:s5+s13], $0x80, s8, s13, $0xb8;
	[tilespmem:$0x1D000] =	vst v63  }
0x16c: {  	_ =	swait.ge [sflag:s17], $0x4000  }
0x16d: {  	[sflag:s17] =	ssyncset.done $0x0  }
0x16e: {  	s9 =	rddreg [dreg:$0xe];
	[sflag:s17] =	ssyncadd.s32 $0xFFFFC000  }
0x16f: {  	[spmem:s3] =	stream.indirect.scatter.add.f32 [tilespmem:s15], [sflag:$0x3], $0x80, s9, s13, $0xb8;
	[tilespmem:$0x1D000] =	vst v63  }
0x170: {  	_ =	swait.ge [sflag:s11], $0x4000  }
0x171: {  	[sflag:s11] =	ssyncset.done $0x0  }
0x172: {  	s10 =	rddreg [dreg:$0xf];
	[sflag:s11] =	ssyncadd.s32 $0xFFFFC000  }
0x173: {  	[tilespmem:s15], [sflag:$0x2] =	stream.indirect.gather [hbm4b:s5+s13], $0x80, s10, s13, $0xb8;
	[tilespmem:$0x1D000] =	vst v63  }
0x174: {  	_ =	swait.ge [sflag:s16], $0x4000  }
0x175: {  	[sflag:s16] =	ssyncset.done $0x0  }
0x176: {  	s8 =	rddreg [dreg:$0x10];
	[sflag:s16] =	ssyncadd.s32 $0xFFFFC000  }
0x177: {  	[spmem:s3] =	stream.indirect.scatter.add.f32 [tilespmem:s14], [sflag:$0x3], $0x80, s8, s13, $0xb8;
	[tilespmem:$0x1D000] =	vst v63  }
0x178: {  	_ =	swait.ge [sflag:s11], $0x4000  }
0x179: {  	[sflag:s11] =	ssyncset.done $0x0  }
0x17a: {  	s9 =	rddreg [dreg:$0x11];
	[sflag:s11] =	ssyncadd.s32 $0xFFFFC000  }
0x17b: {  	[tilespmem:s14], [sflag:$0x1] =	stream.indirect.gather [hbm4b:s5+s13], $0x80, s9, s13, $0xb8;
	[tilespmem:$0x1D000] =	vst v63  }
0x17c: {  	_ =	swait.ge [sflag:s17], $0x4000  }
0x17d: {  	[sflag:s17] =	ssyncset.done $0x0  }
0x17e: {  	[sflag:s17] =	ssyncadd.s32 $0xFFFFC000  }
0x17f: {  	[spmem:s3] =	stream.indirect.scatter.add.f32 [tilespmem:s15], [sflag:$0x3], $0x80, s18, s13, $0xb8;
	[tilespmem:$0x1D000] =	vst v63  }
0x180: {  	_ =	swait.ge [sflag:s11], $0x4000  }
0x181: {  	[sflag:s11] =	ssyncset.done $0x0  }
0x182: {  	[sflag:s11] =	ssyncadd.s32 $0xFFFFC000  }
0x183: {  	[tilespmem:s15], [sflag:$0x2] =	stream.indirect.gather [hbm4b:s5+s13], $0x80, s19, s13, $0xb8;
	[tilespmem:$0x1D000] =	vst v63  }
0x184: {  	_ =	swait.ge [sflag:s16], $0x4000  }
0x185: {  	[sflag:s16] =	ssyncset.done $0x0  }
0x186: {  	[sflag:s16] =	ssyncadd.s32 $0xFFFFC000  }
0x187: {  	[spmem:s3] =	stream.indirect.scatter.add.f32 [tilespmem:s14], [sflag:$0x3], $0x80, s20, s13, $0xb8;
	[tilespmem:$0x1D000] =	vst v63  }
0x188: {  	_ =	swait.ge [sflag:s11], $0x4000  }
0x189: {  	[sflag:s11] =	ssyncset.done $0x0  }
0x18a: {  	[sflag:s11] =	ssyncadd.s32 $0xFFFFC000  }
0x18b: {  	[tilespmem:s14], [sflag:$0x1] =	stream.indirect.gather [hbm4b:s5+s13], $0x80, s21, s13, $0xb8;
	[tilespmem:$0x1D000] =	vst v63  }
0x18c: {  	_ =	swait.ge [sflag:s17], $0x4000  }
0x18d: {  	[sflag:s17] =	ssyncset.done $0x0  }
0x18e: {  	[sflag:s17] =	ssyncadd.s32 $0xFFFFC000  }
0x18f: {  	[spmem:s3] =	stream.indirect.scatter.add.f32 [tilespmem:s15], [sflag:$0x3], $0x80, s22, s13, $0xb8;
	[tilespmem:$0x1D000] =	vst v63  }
0x190: {  	_ =	swait.ge [sflag:s11], $0x4000  }
0x191: {  	[sflag:s11] =	ssyncset.done $0x0  }
0x192: {  	[sflag:s11] =	ssyncadd.s32 $0xFFFFC000  }
0x193: {  	[tilespmem:s15], [sflag:$0x2] =	stream.indirect.gather [hbm4b:s5+s13], $0x80, s23, s13, $0xb8;
	[tilespmem:$0x1D000] =	vst v63  }
0x194: {  	_ =	swait.ge [sflag:s16], $0x4000  }
0x195: {  	[sflag:s16] =	ssyncset.done $0x0  }
0x196: {  	[sflag:s16] =	ssyncadd.s32 $0xFFFFC000  }
0x197: {  	[spmem:s3] =	stream.indirect.scatter.add.f32 [tilespmem:s14], [sflag:$0x3], $0x80, s24, s13, $0xb8;
	[tilespmem:$0x1D000] =	vst v63  }
0x198: {  	_ =	swait.ge [sflag:s11], $0x4000  }
0x199: {  	[sflag:s11] =	ssyncset.done $0x0  }
0x19a: {  	[sflag:s11] =	ssyncadd.s32 $0xFFFFC000  }
0x19b: {  	[tilespmem:s14], [sflag:$0x1] =	stream.indirect.gather [hbm4b:s5+s13], $0x80, s25, s13, $0xb8;
	[tilespmem:$0x1D000] =	vst v63  }
0x19c: {  	_ =	swait.ge [sflag:s17], $0x4000  }
0x19d: {  	[sflag:s17] =	ssyncset.done $0x0  }
0x19e: {  	[sflag:s17] =	ssyncadd.s32 $0xFFFFC000  }
0x19f: {  	[spmem:s3] =	stream.indirect.scatter.add.f32 [tilespmem:s15], [sflag:$0x3], $0x80, s26, s13, $0xb8;
	[tilespmem:$0x1D000] =	vst v63  }
0x1a0: {  	_ =	swait.ge [sflag:s11], $0x4000  }
0x1a1: {  	[sflag:s11] =	ssyncset.done $0x0  }
0x1a2: {  	[sflag:s11] =	ssyncadd.s32 $0xFFFFC000  }
0x1a3: {  	[tilespmem:s15], [sflag:$0x2] =	stream.indirect.gather [hbm4b:s5+s13], $0x80, s28, s13, $0xb8;
	[tilespmem:$0x1D000] =	vst v63  }
0x1a4: {  	_ =	swait.ge [sflag:s16], $0x4000  }
0x1a5: {  	[sflag:s16] =	ssyncset.done $0x0  }
0x1a6: {  	[sflag:s16] =	ssyncadd.s32 $0xFFFFC000  }
0x1a7: {  	[spmem:s3] =	stream.indirect.scatter.add.f32 [tilespmem:s14], [sflag:$0x3], $0x80, s29, s13, $0xb8;
	[tilespmem:$0x1D000] =	vst v63  }
0x1a8: {  	_ =	swait.ge [sflag:s11], $0x4000  }
0x1a9: {  	[sflag:s11] =	ssyncset.done $0x0  }
0x1aa: {  	[sflag:s11] =	ssyncadd.s32 $0xFFFFC000  }
0x1ab: {  	[tilespmem:s14], [sflag:$0x1] =	stream.indirect.gather [hbm4b:s5+s13], $0x80, s30, s13, $0xb8;
	[tilespmem:$0x1D000] =	vst v63  }
0x1ac: {  	_ =	swait.ge [sflag:s17], $0x4000  }
0x1ad: {  	[sflag:s17] =	ssyncset.done $0x0  }
0x1ae: {  	[sflag:s17] =	ssyncadd.s32 $0xFFFFC000  }
0x1af: {  	[spmem:s3] =	stream.indirect.scatter.add.f32 [tilespmem:s15], [sflag:$0x3], $0x80, s31, s13, $0xb8;
	[tilespmem:$0x1D000] =	vst v63  }
0x1b0: {  	_ =	swait.ge [sflag:s11], $0x4000  }
0x1b1: {  	[sflag:s11] =	ssyncset.done $0x0  }
0x1b2: {  	[sflag:s11] =	ssyncadd.s32 $0xFFFFC000  }
0x1b3: {  	[tilespmem:s15], [sflag:$0x2] =	stream.indirect.gather [hbm4b:s5+s13], $0x80, s1, s13, $0xb8;
	[tilespmem:$0x1D000] =	vst v63  }
0x1b4: {  	_ =	swait.ge [sflag:s16], $0x4000  }
0x1b5: {  	[sflag:s16] =	ssyncset.done $0x0  }
0x1b6: {  	[sflag:s16] =	ssyncadd.s32 $0xFFFFC000  }
0x1b7: {  	[spmem:s3] =	stream.indirect.scatter.add.f32 [tilespmem:s14], [sflag:$0x3], $0x80, s0, s13, $0xb8;
	[tilespmem:$0x1D000] =	vst v63  }
0x1b8: {  	_ =	swait.ge [sflag:s11], $0x4000  }
0x1b9: {  	[sflag:s11] =	ssyncset.done $0x0  }
0x1ba: {  	[sflag:s11] =	ssyncadd.s32 $0xFFFFC000  }
0x1bb: {  	_ =	swait.ge [sflag:s17], $0x4000  }
0x1bc: {  	[sflag:s17] =	ssyncset.done $0x0  }
0x1bd: {  	[sflag:s17] =	ssyncadd.s32 $0xFFFFC000  }
0x1be: {  	[spmem:s3] =	stream.indirect.scatter.add.f32 [tilespmem:s15], [sflag:$0x3], $0x80, s2, s13, $0xb8;
	[tilespmem:$0x1D000] =	vst v63  }
0x1bf: {  	_ =	swait.ge [sflag:s11], $0x4000  }
0x1c0: {  	[sflag:s11] =	ssyncset.done $0x0  }
0x1c1: {  	[sflag:s11] =	ssyncadd.s32 $0xFFFFC000  }
0x1c2: {  	[bflag:$0x0] =	sbarrier.arrive $0xFFFF  }
0x1c3: {  	s8 =	rddreg [dreg:$0x12]  }
0x1c4: {  	s10 =	rddreg [dreg:$0x13]  }
0x1c5: {  	s9 =	rddreg [dreg:$0x15]  }
0x1c6: {  	[hbm:s10], [sflag:s8] =	dma.local [spmem:s9], $0x2800  }
0x1c7: {  	_ =	swait.ge [sflag:s11], $0x2800  }
0x1c8: {  	s7 =	rddreg [dreg:$0x16]  }
0x1c9: {  	s10 =	sadd.s32 $0x1, s7;
	s7 =	rddreg [dreg:$0x14]  }
0x1ca: {  	p0 =	sne.s32 s10, s7  }
.Ltmp1:
0x1cb: {  	_ = 	snop;
	(pc) =	sbr.rel @p0 .LBB2_1-.Ltmp1, $3  }
0x1cc: {  	_ =	sdelay $0x1  }
0x1cd: {  	[sflag:s11] =	ssyncset.done $0x0  }
0x1ce: {  	[sflag:s11] =	ssyncadd.s32 $0xFFFFD800  }
0x1cf: {  	_ =	sfence.sel $0x180000  }
0x1d0: {  	[bflag:$0x0] =	sbarrier.arrive $0xFFFF  }
0x1d1: {  	_ =	strace $0x9000004D  }
0x1d2: {  	s0 =	stileid.u32;
	[bflag:$0x2] =	sbarrier.arrive $0xFFFF  }
0x1d3: {  	p0 =	sne.s32 s0, $0x0;
	s0 =	rddreg [dreg:$0x3]  }
0x1d4: {  	s0 =	sadd.s32 @!p0 $0x100000, s0  }
0x1d5: {  	[sflag:s0] =	ssyncadd.tile.s32 @!p0 $0x1;
	_ =	shalt  }
.Lfunc_end2:
_tile_overlayer_lowered:
.L_overlay_start_2:
0x1d6: {  	(tag) =	ssettag $0x2  }
0x1d7: {  	s0 =	rddreg [dreg:$0x0];
	s2 =	stileid.u32  }
0x1d8: {  	s1 =	rddreg [dreg:$0x1];
	p0 =	sne.s32 s2, $0x0  }
0x1d9: {  	s3 =	rddreg [dreg:$0x2];
	[bflag:$0x3] =	sbarrier.arrive $0xFFFF;
	s2 =	simm.s32 @!p0 $0x1C03  }
0x1da: {  	[timem:s3], [sflag:s2] =	dma.local @!p0 [hbm:s0], s1  }
0x1db: {  	s0 =	simm.s32 @!p0 $0x3  }
0x1dc: {  	_ =	swait.ge @!p0 [sflag:s0], s1  }
0x1dd: {  	s1 =	ssub.s32 @!p0 $0x0, s1;
	[sflag:s0] =	ssyncset.done @!p0 $0x0  }
0x1de: {  	[sflag:s0] =	ssyncadd.s32 @!p0 s1  }
0x1df: {  	[bflag:$0x3] =	sbarrier.arrive $0xFFFF  }
0x1e0: {  	_ =	shalt  }

// kernel: kernel.18.cloned.1.call-start
scs
__scs_entry_jumppad:
0x0: {  	(pc) =	sbr.rel $0x88, $3  }
0x1: {  	(tag) =	ssettag $0x0;
	lr =	simm.s32 $0x1  }
0x2: {  	[smem:$0x3F96] =	sst lr;
	_ =	strace $0xD0000000  }
0x3: {  	_ = 	snop  }
0x4: {  	_ = 	snop  }
0x5: {  	_ = 	snop  }
0x6: {  	_ = 	snop  }
0x7: {  	_ = 	snop  }
__scs_overlays_trampoline_lowered:
0x8: {  	[smem:$0x3FA5] =	sst s0  }
0x9: {  	[smem:$0x3FA6] =	sst s1  }
0xa: {  	[smem:$0x3FA7] =	sst s2  }
0xb: {  	[smem:$0x3FA8] =	sst s3  }
0xc: {  	[smem:$0x3FA9] =	sst s4  }
0xd: {  	[smem:$0x3FAA] =	sst s5  }
0xe: {  	[smem:$0x3FAB] =	sst s6  }
0xf: {  	[smem:$0x3FAC] =	sst s7  }
0x10: {  	[smem:$0x3FAD] =	sst s8  }
0x11: {  	[smem:$0x3FAE] =	sst s9;
	s0 =	simm.s32 @!p0 $0x0  }
0x12: {  	s1 =	sld [smem:$0x3F94];
	s0 =	simm.s32 @p0 $0x1  }
0x13: {  	[smem:$0x3FAF] =	sst s0;
	s0 =	simm.s32 @!p1 $0x0  }
0x14: {  	s2 =	sld [smem:$0x3F93];
	s0 =	simm.s32 @p1 $0x1  }
0x15: {  	[smem:$0x3FB0] =	sst s0;
	s0 =	simm.s32 @!p2 $0x0  }
0x16: {  	s3 =	sld [smem:$0x3FDB];
	s0 =	simm.s32 @p2 $0x1  }
0x17: {  	s4 =	simm.s32 $0x1BF5;
	[smem:$0x3FB2] =	sst s0  }
0x18: {  	s0 =	sld [smem:$0x3F95];
	_ =	swait.ge [sflag:s4], $0x0  }
0x19: {  	s7 =	sld [smem:$0x3F96]  }
0x1a: {  	s8 =	sadd.s32 $0xFFFFE003, lr  }
0x1b: {  	s9 =	sadd.s32 $0xFFFFFEF7, lr;
	s5 =	simm.s32 $0xFFFFFFFF;
	p2 =	slt.u32 s8, $0xFFFFF086  }
0x1c: {  	p1 =	slt.u32 s9, $0xF7A;
	s5 =	simm.s32 @!p2 $0x0  }
0x1d: {  	s5 =	simm.s32 @p1 $0x1;
	p0 =	seq.s32 s7, s2  }
0x1e: {  	s7 =	smul.u32 @!p0 $0xF7A, s2;
	p2 =	seq.s32 @!p0 s5, $0x0  }
0x1f: {  	s9 =	smul.u32 $0xF7A, s1;
	s8 =	simm.s32 @!p0 $0x1BF5;
	p2 =	por !p2, p0  }
0x20: {  	[sflag:s8] =	ssyncset.s32 @!p0 $0xFFFFF086;
	s6 =	sadd.s32 @!p0 s3, s7;
	s7 =	simm.s32 @!p0 $0x108  }
0x21: {  	s3 =	sadd.s32 s3, s9;
	s6 =	sadd.s32 @!p0 $0x88, s6;
	s7 =	simm.s32 @p2 $0x1082  }
0x22: {  	[simem:s7], [sflag:s8] =	dma.local @!p0 [hbm:s6], $0xF7A  }
0x23: {  	s9 =	sor.u32 $0xD0000000, s2;
	s6 =	simm.s32 $0x108;
	_ =	swait.ge @!p0 [sflag:s8], $0x0  }
0x24: {  	s3 =	sadd.s32 $0x88, s3;
	s6 =	simm.s32 @!p1 $0x1082;
	[sflag:s4] =	ssyncset.s32 $0xFFFFF086  }
0x25: {  	[simem:s6], [sflag:s4] =	dma.local [hbm:s3], $0xF7A  }
0x26: {  	[smem:$0x3F96] =	sst s1;
	(tag) =	ssettag s2;
	_ =	strace s9  }
0x27: {  	s1 =	sld [smem:$0x3FA6]  }
0x28: {  	s2 =	sld [smem:$0x3FA7]  }
0x29: {  	s4 =	sld [smem:$0x3FA9]  }
0x2a: {  	p0 =	seq.s32 s5, $0x0;
	s5 =	sld [smem:$0x3FAA]  }
0x2b: {  	s6 =	sld [smem:$0x3FAB]  }
0x2c: {  	s7 =	sld [smem:$0x3FAC]  }
0x2d: {  	s3 =	simm.s32 $0x108;
	s8 =	sld [smem:$0x3FAD]  }
0x2e: {  	s3 =	simm.s32 @!p0 $0x1082;
	s9 =	sld [smem:$0x3FAE]  }
0x2f: {  	lr =	sadd.s32 s0, s3;
	s0 =	sld [smem:$0x3FA5]  }
0x30: {  	s3 =	sld [smem:$0x3FA8]  }
0x31: {  	[smem:$0x3FB1] =	sst s10  }
0x32: {  	s10 =	sld [smem:$0x3FAF];
	_ =	sdelay $0x3  }
0x33: {  	p0 =	seq.s32 s10, $0x1;
	s10 =	sld [smem:$0x3FB1];
	_ =	sdelay $0x3  }
0x34: {  	[smem:$0x3FB1] =	sst s10  }
0x35: {  	s10 =	sld [smem:$0x3FB0];
	_ =	sdelay $0x3  }
0x36: {  	p1 =	seq.s32 s10, $0x1;
	s10 =	sld [smem:$0x3FB1];
	_ =	sdelay $0x3  }
0x37: {  	[smem:$0x3FB1] =	sst s10  }
0x38: {  	s10 =	sld [smem:$0x3FB2]  }
0x39: {  	_ = 	snop;
	(pc) =	sbr.ind lr, $3  }
0x3a: {  	_ = 	snop  }
0x3b: {  	_ = 	snop  }
0x3c: {  	p2 =	seq.s32 s10, $0x1;
	s10 =	sld [smem:$0x3FB1]  }
0x3d: {  	_ =	shalt  }
0x3e: {  	_ =	shalt  }
0x3f: {  	_ =	shalt  }
0x40: {  	_ =	shalt  }
0x41: {  	_ =	shalt  }
0x42: {  	_ =	shalt  }
0x43: {  	_ =	shalt  }
0x44: {  	_ =	shalt  }
0x45: {  	_ =	shalt  }
0x46: {  	_ =	shalt  }
0x47: {  	_ =	shalt  }
0x48: {  	_ =	shalt  }
0x49: {  	_ =	shalt  }
0x4a: {  	_ =	shalt  }
0x4b: {  	_ =	shalt  }
0x4c: {  	_ =	shalt  }
0x4d: {  	_ =	shalt  }
0x4e: {  	_ =	shalt  }
0x4f: {  	_ =	shalt  }
0x50: {  	_ =	shalt  }
0x51: {  	_ =	shalt  }
0x52: {  	_ =	shalt  }
0x53: {  	_ =	shalt  }
0x54: {  	_ =	shalt  }
0x55: {  	_ =	shalt  }
0x56: {  	_ =	shalt  }
0x57: {  	_ =	shalt  }
0x58: {  	_ =	shalt  }
0x59: {  	_ =	shalt  }
0x5a: {  	_ =	shalt  }
0x5b: {  	_ =	shalt  }
0x5c: {  	_ =	shalt  }
0x5d: {  	_ =	shalt  }
0x5e: {  	_ =	shalt  }
0x5f: {  	_ =	shalt  }
0x60: {  	_ =	shalt  }
0x61: {  	_ =	shalt  }
0x62: {  	_ =	shalt  }
0x63: {  	_ =	shalt  }
0x64: {  	_ =	shalt  }
0x65: {  	_ =	shalt  }
0x66: {  	_ =	shalt  }
0x67: {  	_ =	shalt  }
0x68: {  	_ =	shalt  }
0x69: {  	_ =	shalt  }
0x6a: {  	_ =	shalt  }
0x6b: {  	_ =	shalt  }
0x6c: {  	_ =	shalt  }
0x6d: {  	_ =	shalt  }
0x6e: {  	_ =	shalt  }
0x6f: {  	_ =	shalt  }
0x70: {  	_ =	shalt  }
0x71: {  	_ =	shalt  }
0x72: {  	_ =	shalt  }
0x73: {  	_ =	shalt  }
0x74: {  	_ =	shalt  }
0x75: {  	_ =	shalt  }
0x76: {  	_ =	shalt  }
0x77: {  	_ =	shalt  }
0x78: {  	_ =	shalt  }
0x79: {  	_ =	shalt  }
0x7a: {  	_ =	shalt  }
0x7b: {  	_ =	shalt  }
0x7c: {  	_ =	shalt  }
0x7d: {  	_ =	shalt  }
0x7e: {  	_ =	shalt  }
0x7f: {  	_ =	shalt  }
0x80: {  	_ =	shalt  }
0x81: {  	_ =	shalt  }
0x82: {  	_ =	shalt  }
0x83: {  	_ =	shalt  }
0x84: {  	_ =	shalt  }
0x85: {  	_ =	shalt  }
0x86: {  	_ =	shalt  }
0x87: {  	_ =	shalt  }
.Lfunc_end0:
.L_simem_size_0:
called_computation.3_lowered:
.L_overlay_start_0:
0x88: {  	s2 =	sld [smem:$0x3FD9]  }
0x89: {  	s3 =	sld [smem:$0x3FFE];
	_ =	sdelay $0x1  }
0x8a: {  	s1 =	srdreg.scid  }
0x8b: {  	s0 =	sand.u32 $0x1, s1  }
0x8c: {  	s17 =	sshll.u32 s0, $0xA;
	s2 =	sadd.s32 s3, s2  }
0x8d: {  	s2 =	sadd.s32 s2, s17  }
0x8e: {  	[smem:$0x3FBD] =	sst s2  }
0x8f: {  	_ = 	snop  }
0x90: {  	s2 =	sld [smem:$0x3FD0];
	(tm) =	ssettm $0x1  }
0x91: {  	s18 =	sld [smem:$0x3FFB];
	_ =	sdelay $0x3  }
0x92: {  	_ =	strace s18  }
0x93: {  	s3 =	sld [smem:$0x3FFC];
	_ =	sdelay $0x3  }
0x94: {  	_ =	strace s3  }
0x95: {  	s3 =	sld [smem:$0x3FFD];
	_ =	sdelay $0x3  }
0x96: {  	_ =	strace s3  }
0x97: {  	_ =	strace $0x8FFFFFFF  }
0x98: {  	s19 =	sld [smem:$0x3FDB];
	_ =	sdelay $0x1  }
0x99: {  	s4 =	simm.s32 $_scs_section_size  }
0x9a: {  	s5 =	simm.s32 $_size__tile_overlayer_lowered;
	s6 =	simm.s32 $_tile_overlayer_lowered  }
0x9b: {  	s22 =	simm.s32 $0x1BFF;
	s21 =	sshll.u32 s6, $0x1;
	s3 =	sadd.s32 s4, s19  }
0x9c: {  	s7 =	simm.s32 $0x0;
	s20 =	sshll.u32 s5, $0x1;
	s5 =	sadd.s32 s21, s3  }
0x9d: {  	[timem:s7], [sflag:s22] =	dma.local [hbm:s5], s20  }
0x9e: {  	_ =	swait.ge [sflag:s22], s20  }
0x9f: {  	s4 =	ssub.s32 $0x0, s20;
	[sflag:s22] =	ssyncset.done $0x0  }
0xa0: {  	[sflag:s22] =	ssyncadd.s32 s4;
	_ =	sdelay $0x1  }
0xa1: {  	s23 =	simm.s32 $0x1B8B  }
0xa2: {  	_ =	swait.ge [sflag:s23], $0x1  }
0xa3: {  	[sflag:s23] =	ssyncset.done $0x0  }
0xa4: {  	s25 =	simm.s32 $0x1B8E;
	s24 =	sld [smem:$0x3FFE];
	[sflag:s23] =	ssyncadd.s32 $0xFFFFFFFF  }
0xa5: {  	s26 =	simm.s32 $execute0_lowered;
	[smem:$0x3FD2] =	sst s25  }
0xa6: {  	s5 =	sshll.u32 s26, $0x1;
	_ =	strace $0x8000004F;
	[dreg:$0x1] =	wrdreg $0xFFFFFFFF  }
0xa7: {  	s28 =	simm.s32 $_size_execute0_lowered;
	s3 =	sadd.s32 s3, s5;
	[dreg:$0x0] =	wrdreg $0x0  }
0xa8: {  	s5 =	sshll.u32 s28, $0x1;
	[dreg:$0x2] =	wrdreg s3  }
0xa9: {  	[dreg:$0x3] =	wrdreg s5  }
0xaa: {  	[dreg:$0x4] =	wrdreg $0xC0  }
0xab: {  	_ =	task [dreg:s7], $0x5FFFF  }
0xac: {  	[dreg:$0x1] =	wrdreg $0xFFFFFFFF  }
0xad: {  	[dreg:$0x0] =	wrdreg $0x60  }
0xae: {  	[dreg:$0x2] =	wrdreg s24  }
0xaf: {  	[dreg:$0x3] =	wrdreg s2  }
0xb0: {  	[dreg:$0x4] =	wrdreg $0xBA000  }
0xb1: {  	[dreg:$0x5] =	wrdreg $0x9  }
0xb2: {  	_ =	task.clear_ibuf [dreg:s7], $0x6FFFF;
	_ =	strace $0x9000004F  }
0xb3: {  	s29 =	simm.s32 $0x9;
	_ =	strace $0x80000051  }
0xb4: {  	_ =	swait.ge [sflag:s29], $0x1  }
0xb5: {  	[sflag:s29] =	ssyncadd.s32 $0xFFFFFFFF  }
0xb6: {  	_ =	strace $0x90000051  }
0xb7: {  	_ =	sfence  }
0xb8: {  	s30 =	sld [smem:$0x0];
	_ =	sdelay $0x2  }
0xb9: {  	s31 =	sshll.u32 s1, $0xD;
	s1 =	sshrl.u32 s1, $0x2  }
0xba: {  	s3 =	sand.u32 $0x4000, s31;
	s1 =	sadd.s32 s1, s30  }
0xbb: {  	s0 =	sor.u32 s3, s0;
	s1 =	sshll.u32 s1, $0x11  }
0xbc: {  	s0 =	sor.u32 s1, s0  }
0xbd: {  	s0 =	sadd.s32 $0x8F2B, s0  }
0xbe: {  	[sflag:s0] =	ssyncadd.remote.s32 $0x1  }
0xbf: {  	_ =	sfence.sel $0xFFFF  }
0xc0: {  	[dreg:$0x0] =	wrdreg $0xFFFFFFFF;
	(pc) =	sbr.abs _section_cstart, $3  }
0xc1: {  	[dreg:$0x1] =	wrdreg $0xFFFFFFFF  }
0xc2: {  	_ =	task.clear_ibuf [dreg:s7], $0x2FFFF;
	_ =	strace $0x9FFFFFFF  }
0xc3: {  	(tm) =	ssettm $0x7FFFFFFF  }
tec
execute0_lowered:
.L_overlay_start_1:
0x0: {  	(tag) =	ssettag $0x1  }
0x1: {  	s0 =	rddreg [dreg:$0x0]  }
0x2: {  	s2 =	rddreg [dreg:$0x2];
	s1 =	simm.s32 $0x0  }
0x3: {  	s22 =	srdreg.scid;
	s12 =	stileid.u32;
	s17 =	simm.s32 $0x5  }
0x4: {  	s20 =	simm.s32 $0x800;
	s28 =	simm.s32 $0xA800;
	s29 =	simm.s32 $0x1  }
0x5: {  	s30 =	simm.s32 $0x3;
	s31 =	simm.s32 $0x2;
	s21 =	simm.s32 $0x0  }
0x6: {  	s19 =	simm.s32 $0x0;
	[smem:$0x7FF] =	sst s1;
	s5 =	sadd.s32 $0x8C000, s0  }
0x7: {  	s6 =	sadd.s32 $0xB4000, s0;
	s7 =	sadd.s32 $0xDCC00, s0;
	s1 =	sand.u32 $0x1, s22  }
0x8: {  	s8 =	sadd.s32 $0xE6C00, s0;
	s4 =	smul.u32 $0x50000, s12;
	s9 =	sadd.s32 $0xDC000, s0  }
0x9: {  	s10 =	sadd.s32 $0x28000, s0;
	s11 =	smul.u32 $0x2800, s12;
	s24 =	sshll.u32 s12, $0x6  }
0xa: {  	s22 =	simm.s32 $0x1200;
	_ =	strace $0x80000050;
	s3 =	ssub.s32 $0x2, s1  }
0xb: {  	[dreg:$0x4] =	wrdreg s9;
	s1 =	sshll.u32 s1, $0x4;
	s23 =	sshrl.u32 s3, $0x1  }
0xc: {  	s4 =	sshrl.u32 s4, $0x2;
	s1 =	sor.u32 s12, s1;
	s0 =	sadd.s32 s0, s11  }
0xd: {  	s3 =	ssub.s32 s3, s23;
	s4 =	sadd.s32 s4, s2;
	s12 =	smul.u32 $0xA000, s1  }
0xe: {  	[dreg:$0x5] =	wrdreg s0;
	s0 =	sor.u32 $0x1C05, s24;
	s14 =	smul.u32 $0x2800, s1  }
0xf: {  	v0 =	vlaneseq.u32;
	s23 =	simm.s32 $0x20;
	s24 =	simm.s32 $0x7800;
	[dreg:$0x6] =	wrdreg s0  }
0x10: {  	v0 =	vmul.u32 $0x80, v0;
	s25 =	smax.u32 s3, $0x1;
	s26 =	sshrl.u32 s4, $0x3;
	s0 =	simm.s32 $0x4  }
0x11: {  	v2 =	vimm.bf16 $0.0e+00;
	s4 =	simm.s32 $0xB800;
	s3 =	simm.s32 $0x0;
	[dreg:$0x7] =	wrdreg s25  }
0x12: {  	v1 =	vor.u32 $0x40, v0;
	v3 =	vor.u32 $0x800, v0;
	v4 =	vor.u32 $0x840, v0;
	[dreg:$0x8] =	wrdreg s26;
	s25 =	simm.s32 $0x9800;
	s26 =	simm.s32 $0x8800  }
.LBB2_1:
0x13: {  	[dreg:$0x9] =	wrdreg s3  }
0x14: {  	s1 =	rddreg [dreg:$0x5]  }
0x15: {  	s18 =	rddreg [dreg:$0x6]  }
0x16: {  	s9 =	rddreg [dreg:$0x8]  }
0x17: {  	[spmem:s9], [sflag:s18] =	dma.local [hbm:s1], $0x2800  }
0x18: {  	_ =	swait.ge [sflag:s17], $0x2800  }
0x19: {  	s11 =	simm.s32 $0x0;
	[sflag:s17] =	ssyncset.done $0x0  }
0x1a: {  	s15 =	simm.s32 $0x1400;
	s13 =	rddreg [dreg:$0x4];
	[sflag:s17] =	ssyncadd.s32 $0xFFFFD800  }
0x1b: {  	[tilespmem:s15], [sflag:$0x5] =	stream.linear.gather [hbm4b:s13+s11], $0x6000, $0x38;
	[tilespmem:$0x1FA00] =	vst v63  }
0x1c: {  	_ =	swait.ge [sflag:s17], $0x6000  }
0x1d: {  	[sflag:s17] =	ssyncset.done $0x0  }
0x1e: {  	[sflag:s17] =	ssyncadd.s32 $0xFFFFA000  }
0x1f: {  	s18 =	simm.s32 $0x7400;
	s16 =	rddreg [dreg:$0x1]  }
0x20: {  	[tilespmem:s18], [sflag:$0x5] =	stream.linear.gather [hbm4b:s16+s11], $0x400, $0x38;
	[tilespmem:$0x1FA00] =	vst v63  }
0x21: {  	_ =	swait.ge [sflag:s17], $0x400  }
0x22: {  	[sflag:s17] =	ssyncset.done $0x0  }
0x23: {  	[sflag:s17] =	ssyncadd.s32 $0xFFFFFC00  }
0x24: {  	[bflag:$0x0] =	sbarrier.arrive $0xFFFF  }
0x25: {  	s18 =	simm.s32 $0x0;
	v5 =	vld [tilespmem:$0x7400]  }
.LBB2_2:
0x26: {  	s1 =	sshll.u32 s18, $0xB  }
0x27: {  	s1 =	sadd.s32 s12, s1  }
0x28: {  	s1 =	sshrl.u32 s1, $0x3  }
0x29: {  	s3 =	sadd.s32 s5, s1  }
0x2a: {  	[tilespmem:s19], [sflag:$0x5] =	stream.linear.gather [hbm4b:s3+s19], $0x800, $0x38;
	[tilespmem:$0x1FA00] =	vst v63  }
0x2b: {  	_ =	swait.ge [sflag:s17], $0x800  }
0x2c: {  	[sflag:s17] =	ssyncset.done $0x0  }
0x2d: {  	s13 =	sshll.u32 s18, $0x9;
	s1 =	sadd.s32 s6, s1;
	[sflag:s17] =	ssyncadd.s32 $0xFFFFF800  }
0x2e: {  	[tilespmem:s20], [sflag:$0x5] =	stream.linear.gather [hbm4b:s1+s19], $0x800, $0x38;
	[tilespmem:$0x1FA00] =	vst v63  }
0x2f: {  	s1 =	sadd.s32 s14, s13;
	_ =	swait.ge [sflag:s17], $0x800  }
0x30: {  	s9 =	sshrl.u32 s1, $0x3;
	[sflag:s17] =	ssyncset.done $0x0  }
0x31: {  	s15 =	simm.s32 $0x1000;
	s1 =	sadd.s32 s7, s9;
	[sflag:s17] =	ssyncadd.s32 $0xFFFFF800  }
0x32: {  	[tilespmem:s15], [sflag:$0x5] =	stream.linear.gather [hbm4b:s1+s19], $0x200, $0x38;
	[tilespmem:$0x1FA00] =	vst v63  }
0x33: {  	_ =	swait.ge [sflag:s17], $0x200  }
0x34: {  	[sflag:s17] =	ssyncset.done $0x0  }
0x35: {  	s16 =	sadd.s32 s8, s9;
	[sflag:s17] =	ssyncadd.s32 $0xFFFFFE00  }
0x36: {  	[tilespmem:s22], [sflag:$0x5] =	stream.linear.gather [hbm4b:s16+s19], $0x200, $0x38;
	[tilespmem:$0x1FA00] =	vst v63  }
0x37: {  	_ =	swait.ge [sflag:s17], $0x200  }
0x38: {  	[sflag:s17] =	ssyncset.done $0x0  }
0x39: {  	[sflag:s17] =	ssyncadd.s32 $0xFFFFFE00  }
0x3a: {  	[tilespmem:s24], [sflag:$0x1] =	stream.indirect.gather [spmem:s2], $0x80, s19, s23, $0xb8;
	[tilespmem:$0x1FA00] =	vst v63  }
0x3b: {  	s11 =	simm.s32 $0x0  }
0x3c: {  	[tilespmem:s25], [sflag:$0x3] =	stream.indirect.gather [spmem:s2], $0x80, s20, s23, $0xb8;
	[tilespmem:$0x1FA00] =	vst v63  }
.LBB2_3:
0x3d: {  	s13 =	sshllo.u32 s11, $0x1  }
0x3e: {  	s1 =	sshll.u32 s13, $0x7  }
0x3f: {  	[tilespmem:s26], [sflag:$0x2] =	stream.indirect.gather [spmem:s2], $0x80, s1, s23, $0xb8;
	[tilespmem:$0x1FA00] =	vst v63  }
0x40: {  	s1 =	sadd.s32 $0x800, s1  }
0x41: {  	[tilespmem:s28], [sflag:$0x4] =	stream.indirect.gather [spmem:s2], $0x80, s1, s23, $0xb8;
	[tilespmem:$0x1FA00] =	vst v63  }
0x42: {  	_ =	swait.ge [sflag:s29], $0x1000  }
0x43: {  	[sflag:s29] =	ssyncset.done $0x0  }
0x44: {  	[sflag:s29] =	ssyncadd.s32 $0xFFFFF000  }
0x45: {  	_ =	swait.ge [sflag:s30], $0x1000  }
0x46: {  	[sflag:s30] =	ssyncset.done $0x0  }
0x47: {  	s15 =	sshll.u32 s11, $0x6;
	v6 =	vor.u32 s19, v0;
	[sflag:s30] =	ssyncadd.s32 $0xFFFFF000  }
0x48: {  	v8 =	vor.u32 s19, v3;
	v7 =	vld [tilespmem:s15+$0x1000]  }
0x49: {  	v10 =	vor.u32 s19, v4;
	v9 =	vld [tilespmem:s15+$0x1200]  }
0x4a: {  	v13 =	vor.u32 s19, v1;
	v11 =	vld [tilespmem:s15+$0x1010]  }
0x4b: {  	v12 =	vld [tilespmem:s15+$0x1210]  }
0x4c: {  	v14 =	vld.idx.msk [tilespmem:v6+s24+$0x0], $0xffff  }
0x4d: {  	v15 =	vld.idx.msk [tilespmem:v8+s24+$0x0], $0xffff  }
0x4e: {  	v10 =	vld.idx.msk [tilespmem:v10+s25+$0x0], $0xffff  }
0x4f: {  	s16 =	simm.s32 $0x5400;
	v13 =	vld.idx.msk [tilespmem:v13+s25+$0x0], $0xffff  }
0x50: {  	s3 =	simm.s32 $0x1;
	v16 =	vld [tilespmem:s16+$0xFFFFC000]  }
0x51: {  	v18 =	vor.u32 s3, v0;
	v17 =	vld [tilespmem:s16+$0xFFFFE000]  }
0x52: {  	v8 =	vpack.i.f32.bf16 v11, v11;
	v11 =	vor.u32 s3, v1  }
0x53: {  	v20 =	vor.u32 s3, v4;
	s1 =	simm.s32 $0x5480;
	v6 =	vpack.i.f32.bf16 v12, v12;
	v12 =	vor.u32 s3, v3  }
0x54: {  	v22 =	vld [tilespmem:s1+$0xFFFFC000];
	v7 =	vpack.i.f32.bf16 v7, v7;
	v10 =	vadd.bf16 v10, v15;
	v19 =	vadd.bf16 v13, v14  }
0x55: {  	v9 =	vpack.i.f32.bf16 v9, v9;
	v13 =	vld [tilespmem:s16+$0x0];
	v15 =	vmul.bf16 v16, v8;
	v16 =	vmul.bf16 v16, v7  }
0x56: {  	v14 =	vld.idx.msk [tilespmem:v18+s24+$0x0], $0xffff;
	v18 =	vmul.bf16 v17, v9  }
0x57: {  	s16 =	simm.s32 $0x2;
	v10 =	vadd.bf16 v10, v15;
	v15 =	vmul.bf16 v17, v6;
	v21 =	vadd.bf16 v19, v16;
	v16 =	vld.idx.msk [tilespmem:v11+s25+$0x0], $0xffff  }
0x58: {  	v17 =	vor.u32 s16, v0;
	v19 =	vld.idx.msk [tilespmem:v12+s24+$0x0], $0xffff  }
0x59: {  	v25 =	vor.u32 s16, v1;
	v11 =	vadd.bf16 v10, v15;
	v12 =	vadd.bf16 v21, v18;
	v21 =	vld.idx.msk [tilespmem:v20+s25+$0x0], $0xffff  }
0x5a: {  	v24 =	vor.u32 s16, v3;
	v23 =	vor.u32 s16, v4;
	v10 =	vimm.f32 $0.0e+00  }
0x5b: {  	v20 =	vld [tilespmem:s1+$0xFFFFE000];
	v15 =	vimm.f32 $0.0e+00;
	v11 =	vmax.bf16 v11, v2;
	v26 =	vmax.bf16 v12, v2  }
0x5c: {  	s3 =	simm.s32 $0x3;
	s16 =	sor.u32 $0x10, s15;
	v12 =	vimm.f32 $0.0e+00;
	v18 =	vmul.bf16 v11, v13;
	v11 =	vimm.f32 $0.0e+00  }
.LBB2_4:
0x5d: {  	p0 =	sne.s32 s3, $0x3F;
	v27 =	vadd.bf16 v16, v14;
	v14 =	vld.idx.msk [tilespmem:v17+s24+$0x0], $0xffff;
	v17 =	vor.u32 s3, v0;
	v26 =	vmul.bf16 v26, v13  }
0x5e: {  	v21 =	vadd.bf16 v21, v19;
	v16 =	vld.idx.msk [tilespmem:v25+s25+$0x0], $0xffff;
	v25 =	vmul.bf16 v22, v8;
	v19 =	vunpack.i.u.bf16.f32 v18  }
0x5f: {  	v22 =	vmul.bf16 v22, v7;
	v13 =	vld [tilespmem:s1+$0x0];
	v28 =	vunpack.i.u.bf16.f32 v26;
	v10 =	vadd.f32 v19, v10  }
0x60: {  	v19 =	vld.idx.msk [tilespmem:v24+s24+$0x0], $0xffff;
	v24 =	vmul.bf16 v20, v9;
	v29 =	vadd.bf16 v21, v25;
	v20 =	vmul.bf16 v20, v6  }
.Ltmp0:
0x61: {  	v18 =	vunpack.i.l.bf16.f32 v18;
	s1 =	sadd.s32 $0x80, s1;
	v26 =	vunpack.i.l.bf16.f32 v26;
	v21 =	vld.idx.msk [tilespmem:v23+s25+$0x0], $0xffff;
	v23 =	vadd.bf16 v27, v22;
	(pc) =	sbr.rel @p0 .LBB2_4-.Ltmp0, $4  }
0x62: {  	v25 =	vor.u32 s3, v1;
	v15 =	vadd.f32 v26, v15;
	v22 =	vld [tilespmem:s1+$0xFFFFC000];
	v27 =	vadd.bf16 v29, v20  }
0x63: {  	v11 =	vadd.f32 v28, v11;
	v26 =	vadd.bf16 v23, v24  }
0x64: {  	v12 =	vadd.f32 v18, v12;
	v24 =	vor.u32 s3, v3;
	v20 =	vld [tilespmem:s1+$0xFFFFE000];
	v27 =	vmax.bf16 v27, v2  }
0x65: {  	v23 =	vor.u32 s3, v4;
	s3 =	sadd.s32 $0x1, s3;
	v26 =	vmax.bf16 v26, v2;
	v18 =	vmul.bf16 v27, v13  }
0x66: {  	_ =	sdelay $0x3  }
0x67: {  	v17 =	vld.idx.msk [tilespmem:v17+s24+$0x0], $0xffff  }
0x68: {  	v14 =	vadd.bf16 v16, v14;
	v16 =	vld.idx.msk [tilespmem:v24+s24+$0x0], $0xffff  }
0x69: {  	v19 =	vadd.bf16 v21, v19;
	v23 =	vld.idx.msk [tilespmem:v23+s25+$0x0], $0xffff;
	s3 =	sadd.s32 $0x80, s1;
	v21 =	vmul.bf16 v22, v8  }
0x6a: {  	v13 =	vmul.bf16 v26, v13;
	v22 =	vmul.bf16 v22, v7;
	v24 =	vld [tilespmem:s3+$0xFFFFC000]  }
0x6b: {  	v25 =	vld.idx.msk [tilespmem:v25+s25+$0x0], $0xffff;
	v19 =	vadd.bf16 v19, v21;
	v21 =	vmul.bf16 v20, v6  }
0x6c: {  	v27 =	vld [tilespmem:s1+$0x0];
	v26 =	vunpack.i.u.bf16.f32 v18;
	v14 =	vadd.bf16 v14, v22;
	v22 =	vunpack.i.u.bf16.f32 v13  }
0x6d: {  	v20 =	vmul.bf16 v20, v9;
	v13 =	vunpack.i.l.bf16.f32 v13;
	v19 =	vadd.bf16 v19, v21;
	v21 =	vld [tilespmem:s3+$0xFFFFE000]  }
0x6e: {  	v18 =	vunpack.i.l.bf16.f32 v18;
	v10 =	vadd.f32 v26, v10;
	v13 =	vadd.f32 v13, v15  }
0x6f: {  	v14 =	vadd.bf16 v14, v20;
	v16 =	vadd.bf16 v23, v16;
	v8 =	vmul.bf16 v24, v8  }
0x70: {  	v17 =	vadd.bf16 v25, v17;
	v7 =	vmul.bf16 v24, v7;
	v15 =	vmax.bf16 v19, v2  }
0x71: {  	v14 =	vmax.bf16 v14, v2;
	v15 =	vmul.bf16 v15, v27;
	v8 =	vadd.bf16 v16, v8  }
0x72: {  	v19 =	vld [tilespmem:s3+$0x0];
	v7 =	vadd.bf16 v17, v7;
	v9 =	vmul.bf16 v21, v9;
	v6 =	vmul.bf16 v21, v6  }
0x73: {  	v12 =	vadd.f32 v18, v12;
	v11 =	vadd.f32 v22, v11;
	v14 =	vmul.bf16 v14, v27  }
0x74: {  	v16 =	vunpack.i.u.bf16.f32 v15;
	v6 =	vadd.bf16 v8, v6;
	v7 =	vadd.bf16 v7, v9  }
0x75: {  	v8 =	vunpack.i.u.bf16.f32 v14;
	v9 =	vadd.f32 v16, v10;
	v10 =	vunpack.i.l.bf16.f32 v14  }
0x76: {  	v14 =	vunpack.i.l.bf16.f32 v15;
	v6 =	vmax.bf16 v6, v2;
	v7 =	vmax.bf16 v7, v2  }
0x77: {  	v10 =	vadd.f32 v10, v13;
	v6 =	vmul.bf16 v6, v19;
	v7 =	vmul.bf16 v7, v19  }
0x78: {  	v8 =	vadd.f32 v8, v11;
	v11 =	vadd.f32 v14, v12  }
0x79: {  	v12 =	vunpack.i.u.bf16.f32 v6;
	v13 =	vunpack.i.u.bf16.f32 v7;
	v7 =	vunpack.i.l.bf16.f32 v7  }
0x7a: {  	v6 =	vunpack.i.l.bf16.f32 v6;
	v7 =	vadd.f32 v7, v10;
	v8 =	vadd.f32 v13, v8  }
0x7b: {  	v9 =	vadd.f32 v12, v9;
	v6 =	vadd.f32 v6, v11  }
0x7c: {  	v7 =	vadd.f32 v8, v7  }
0x7d: {  	v6 =	vadd.f32 v9, v6  }
0x7e: {  	v7 =	vadd.f32 v7, v5  }
0x7f: {  	p0 =	seq.s32 s11, $0x7;
	v6 =	vadd.f32 v6, v5  }
0x80: {  	s1 =	sshll.u32 @!p0 s11, $0x8;
	[tilespmem:s15+$0xB800] =	vst v7  }
0x81: {  	s3 =	sadd.s32 @!p0 $0x100, s1;
	s15 =	simm.s32 @!p0 $0x20;
	[tilespmem:s16+$0xB800] =	vst v6;
	s16 =	simm.s32 @!p0 $0x7800  }
0x82: {  	[tilespmem:s16], [sflag:$0x1] =	stream.indirect.gather @!p0 [spmem:s2], $0x80, s3, s15, $0xb8;
	[tilespmem:$0x1FA00] =	vst v63  }
0x83: {  	s1 =	sadd.s32 @!p0 $0x900, s1;
	s3 =	simm.s32 @!p0 $0x9800  }
0x84: {  	[tilespmem:s3], [sflag:$0x3] =	stream.indirect.gather @!p0 [spmem:s2], $0x80, s1, s15, $0xb8;
	[tilespmem:$0x1FA00] =	vst v63  }
0x85: {  	_ =	swait.ge [sflag:s31], $0x1000  }
0x86: {  	[sflag:s31] =	ssyncset.done $0x0  }
0x87: {  	[sflag:s31] =	ssyncadd.s32 $0xFFFFF000  }
0x88: {  	_ =	swait.ge [sflag:s0], $0x1000  }
0x89: {  	s15 =	simm.s32 $0x0;
	[sflag:s0] =	ssyncset.done $0x0  }
0x8a: {  	s13 =	sshll.u32 s13, $0x5;
	v6 =	vor.u32 s15, v0;
	[sflag:s0] =	ssyncadd.s32 $0xFFFFF000  }
0x8b: {  	v8 =	vor.u32 s15, v3;
	v7 =	vld [tilespmem:s13+$0x1000]  }
0x8c: {  	v10 =	vor.u32 s15, v4;
	v9 =	vld [tilespmem:s13+$0x1200]  }
0x8d: {  	v13 =	vor.u32 s15, v1;
	v11 =	vld [tilespmem:s13+$0x1010]  }
0x8e: {  	v12 =	vld [tilespmem:s13+$0x1210]  }
0x8f: {  	v14 =	vld.idx.msk [tilespmem:v6+s26+$0x0], $0xffff  }
0x90: {  	v15 =	vld.idx.msk [tilespmem:v8+s26+$0x0], $0xffff  }
0x91: {  	v10 =	vld.idx.msk [tilespmem:v10+s28+$0x0], $0xffff  }
0x92: {  	s16 =	simm.s32 $0x5400;
	v13 =	vld.idx.msk [tilespmem:v13+s28+$0x0], $0xffff  }
0x93: {  	s15 =	simm.s32 $0x1;
	v16 =	vld [tilespmem:s16+$0xFFFFC000]  }
0x94: {  	v18 =	vor.u32 s15, v0;
	v17 =	vld [tilespmem:s16+$0xFFFFE000]  }
0x95: {  	v8 =	vpack.i.f32.bf16 v11, v11;
	v11 =	vor.u32 s15, v1  }
0x96: {  	s1 =	simm.s32 $0x5480;
	v20 =	vor.u32 s15, v4;
	v6 =	vpack.i.f32.bf16 v12, v12;
	v12 =	vor.u32 s15, v3  }
0x97: {  	v22 =	vld [tilespmem:s1+$0xFFFFC000];
	v7 =	vpack.i.f32.bf16 v7, v7;
	v10 =	vadd.bf16 v10, v15;
	v19 =	vadd.bf16 v13, v14  }
0x98: {  	v9 =	vpack.i.f32.bf16 v9, v9;
	v13 =	vld [tilespmem:s16+$0x0];
	v15 =	vmul.bf16 v16, v8;
	v16 =	vmul.bf16 v16, v7  }
0x99: {  	v14 =	vld.idx.msk [tilespmem:v18+s26+$0x0], $0xffff;
	v18 =	vmul.bf16 v17, v9  }
0x9a: {  	s16 =	simm.s32 $0x2;
	v10 =	vadd.bf16 v10, v15;
	v15 =	vmul.bf16 v17, v6;
	v21 =	vadd.bf16 v19, v16;
	v16 =	vld.idx.msk [tilespmem:v11+s28+$0x0], $0xffff  }
0x9b: {  	v17 =	vor.u32 s16, v0;
	v19 =	vld.idx.msk [tilespmem:v12+s26+$0x0], $0xffff  }
0x9c: {  	v25 =	vor.u32 s16, v1;
	v11 =	vadd.bf16 v10, v15;
	v12 =	vadd.bf16 v21, v18;
	v21 =	vld.idx.msk [tilespmem:v20+s28+$0x0], $0xffff  }
0x9d: {  	v24 =	vor.u32 s16, v3;
	v23 =	vor.u32 s16, v4;
	v10 =	vimm.f32 $0.0e+00  }
0x9e: {  	v20 =	vld [tilespmem:s1+$0xFFFFE000];
	v15 =	vimm.f32 $0.0e+00;
	v11 =	vmax.bf16 v11, v2;
	v26 =	vmax.bf16 v12, v2  }
0x9f: {  	s3 =	simm.s32 $0x3;
	s15 =	sor.u32 $0x10, s13;
	v12 =	vimm.f32 $0.0e+00;
	v18 =	vmul.bf16 v11, v13;
	v11 =	vimm.f32 $0.0e+00  }
.LBB2_6:
0xa0: {  	p0 =	sne.s32 s3, $0x3F;
	v27 =	vadd.bf16 v16, v14;
	v14 =	vld.idx.msk [tilespmem:v17+s26+$0x0], $0xffff;
	v17 =	vor.u32 s3, v0;
	v26 =	vmul.bf16 v26, v13  }
0xa1: {  	v21 =	vadd.bf16 v21, v19;
	v16 =	vld.idx.msk [tilespmem:v25+s28+$0x0], $0xffff;
	v25 =	vmul.bf16 v22, v8;
	v19 =	vunpack.i.u.bf16.f32 v18  }
0xa2: {  	v22 =	vmul.bf16 v22, v7;
	v13 =	vld [tilespmem:s1+$0x0];
	v28 =	vunpack.i.u.bf16.f32 v26;
	v10 =	vadd.f32 v19, v10  }
0xa3: {  	v19 =	vld.idx.msk [tilespmem:v24+s26+$0x0], $0xffff;
	v24 =	vmul.bf16 v20, v9;
	v29 =	vadd.bf16 v21, v25;
	v20 =	vmul.bf16 v20, v6  }
.Ltmp1:
0xa4: {  	v18 =	vunpack.i.l.bf16.f32 v18;
	s1 =	sadd.s32 $0x80, s1;
	v26 =	vunpack.i.l.bf16.f32 v26;
	v21 =	vld.idx.msk [tilespmem:v23+s28+$0x0], $0xffff;
	v23 =	vadd.bf16 v27, v22;
	(pc) =	sbr.rel @p0 .LBB2_6-.Ltmp1, $4  }
0xa5: {  	v25 =	vor.u32 s3, v1;
	v15 =	vadd.f32 v26, v15;
	v22 =	vld [tilespmem:s1+$0xFFFFC000];
	v27 =	vadd.bf16 v29, v20  }
0xa6: {  	v11 =	vadd.f32 v28, v11;
	v26 =	vadd.bf16 v23, v24  }
0xa7: {  	v12 =	vadd.f32 v18, v12;
	v24 =	vor.u32 s3, v3;
	v20 =	vld [tilespmem:s1+$0xFFFFE000];
	v27 =	vmax.bf16 v27, v2  }
0xa8: {  	v23 =	vor.u32 s3, v4;
	s3 =	sadd.s32 $0x1, s3;
	v26 =	vmax.bf16 v26, v2;
	v18 =	vmul.bf16 v27, v13  }
0xa9: {  	_ =	sdelay $0x3  }
0xaa: {  	v17 =	vld.idx.msk [tilespmem:v17+s26+$0x0], $0xffff  }
0xab: {  	v25 =	vld.idx.msk [tilespmem:v25+s28+$0x0], $0xffff  }
0xac: {  	v43 =	vld.idx.msk [tilespmem:v24+s26+$0x0], $0xffff  }
0xad: {  	v23 =	vld.idx.msk [tilespmem:v23+s28+$0x0], $0xffff;
	s16 =	sadd.s32 $0x80, s1;
	v13 =	vmul.bf16 v26, v13  }
0xae: {  	v19 =	vadd.bf16 v21, v19;
	v14 =	vadd.bf16 v16, v14;
	v42 =	vmul.bf16 v22, v8;
	v46 =	vld [tilespmem:s16+$0xFFFFC000]  }
0xaf: {  	v44 =	vmul.bf16 v22, v7;
	v47 =	vunpack.i.u.bf16.f32 v18;
	v48 =	vld [tilespmem:s16+$0xFFFFE000];
	v49 =	vunpack.i.u.bf16.f32 v13  }
0xb0: {  	v13 =	vunpack.i.l.bf16.f32 v13;
	v19 =	vadd.bf16 v19, v42;
	v45 =	vmul.bf16 v20, v6  }
0xb1: {  	v27 =	vld [tilespmem:s1+$0x0];
	v10 =	vadd.f32 v47, v10;
	v14 =	vadd.bf16 v14, v44;
	v50 =	vmul.bf16 v20, v9  }
0xb2: {  	v51 =	vunpack.i.l.bf16.f32 v18;
	v13 =	vadd.f32 v13, v15;
	v19 =	vadd.bf16 v19, v45  }
0xb3: {  	v14 =	vadd.bf16 v14, v50;
	v17 =	vadd.bf16 v25, v17;
	v53 =	vmul.bf16 v46, v8  }
0xb4: {  	v16 =	vadd.bf16 v23, v43;
	v7 =	vmul.bf16 v46, v7;
	v54 =	vmul.bf16 v48, v9  }
0xb5: {  	v6 =	vmul.bf16 v48, v6;
	v52 =	vmax.bf16 v19, v2;
	v14 =	vmax.bf16 v14, v2  }
0xb6: {  	v55 =	vld [tilespmem:s16+$0x0];
	v15 =	vmul.bf16 v52, v27;
	v8 =	vadd.bf16 v16, v53;
	v7 =	vadd.bf16 v17, v7  }
0xb7: {  	v12 =	vadd.f32 v51, v12;
	v11 =	vadd.f32 v49, v11;
	v14 =	vmul.bf16 v14, v27  }
0xb8: {  	v56 =	vunpack.i.u.bf16.f32 v15;
	v6 =	vadd.bf16 v8, v6;
	v7 =	vadd.bf16 v7, v54  }
0xb9: {  	v57 =	vunpack.i.u.bf16.f32 v14;
	v59 =	vunpack.i.l.bf16.f32 v14;
	v60 =	vunpack.i.l.bf16.f32 v15  }
0xba: {  	v58 =	vadd.f32 v56, v10;
	v6 =	vmax.bf16 v6, v2;
	v7 =	vmax.bf16 v7, v2  }
0xbb: {  	v10 =	vadd.f32 v59, v13;
	v6 =	vmul.bf16 v6, v55;
	v7 =	vmul.bf16 v7, v55  }
0xbc: {  	v8 =	vadd.f32 v57, v11;
	v61 =	vadd.f32 v60, v12  }
0xbd: {  	v62 =	vunpack.i.u.bf16.f32 v6;
	v63 =	vunpack.i.u.bf16.f32 v7;
	v7 =	vunpack.i.l.bf16.f32 v7  }
0xbe: {  	v6 =	vunpack.i.l.bf16.f32 v6;
	v7 =	vadd.f32 v7, v10;
	v8 =	vadd.f32 v63, v8  }
0xbf: {  	s11 =	sadd.s32 $0x1, s11;
	v9 =	vadd.f32 v62, v58;
	v6 =	vadd.f32 v6, v61  }
0xc0: {  	p0 =	sne.s32 s11, $0x8;
	v7 =	vadd.f32 v8, v7  }
.Ltmp2:
0xc1: {  	v6 =	vadd.f32 v9, v6;
	(pc) =	sbr.rel @p0 .LBB2_3-.Ltmp2, $4  }
0xc2: {  	v7 =	vadd.f32 v7, v5  }
0xc3: {  	v6 =	vadd.f32 v6, v5  }
0xc4: {  	[tilespmem:s13+$0xB800] =	vst v7  }
0xc5: {  	[tilespmem:s15+$0xB800] =	vst v6  }
0xc6: {  	s18 =	sadd.s32 $0x1, s18  }
0xc7: {  	p0 =	sne.s32 s18, $0x14  }
.Ltmp3:
0xc8: {  	s1 =	sadd.s32 s10, s9;
	(pc) =	sbr.rel @p0 .LBB2_2-.Ltmp3, $4  }
0xc9: {  	[hbm4b:s1+s21] =	stream.linear.scatter [tilespmem:s4], [sflag:$0x5], $0x200, $0x38;
	[tilespmem:$0x1FA00] =	vst v63  }
0xca: {  	_ =	swait.ge [sflag:s17], $0x200  }
0xcb: {  	[sflag:s17] =	ssyncset.done $0x0  }
0xcc: {  	[sflag:s17] =	ssyncadd.s32 $0xFFFFFE00  }
0xcd: {  	s3 =	rddreg [dreg:$0x9]  }
0xce: {  	s1 =	rddreg [dreg:$0x7];
	s3 =	sadd.s32 $0x1, s3  }
0xcf: {  	p0 =	sne.s32 s3, s1  }
.Ltmp4:
0xd0: {  	_ = 	snop;
	(pc) =	sbr.rel @p0 .LBB2_1-.Ltmp4, $1  }
0xd1: {  	_ =	sdelay $0x3  }
0xd2: {  	_ =	sfence.sel $0x180000  }
0xd3: {  	[bflag:$0x0] =	sbarrier.arrive $0xFFFF  }
0xd4: {  	_ =	strace $0x90000050  }
0xd5: {  	s0 =	stileid.u32;
	[bflag:$0x2] =	sbarrier.arrive $0xFFFF  }
0xd6: {  	p0 =	sne.s32 s0, $0x0;
	s0 =	rddreg [dreg:$0x3]  }
0xd7: {  	s0 =	sadd.s32 @!p0 $0x100000, s0  }
0xd8: {  	[sflag:s0] =	ssyncadd.tile.s32 @!p0 $0x1;
	_ =	shalt  }
.Lfunc_end2:
_tile_overlayer_lowered:
.L_overlay_start_2:
0xd9: {  	(tag) =	ssettag $0x2  }
0xda: {  	s0 =	rddreg [dreg:$0x0];
	s2 =	stileid.u32  }
0xdb: {  	s1 =	rddreg [dreg:$0x1];
	p0 =	sne.s32 s2, $0x0  }
0xdc: {  	s3 =	rddreg [dreg:$0x2];
	[bflag:$0x3] =	sbarrier.arrive $0xFFFF;
	s2 =	simm.s32 @!p0 $0x1C05  }
0xdd: {  	[timem:s3], [sflag:s2] =	dma.local @!p0 [hbm:s0], s1  }
0xde: {  	s0 =	simm.s32 @!p0 $0x5  }
0xdf: {  	_ =	swait.ge @!p0 [sflag:s0], s1  }
0xe0: {  	s1 =	ssub.s32 @!p0 $0x0, s1;
	[sflag:s0] =	ssyncset.done @!p0 $0x0  }
0xe1: {  	[sflag:s0] =	ssyncadd.s32 @!p0 s1  }
0xe2: {  	[bflag:$0x3] =	sbarrier.arrive $0xFFFF  }
0xe3: {  	_ =	shalt  }

// kernel: kernel.9.cloned.1.call-start
scs
__scs_entry_jumppad:
0x0: {  	(pc) =	sbr.rel $0x88, $3  }
0x1: {  	(tag) =	ssettag $0x0;
	lr =	simm.s32 $0x1  }
0x2: {  	[smem:$0x3F96] =	sst lr;
	_ =	strace $0xD0000000  }
0x3: {  	_ = 	snop  }
0x4: {  	_ = 	snop  }
0x5: {  	_ = 	snop  }
0x6: {  	_ = 	snop  }
0x7: {  	_ = 	snop  }
__scs_overlays_trampoline_lowered:
0x8: {  	[smem:$0x3FA5] =	sst s0  }
0x9: {  	[smem:$0x3FA6] =	sst s1  }
0xa: {  	[smem:$0x3FA7] =	sst s2  }
0xb: {  	[smem:$0x3FA8] =	sst s3  }
0xc: {  	[smem:$0x3FA9] =	sst s4  }
0xd: {  	[smem:$0x3FAA] =	sst s5  }
0xe: {  	[smem:$0x3FAB] =	sst s6  }
0xf: {  	[smem:$0x3FAC] =	sst s7  }
0x10: {  	[smem:$0x3FAD] =	sst s8  }
0x11: {  	[smem:$0x3FAE] =	sst s9;
	s0 =	simm.s32 @!p0 $0x0  }
0x12: {  	s1 =	sld [smem:$0x3F94];
	s0 =	simm.s32 @p0 $0x1  }
0x13: {  	[smem:$0x3FAF] =	sst s0;
	s0 =	simm.s32 @!p1 $0x0  }
0x14: {  	s2 =	sld [smem:$0x3F93];
	s0 =	simm.s32 @p1 $0x1  }
0x15: {  	[smem:$0x3FB0] =	sst s0;
	s0 =	simm.s32 @!p2 $0x0  }
0x16: {  	s3 =	sld [smem:$0x3FDB];
	s0 =	simm.s32 @p2 $0x1  }
0x17: {  	s4 =	simm.s32 $0x1BF5;
	[smem:$0x3FB2] =	sst s0  }
0x18: {  	s0 =	sld [smem:$0x3F95];
	_ =	swait.ge [sflag:s4], $0x0  }
0x19: {  	s7 =	sld [smem:$0x3F96]  }
0x1a: {  	s8 =	sadd.s32 $0xFFFFE003, lr  }
0x1b: {  	s9 =	sadd.s32 $0xFFFFFEF7, lr;
	s5 =	simm.s32 $0xFFFFFFFF;
	p2 =	slt.u32 s8, $0xFFFFF086  }
0x1c: {  	p1 =	slt.u32 s9, $0xF7A;
	s5 =	simm.s32 @!p2 $0x0  }
0x1d: {  	s5 =	simm.s32 @p1 $0x1;
	p0 =	seq.s32 s7, s2  }
0x1e: {  	s7 =	smul.u32 @!p0 $0xF7A, s2;
	p2 =	seq.s32 @!p0 s5, $0x0  }
0x1f: {  	s9 =	smul.u32 $0xF7A, s1;
	s8 =	simm.s32 @!p0 $0x1BF5;
	p2 =	por !p2, p0  }
0x20: {  	[sflag:s8] =	ssyncset.s32 @!p0 $0xFFFFF086;
	s6 =	sadd.s32 @!p0 s3, s7;
	s7 =	simm.s32 @!p0 $0x108  }
0x21: {  	s3 =	sadd.s32 s3, s9;
	s6 =	sadd.s32 @!p0 $0x88, s6;
	s7 =	simm.s32 @p2 $0x1082  }
0x22: {  	[simem:s7], [sflag:s8] =	dma.local @!p0 [hbm:s6], $0xF7A  }
0x23: {  	s9 =	sor.u32 $0xD0000000, s2;
	s6 =	simm.s32 $0x108;
	_ =	swait.ge @!p0 [sflag:s8], $0x0  }
0x24: {  	s3 =	sadd.s32 $0x88, s3;
	s6 =	simm.s32 @!p1 $0x1082;
	[sflag:s4] =	ssyncset.s32 $0xFFFFF086  }
0x25: {  	[simem:s6], [sflag:s4] =	dma.local [hbm:s3], $0xF7A  }
0x26: {  	[smem:$0x3F96] =	sst s1;
	(tag) =	ssettag s2;
	_ =	strace s9  }
0x27: {  	s1 =	sld [smem:$0x3FA6]  }
0x28: {  	s2 =	sld [smem:$0x3FA7]  }
0x29: {  	s4 =	sld [smem:$0x3FA9]  }
0x2a: {  	p0 =	seq.s32 s5, $0x0;
	s5 =	sld [smem:$0x3FAA]  }
0x2b: {  	s6 =	sld [smem:$0x3FAB]  }
0x2c: {  	s7 =	sld [smem:$0x3FAC]  }
0x2d: {  	s3 =	simm.s32 $0x108;
	s8 =	sld [smem:$0x3FAD]  }
0x2e: {  	s3 =	simm.s32 @!p0 $0x1082;
	s9 =	sld [smem:$0x3FAE]  }
0x2f: {  	lr =	sadd.s32 s0, s3;
	s0 =	sld [smem:$0x3FA5]  }
0x30: {  	s3 =	sld [smem:$0x3FA8]  }
0x31: {  	[smem:$0x3FB1] =	sst s10  }
0x32: {  	s10 =	sld [smem:$0x3FAF];
	_ =	sdelay $0x3  }
0x33: {  	p0 =	seq.s32 s10, $0x1;
	s10 =	sld [smem:$0x3FB1];
	_ =	sdelay $0x3  }
0x34: {  	[smem:$0x3FB1] =	sst s10  }
0x35: {  	s10 =	sld [smem:$0x3FB0];
	_ =	sdelay $0x3  }
0x36: {  	p1 =	seq.s32 s10, $0x1;
	s10 =	sld [smem:$0x3FB1];
	_ =	sdelay $0x3  }
0x37: {  	[smem:$0x3FB1] =	sst s10  }
0x38: {  	s10 =	sld [smem:$0x3FB2]  }
0x39: {  	_ = 	snop;
	(pc) =	sbr.ind lr, $3  }
0x3a: {  	_ = 	snop  }
0x3b: {  	_ = 	snop  }
0x3c: {  	p2 =	seq.s32 s10, $0x1;
	s10 =	sld [smem:$0x3FB1]  }
0x3d: {  	_ =	shalt  }
0x3e: {  	_ =	shalt  }
0x3f: {  	_ =	shalt  }
0x40: {  	_ =	shalt  }
0x41: {  	_ =	shalt  }
0x42: {  	_ =	shalt  }
0x43: {  	_ =	shalt  }
0x44: {  	_ =	shalt  }
0x45: {  	_ =	shalt  }
0x46: {  	_ =	shalt  }
0x47: {  	_ =	shalt  }
0x48: {  	_ =	shalt  }
0x49: {  	_ =	shalt  }
0x4a: {  	_ =	shalt  }
0x4b: {  	_ =	shalt  }
0x4c: {  	_ =	shalt  }
0x4d: {  	_ =	shalt  }
0x4e: {  	_ =	shalt  }
0x4f: {  	_ =	shalt  }
0x50: {  	_ =	shalt  }
0x51: {  	_ =	shalt  }
0x52: {  	_ =	shalt  }
0x53: {  	_ =	shalt  }
0x54: {  	_ =	shalt  }
0x55: {  	_ =	shalt  }
0x56: {  	_ =	shalt  }
0x57: {  	_ =	shalt  }
0x58: {  	_ =	shalt  }
0x59: {  	_ =	shalt  }
0x5a: {  	_ =	shalt  }
0x5b: {  	_ =	shalt  }
0x5c: {  	_ =	shalt  }
0x5d: {  	_ =	shalt  }
0x5e: {  	_ =	shalt  }
0x5f: {  	_ =	shalt  }
0x60: {  	_ =	shalt  }
0x61: {  	_ =	shalt  }
0x62: {  	_ =	shalt  }
0x63: {  	_ =	shalt  }
0x64: {  	_ =	shalt  }
0x65: {  	_ =	shalt  }
0x66: {  	_ =	shalt  }
0x67: {  	_ =	shalt  }
0x68: {  	_ =	shalt  }
0x69: {  	_ =	shalt  }
0x6a: {  	_ =	shalt  }
0x6b: {  	_ =	shalt  }
0x6c: {  	_ =	shalt  }
0x6d: {  	_ =	shalt  }
0x6e: {  	_ =	shalt  }
0x6f: {  	_ =	shalt  }
0x70: {  	_ =	shalt  }
0x71: {  	_ =	shalt  }
0x72: {  	_ =	shalt  }
0x73: {  	_ =	shalt  }
0x74: {  	_ =	shalt  }
0x75: {  	_ =	shalt  }
0x76: {  	_ =	shalt  }
0x77: {  	_ =	shalt  }
0x78: {  	_ =	shalt  }
0x79: {  	_ =	shalt  }
0x7a: {  	_ =	shalt  }
0x7b: {  	_ =	shalt  }
0x7c: {  	_ =	shalt  }
0x7d: {  	_ =	shalt  }
0x7e: {  	_ =	shalt  }
0x7f: {  	_ =	shalt  }
0x80: {  	_ =	shalt  }
0x81: {  	_ =	shalt  }
0x82: {  	_ =	shalt  }
0x83: {  	_ =	shalt  }
0x84: {  	_ =	shalt  }
0x85: {  	_ =	shalt  }
0x86: {  	_ =	shalt  }
0x87: {  	_ =	shalt  }
.Lfunc_end0:
.L_simem_size_0:
called_computation_lowered:
.L_overlay_start_0:
0x88: {  	s2 =	sld [smem:$0x3FD9]  }
0x89: {  	s3 =	sld [smem:$0x3FFE];
	_ =	sdelay $0x1  }
0x8a: {  	s1 =	srdreg.scid  }
0x8b: {  	s0 =	sand.u32 $0x1, s1  }
0x8c: {  	s17 =	sshll.u32 s0, $0xA;
	s2 =	sadd.s32 s3, s2  }
0x8d: {  	s2 =	sadd.s32 s2, s17  }
0x8e: {  	[smem:$0x3FBD] =	sst s2  }
0x8f: {  	_ = 	snop  }
0x90: {  	s2 =	sld [smem:$0x3FD0];
	(tm) =	ssettm $0x1  }
0x91: {  	s18 =	sld [smem:$0x3FFB];
	_ =	sdelay $0x3  }
0x92: {  	_ =	strace s18  }
0x93: {  	s3 =	sld [smem:$0x3FFC];
	_ =	sdelay $0x3  }
0x94: {  	_ =	strace s3  }
0x95: {  	s3 =	sld [smem:$0x3FFD];
	_ =	sdelay $0x3  }
0x96: {  	_ =	strace s3  }
0x97: {  	_ =	strace $0x8FFFFFFF  }
0x98: {  	s19 =	sld [smem:$0x3FDB];
	_ =	sdelay $0x1  }
0x99: {  	s4 =	simm.s32 $_scs_section_size  }
0x9a: {  	s5 =	simm.s32 $_size__tile_overlayer_lowered;
	s6 =	simm.s32 $_tile_overlayer_lowered  }
0x9b: {  	s22 =	simm.s32 $0x1BFF;
	s21 =	sshll.u32 s6, $0x1;
	s3 =	sadd.s32 s4, s19  }
0x9c: {  	s7 =	simm.s32 $0x0;
	s20 =	sshll.u32 s5, $0x1;
	s5 =	sadd.s32 s21, s3  }
0x9d: {  	[timem:s7], [sflag:s22] =	dma.local [hbm:s5], s20  }
0x9e: {  	_ =	swait.ge [sflag:s22], s20  }
0x9f: {  	s4 =	ssub.s32 $0x0, s20;
	[sflag:s22] =	ssyncset.done $0x0  }
0xa0: {  	[sflag:s22] =	ssyncadd.s32 s4;
	_ =	sdelay $0x1  }
0xa1: {  	s23 =	simm.s32 $0x1B8B  }
0xa2: {  	_ =	swait.ge [sflag:s23], $0x1  }
0xa3: {  	[sflag:s23] =	ssyncset.done $0x0  }
0xa4: {  	s25 =	simm.s32 $0x1B8E;
	s24 =	sld [smem:$0x3FFE];
	[sflag:s23] =	ssyncadd.s32 $0xFFFFFFFF  }
0xa5: {  	s26 =	simm.s32 $execute0_lowered;
	[smem:$0x3FD2] =	sst s25  }
0xa6: {  	s5 =	sshll.u32 s26, $0x1;
	_ =	strace $0x80000046;
	[dreg:$0x1] =	wrdreg $0xFFFFFFFF  }
0xa7: {  	s28 =	simm.s32 $_size_execute0_lowered;
	s3 =	sadd.s32 s3, s5;
	[dreg:$0x0] =	wrdreg $0x0  }
0xa8: {  	s5 =	sshll.u32 s28, $0x1;
	[dreg:$0x2] =	wrdreg s3  }
0xa9: {  	[dreg:$0x3] =	wrdreg s5  }
0xaa: {  	[dreg:$0x4] =	wrdreg $0xC0  }
0xab: {  	_ =	task [dreg:s7], $0x5FFFF  }
0xac: {  	[dreg:$0x1] =	wrdreg $0xFFFFFFFF  }
0xad: {  	[dreg:$0x0] =	wrdreg $0x60  }
0xae: {  	[dreg:$0x2] =	wrdreg s24  }
0xaf: {  	[dreg:$0x3] =	wrdreg s2  }
0xb0: {  	[dreg:$0x4] =	wrdreg $0x50800  }
0xb1: {  	[dreg:$0x5] =	wrdreg $0x9  }
0xb2: {  	_ =	task.clear_ibuf [dreg:s7], $0x6FFFF;
	_ =	strace $0x90000046  }
0xb3: {  	s29 =	simm.s32 $0x9;
	_ =	strace $0x80000048  }
0xb4: {  	_ =	swait.ge [sflag:s29], $0x1  }
0xb5: {  	[sflag:s29] =	ssyncadd.s32 $0xFFFFFFFF  }
0xb6: {  	_ =	strace $0x90000048  }
0xb7: {  	_ =	sfence  }
0xb8: {  	s30 =	sld [smem:$0x0];
	_ =	sdelay $0x2  }
0xb9: {  	s31 =	sshll.u32 s1, $0xD;
	s1 =	sshrl.u32 s1, $0x2  }
0xba: {  	s3 =	sand.u32 $0x4000, s31;
	s1 =	sadd.s32 s1, s30  }
0xbb: {  	s0 =	sor.u32 s3, s0;
	s1 =	sshll.u32 s1, $0x11  }
0xbc: {  	s0 =	sor.u32 s1, s0  }
0xbd: {  	s0 =	sadd.s32 $0x8F2B, s0  }
0xbe: {  	[sflag:s0] =	ssyncadd.remote.s32 $0x1  }
0xbf: {  	_ =	sfence.sel $0xFFFF  }
0xc0: {  	[dreg:$0x0] =	wrdreg $0xFFFFFFFF;
	(pc) =	sbr.abs _section_cstart, $3  }
0xc1: {  	[dreg:$0x1] =	wrdreg $0xFFFFFFFF  }
0xc2: {  	_ =	task.clear_ibuf [dreg:s7], $0x2FFFF;
	_ =	strace $0x9FFFFFFF  }
0xc3: {  	(tm) =	ssettm $0x7FFFFFFF  }
tec
execute0_lowered:
.L_overlay_start_1:
0x0: {  	(tag) =	ssettag $0x1  }
0x1: {  	s6 =	rddreg [dreg:$0x0]  }
0x2: {  	s7 =	rddreg [dreg:$0x1]  }
0x3: {  	s1 =	rddreg [dreg:$0x2]  }
0x4: {  	s0 =	rddreg [dreg:$0x3];
	s2 =	simm.s32 $0x0  }
0x5: {  	s3 =	srdreg.scid;
	s13 =	simm.s32 $0x2880;
	s14 =	simm.s32 $0x50  }
0x6: {  	s15 =	simm.s32 $0x0;
	[smem:$0x7FF] =	sst s2;
	s5 =	sand.u32 $0x1, s3  }
0x7: {  	s3 =	stileid.u32;
	s4 =	sadd.s32 $0x14200, s6;
	_ =	strace $0x80000047  }
0x8: {  	s8 =	sshll.u32 s5, $0x4;
	s9 =	smul.u32 $0x2800, s5;
	s10 =	ssub.s32 $0x2, s5  }
0x9: {  	s11 =	sshll.u32 s3, $0xA;
	s5 =	sadd.s32 $0x14000, s6;
	s8 =	sor.u32 s3, s8  }
0xa: {  	p0 =	sgt.u32 s3, $0x9;
	s12 =	sshrl.u32 s10, $0x1;
	s8 =	smul.u32 $0x500, s8  }
0xb: {  	s9 =	sadd.s32 s11, s9;
	s10 =	ssub.s32 s10, s12;
	s12 =	sadd.s32 s11, s1  }
0xc: {  	s11 =	sshll.u32 @!p0 s3, $0x6;
	s31 =	sshrl.u32 s9, $0x3;
	s9 =	simm.s32 $0x1  }
0xd: {  	s11 =	sor.u32 @!p0 $0x1C01, s11;
	s12 =	sshrl.u32 @!p0 s12, $0x3;
	s6 =	sadd.s32 s6, s8  }
0xe: {  	v0 =	vimm.f32 $0.0e+00;
	v1 =	vimm.f32 $1.000000000e+00;
	s7 =	sadd.s32 s7, s31;
	s8 =	smax.u32 s10, $0x1;
	s10 =	simm.s32 $0x2800  }
.LBB2_1:
0xf: {  	[tilespmem:s2], [sflag:$0x1] =	stream.linear.gather [hbm4b:s6+s2], $0x2800, $0x38;
	[tilespmem:$0x5300] =	vst v63  }
0x10: {  	_ =	swait.ge [sflag:s9], $0x2800  }
0x11: {  	[sflag:s9] =	ssyncset.done $0x0  }
0x12: {  	[sflag:s9] =	ssyncadd.s32 $0xFFFFD800  }
0x13: {  	[tilespmem:s10], [sflag:$0x1] =	stream.linear.gather [hbm4b:s5+s2], $0x80, $0x38;
	[tilespmem:$0x5300] =	vst v63  }
0x14: {  	_ =	swait.ge [sflag:s9], $0x80  }
0x15: {  	[sflag:s9] =	ssyncset.done $0x0  }
0x16: {  	s16 =	simm.s32 @!p0 $0x1;
	[sflag:s9] =	ssyncadd.s32 $0xFFFFFF80  }
0x17: {  	[spmem:s12], [sflag:s11] =	dma.local @!p0 [hbm:s4], $0x80  }
0x18: {  	_ =	swait.ge @!p0 [sflag:s16], $0x80  }
0x19: {  	[sflag:s16] =	ssyncset.done @!p0 $0x0  }
0x1a: {  	s17 =	simm.s32 $0x0;
	[sflag:s16] =	ssyncadd.s32 @!p0 $0xFFFFFF80;
	s16 =	simm.s32 $0x0  }
.LBB2_2:
0x1b: {  	p1 =	sne.s32 s17, $0x9FC0  }
.Ltmp0:
0x1c: {  	_ = 	snop;
	(pc) =	sbr.rel @p1 .LBB2_2-.Ltmp0, $4  }
0x1d: {  	s18 =	sand.u32 $0xFE00, s17  }
0x1e: {  	s19 =	sand.u32 $0x70, s16;
	s18 =	sshrl.u32 s18, $0x2  }
0x1f: {  	s18 =	sor.u32 s19, s18  }
0x20: {  	s16 =	sadd.s32 $0x10, s16;
	s17 =	sadd.s32 $0x40, s17;
	[tilespmem:s18+$0x2880] =	vst v0  }
0x21: {  	s16 =	simm.s32 $0x0  }
0x22: {  	s17 =	sand.u32 $0xFE00, s16  }
0x23: {  	s16 =	sand.u32 $0x70, s16;
	s17 =	sshrl.u32 s17, $0x2  }
0x24: {  	s16 =	sor.u32 s16, s17  }
0x25: {  	v2 =	vld [tilespmem:s16+$0x0];
	_ =	sdelay $0x4  }
0x26: {  	s18 =	simm.s32 $0x40  }
0x27: {  	s18 =	sand.u32 $0xFE00, s18;
	s17 =	simm.s32 $0x80;
	s16 =	simm.s32 $0x10  }
.LBB2_4:
0x28: {  	p1 =	sne.s32 s17, $0x9FC0;
	s19 =	sand.u32 $0x70, s16;
	s18 =	sshrl.u32 s18, $0x2  }
0x29: {  	s18 =	sor.u32 s19, s18;
	[tilespmem:v2+s13+$0x0] =	vst.idx.add.f32.msk $0xffff, v1  }
0x2a: {  	v2 =	vld [tilespmem:s18+$0x0];
	_ =	sdelay $0x1  }
.Ltmp1:
0x2b: {  	(pc) =	sbr.rel @p1 .LBB2_4-.Ltmp1, $2  }
0x2c: {  	_ =	sdelay $0x2  }
0x2d: {  	s16 =	sadd.s32 $0x10, s16;
	s18 =	sand.u32 $0xFE00, s17;
	s17 =	sadd.s32 $0x40, s17  }
0x2e: {  	_ =	sdelay $0x2  }
0x2f: {  	s16 =	sand.u32 $0x70, s16;
	s17 =	sshrl.u32 s18, $0x2  }
0x30: {  	[tilespmem:v2+s13+$0x0] =	vst.idx.add.f32.msk $0xffff, v1;
	s16 =	sor.u32 s16, s17  }
0x31: {  	v2 =	vld [tilespmem:s16+$0x0];
	_ =	sdelay $0x7  }
0x32: {  	[tilespmem:v2+s13+$0x0] =	vst.idx.add.f32.msk $0xffff, v1  }
0x33: {  	[bflag:$0x0] =	sbarrier.arrive $0xFFFF  }
0x34: {  	[spmem:s1] =	stream.indirect.scatter.add.f32 [tilespmem:s13], [sflag:$0x1], $0x80, s10, s14, $0xb8;
	[tilespmem:$0x5300] =	vst v63  }
0x35: {  	_ =	swait.ge [sflag:s9], $0x2800  }
0x36: {  	s15 =	sadd.s32 $0x1, s15;
	[sflag:s9] =	ssyncset.done $0x0  }
0x37: {  	p1 =	sne.s32 s15, s8;
	[sflag:s9] =	ssyncadd.s32 $0xFFFFD800  }
.Ltmp2:
0x38: {  	s16 =	simm.s32 @!p0 $0x1;
	[bflag:$0x0] =	sbarrier.arrive $0xFFFF;
	(pc) =	sbr.rel @p1 .LBB2_1-.Ltmp2, $4  }
0x39: {  	[hbm:s7], [sflag:s11] =	dma.local @!p0 [spmem:s12], $0x80  }
0x3a: {  	_ =	swait.ge @!p0 [sflag:s16], $0x80  }
0x3b: {  	[sflag:s16] =	ssyncset.done @!p0 $0x0  }
0x3c: {  	[sflag:s16] =	ssyncadd.s32 @!p0 $0xFFFFFF80  }
0x3d: {  	_ =	sfence.sel $0x180000  }
0x3e: {  	[bflag:$0x0] =	sbarrier.arrive $0xFFFF  }
0x3f: {  	p0 =	sne.s32 s3, $0x0;
	_ =	strace $0x90000047  }
0x40: {  	s0 =	sadd.s32 @!p0 $0x100000, s0;
	[bflag:$0x2] =	sbarrier.arrive $0xFFFF  }
0x41: {  	[sflag:s0] =	ssyncadd.tile.s32 @!p0 $0x1;
	_ =	shalt  }
.Lfunc_end2:
_tile_overlayer_lowered:
.L_overlay_start_2:
0x42: {  	(tag) =	ssettag $0x2  }
0x43: {  	s0 =	rddreg [dreg:$0x0];
	s2 =	stileid.u32  }
0x44: {  	s1 =	rddreg [dreg:$0x1];
	p0 =	sne.s32 s2, $0x0  }
0x45: {  	s3 =	rddreg [dreg:$0x2];
	[bflag:$0x3] =	sbarrier.arrive $0xFFFF;
	s2 =	simm.s32 @!p0 $0x1C01  }
0x46: {  	[timem:s3], [sflag:s2] =	dma.local @!p0 [hbm:s0], s1  }
0x47: {  	s0 =	simm.s32 @!p0 $0x1  }
0x48: {  	_ =	swait.ge @!p0 [sflag:s0], s1  }
0x49: {  	s1 =	ssub.s32 @!p0 $0x0, s1;
	[sflag:s0] =	ssyncset.done @!p0 $0x0  }
0x4a: {  	[sflag:s0] =	ssyncadd.s32 @!p0 s1  }
0x4b: {  	[bflag:$0x3] =	sbarrier.arrive $0xFFFF  }
0x4c: {  	_ =	shalt  }

</sc_bundles>
